<compile_context>
chip_gen: v7x
topology: tpu7x:2x2x1
jax: 0.10.2.dev20260603
libtpu: 0.0.44.dev20260713+nightly
codegen_flags: <defaults>
</compile_context>

<pallas_src>
import functools
import math

import jax
import jax.numpy as jnp
from jax import lax
from jax.experimental import pallas as pl
from jax.experimental.pallas import tpu as pltpu
from jax.experimental.pallas import tpu_sc as plsc

F32 = jnp.float32

_GRP = 128
_NW = 32
_BN4 = 784
_BE4 = 2000

_SC_PARAMS = pltpu.CompilerParams(use_tc_tiling_on_sc=False)


def _row_spec(b, d):
    return pl.BlockSpec((b, d), lambda i: (i, 0))


def _full_spec(shape):
    return pl.BlockSpec(shape, lambda i: (0,) * len(shape))



def _proj0_body(x4, wq, wk, wv, wsk, bsk, xk_o, xv_o, xq_o, sk_o):
    x = x4[...]
    xk_o[...] = jnp.dot(x, wk[...], preferred_element_type=F32)
    xv_o[...] = jnp.dot(x, wv[...], preferred_element_type=F32)
    xq_o[...] = jnp.dot(x, wq[...], preferred_element_type=F32)
    sk_o[...] = jnp.dot(x, wsk[...], preferred_element_type=F32) + bsk[...]


def _proj0(x4, wq, wk, wv, wsk, bsk):
    m = x4.shape[0]
    grid = (m // _BN4,)
    out = jax.ShapeDtypeStruct((m, 128), F32)
    return pl.pallas_call(
        _proj0_body,
        grid=grid,
        in_specs=[
            _row_spec(_BN4, x4.shape[1]),
            _full_spec(wq.shape), _full_spec(wk.shape), _full_spec(wv.shape),
            _full_spec(wsk.shape), _full_spec(bsk.shape),
        ],
        out_specs=[_row_spec(_BN4, 128)] * 4,
        out_shape=[out, out, out, out],
    )(x4, wq, wk, wv, wsk, bsk)


def _edge_common(xk, xv, xq, rad, we1bd, be1t, we2bd, selbd, seltbd):
    emb = jnp.dot(
        jax.nn.relu(jnp.dot(rad, we1bd, preferred_element_type=F32) + be1t),
        we2bd, preferred_element_type=F32)
    k = xk * emb
    v = xv * emb
    lg = jnp.dot(xq * k, selbd, preferred_element_type=F32) * (1.0 / math.sqrt(8.0))
    w = jnp.exp(lg)
    wb = jnp.dot(w, seltbd, preferred_element_type=F32)
    return wb * v, w


def _edge0_body(xk4, xv4, xq4, ps4, pd4, rb4, we1bd, be1t, we2bd, selbd,
                seltbd, smat, qtmat, num_o, w_o, dx_o):
    b = xk4.shape[0]
    rel = ps4[...] - pd4[...]
    d2 = jnp.dot(rel * rel, smat[...], preferred_element_type=F32)
    lane = lax.broadcasted_iota(jnp.int32, (1, 32), 1)
    m5 = (lane % 8) == 5
    dist = jnp.where(m5, jnp.sqrt(d2 + 1e-8), 0.0)
    rad = rb4[...] + dist
    num, w = _edge_common(xk4[...], xv4[...], xq4[...], rad, we1bd[...],
                          be1t[...], we2bd[...], selbd[...], seltbd[...])
    num_o[...] = num
    w_o[...] = w
    dx_o[...] = jnp.dot(dist, qtmat[...], preferred_element_type=F32)


def _edge0(xk4, xv4, xq4, ps4, pd4, rb4, we1bd, be1t, we2bd, selbd, seltbd,
           smat, qtmat):
    m = xk4.shape[0]
    grid = (m // _BE4,)
    return pl.pallas_call(
        _edge0_body,
        grid=grid,
        in_specs=[
            _row_spec(_BE4, 128), _row_spec(_BE4, 128), _row_spec(_BE4, 128),
            _row_spec(_BE4, 128), _row_spec(_BE4, 128), _row_spec(_BE4, 32),
            _full_spec(we1bd.shape), _full_spec(be1t.shape),
            _full_spec(we2bd.shape), _full_spec(selbd.shape),
            _full_spec(seltbd.shape), _full_spec(smat.shape),
            _full_spec(qtmat.shape),
        ],
        out_specs=[_row_spec(_BE4, 128), _row_spec(_BE4, 16),
                   _row_spec(_BE4, 128)],
        out_shape=[
            jax.ShapeDtypeStruct((m, 128), F32),
            jax.ShapeDtypeStruct((m, 16), F32),
            jax.ShapeDtypeStruct((m, 128), F32),
        ],
    )(xk4, xv4, xq4, ps4, pd4, rb4, we1bd, be1t, we2bd, selbd, seltbd,
      smat, qtmat)


def _edge1_body(xk4, xv4, xq4, dx4, rb4, we1bd, be1t, we2bd, selbd, seltbd,
                qmat, num_o, w_o):
    rad = rb4[...] + jnp.dot(dx4[...], qmat[...], preferred_element_type=F32)
    num, w = _edge_common(xk4[...], xv4[...], xq4[...], rad, we1bd[...],
                          be1t[...], we2bd[...], selbd[...], seltbd[...])
    num_o[...] = num
    w_o[...] = w


def _edge1(xk4, xv4, xq4, dx4, rb4, we1bd, be1t, we2bd, selbd, seltbd, qmat):
    m = xk4.shape[0]
    grid = (m // _BE4,)
    return pl.pallas_call(
        _edge1_body,
        grid=grid,
        in_specs=[
            _row_spec(_BE4, 128), _row_spec(_BE4, 128), _row_spec(_BE4, 128),
            _row_spec(_BE4, 128), _row_spec(_BE4, 32),
            _full_spec(we1bd.shape), _full_spec(be1t.shape),
            _full_spec(we2bd.shape), _full_spec(selbd.shape),
            _full_spec(seltbd.shape), _full_spec(qmat.shape),
        ],
        out_specs=[_row_spec(_BE4, 128), _row_spec(_BE4, 16)],
        out_shape=[
            jax.ShapeDtypeStruct((m, 128), F32),
            jax.ShapeDtypeStruct((m, 16), F32),
        ],
    )(xk4, xv4, xq4, dx4, rb4, we1bd, be1t, we2bd, selbd, seltbd, qmat)


def _fin_common(pn0, pn1, pd0, pd1, sk, seltbd):
    den = pd0[...] + pd1[...]
    denb = jnp.dot(den, seltbd[...], preferred_element_type=F32) + 1e-9
    return (pn0[...] + pn1[...]) / denb + sk[...]


def _fin0_body(pn0, pn1, pd0, pd1, sk, wq, wk, wv, wsk, bsk, seltbd,
               xk_o, xv_o, xq_o, sk_o):
    h = _fin_common(pn0, pn1, pd0, pd1, sk, seltbd)
    xk_o[...] = jnp.dot(h, wk[...], preferred_element_type=F32)
    xv_o[...] = jnp.dot(h, wv[...], preferred_element_type=F32)
    xq_o[...] = jnp.dot(h, wq[...], preferred_element_type=F32)
    sk_o[...] = jnp.dot(h, wsk[...], preferred_element_type=F32) + bsk[...]


def _fin0(pn0, pn1, pd0, pd1, sk, wq, wk, wv, wsk, bsk, seltbd):
    m = sk.shape[0]
    grid = (m // _BN4,)
    out = jax.ShapeDtypeStruct((m, 128), F32)
    return pl.pallas_call(
        _fin0_body,
        grid=grid,
        in_specs=[
            _row_spec(_BN4, 128), _row_spec(_BN4, 128),
            _row_spec(_BN4, 16), _row_spec(_BN4, 16),
            _row_spec(_BN4, 128),
            _full_spec(wq.shape), _full_spec(wk.shape), _full_spec(wv.shape),
            _full_spec(wsk.shape), _full_spec(bsk.shape),
            _full_spec(seltbd.shape),
        ],
        out_specs=[_row_spec(_BN4, 128)] * 4,
        out_shape=[out, out, out, out],
    )(pn0, pn1, pd0, pd1, sk, wq, wk, wv, wsk, bsk, seltbd)


def _fin1_body(pn0, pn1, pd0, pd1, sk, wout, bout, seltbd, out_o):
    h = _fin_common(pn0, pn1, pd0, pd1, sk, seltbd)
    out_o[...] = jnp.dot(h, wout[...], preferred_element_type=F32) + bout[...]


def _fin1(pn0, pn1, pd0, pd1, sk, wout, bout, seltbd):
    m = sk.shape[0]
    grid = (m // _BN4,)
    return pl.pallas_call(
        _fin1_body,
        grid=grid,
        in_specs=[
            _row_spec(_BN4, 128), _row_spec(_BN4, 128),
            _row_spec(_BN4, 16), _row_spec(_BN4, 16),
            _row_spec(_BN4, 128),
            _full_spec(wout.shape), _full_spec(bout.shape),
            _full_spec(seltbd.shape),
        ],
        out_specs=[_row_spec(_BN4, 128)],
        out_shape=[jax.ShapeDtypeStruct((m, 128), F32)],
    )(pn0, pn1, pd0, pd1, sk, wout, bout, seltbd)[0]



def _sc_gather(src2d, dst2d, xk_t, xv_t, xq_t, pos_t=None):
    g_total = src2d.shape[0]
    e = g_total * _GRP
    n_iter = (g_total + _NW - 1) // _NW
    with_pos = pos_t is not None
    n_out = 5 if with_pos else 3
    mesh = plsc.VectorSubcoreMesh(core_axis_name="c", subcore_axis_name="s")
    out = jax.ShapeDtypeStruct((e, 32), F32)

    @functools.partial(
        pl.kernel,
        mesh=mesh,
        compiler_params=_SC_PARAMS,
        out_type=tuple([out] * n_out),
        scratch_types=[
            pltpu.VMEM((2, _GRP), jnp.int32),
        ] + [pltpu.VMEM((_GRP, 32), F32)] * n_out + [
            pltpu.SemaphoreType.DMA,
            pltpu.SemaphoreType.DMA,
        ],
    )
    def k(*refs):
        if with_pos:
            src_h, dst_h, kt, vt, qt, pt = refs[:6]
            outs = refs[6:11]
            idx_v = refs[11]
            bufs = refs[12:17]
            semg, semw = refs[17], refs[18]
        else:
            src_h, dst_h, kt, vt, qt = refs[:5]
            outs = refs[5:8]
            idx_v = refs[8]
            bufs = refs[9:12]
            semg, semw = refs[12], refs[13]
        cid = lax.axis_index("c")
        sid = lax.axis_index("s")
        w = sid * 2 + cid

        def body(i, carry):
            g = w + i * _NW

            @pl.when(g < g_total)
            def _():
                pltpu.sync_copy(src_h.at[g], idx_v.at[0])
                pltpu.sync_copy(dst_h.at[g], idx_v.at[1])
                cps = [
                    pltpu.async_copy(kt.at[idx_v.at[0]], bufs[0], semg),
                    pltpu.async_copy(vt.at[idx_v.at[0]], bufs[1], semg),
                    pltpu.async_copy(qt.at[idx_v.at[1]], bufs[2], semg),
                ]
                if with_pos:
                    cps.append(pltpu.async_copy(pt.at[idx_v.at[0]], bufs[3], semg))
                    cps.append(pltpu.async_copy(pt.at[idx_v.at[1]], bufs[4], semg))
                for cp in cps:
                    cp.wait()
                wcps = [
                    pltpu.async_copy(bufs[j], outs[j].at[pl.ds(g * _GRP, _GRP)], semw)
                    for j in range(n_out)
                ]
                for cp in wcps:
                    cp.wait()

            return carry

        lax.fori_loop(0, n_iter, body, 0)

    if with_pos:
        return k(src2d, dst2d, xk_t, xv_t, xq_t, pos_t)
    return k(src2d, dst2d, xk_t, xv_t, xq_t)


def _sc_scatter(num_lin, w_lin, dst2d, zeros32, zeros4):
    g_total = dst2d.shape[0]
    n_iter = (g_total + _NW - 1) // _NW
    n_pad = zeros32.shape[0]
    rpt = n_pad // 16
    mesh = plsc.VectorSubcoreMesh(core_axis_name="c", subcore_axis_name="s")

    @functools.partial(
        pl.kernel,
        mesh=mesh,
        compiler_params=_SC_PARAMS,
        out_type=(
            jax.ShapeDtypeStruct((2, n_pad, 32), F32),
            jax.ShapeDtypeStruct((2, n_pad, 4), F32),
        ),
        scratch_types=[
            pltpu.VMEM((1, _GRP), jnp.int32),
            pltpu.VMEM((_GRP, 32), F32),
            pltpu.VMEM((_GRP, 4), F32),
            pltpu.VMEM_SHARED((n_pad, 32), F32),
            pltpu.VMEM_SHARED((n_pad, 4), F32),
            pltpu.SemaphoreType.DMA,
        ],
    )
    def k(num_h, w_h, dst_h, z32_h, z4_h, on_h, od_h, idx_v, rbn_v, rbd_v,
          accn, accd, sem):
        cid = lax.axis_index("c")
        sid = lax.axis_index("s")
        w = sid * 2 + cid

        pltpu.sync_copy(z32_h.at[pl.ds(sid * rpt, rpt)],
                        accn.at[pl.ds(sid * rpt, rpt)])
        pltpu.sync_copy(z4_h.at[pl.ds(sid * rpt, rpt)],
                        accd.at[pl.ds(sid * rpt, rpt)])
        plsc.subcore_barrier()

        def body(i, carry):
            g = w + i * _NW

            @pl.when(g < g_total)
            def _():
                pltpu.sync_copy(dst_h.at[g], idx_v.at[0])
                cp1 = pltpu.async_copy(num_h.at[pl.ds(g * _GRP, _GRP)], rbn_v, sem)
                cp2 = pltpu.async_copy(w_h.at[pl.ds(g * _GRP, _GRP)], rbd_v, sem)
                cp1.wait()
                cp2.wait()
                pltpu.sync_copy(rbn_v, accn.at[idx_v.at[0]], add=True)
                pltpu.sync_copy(rbd_v, accd.at[idx_v.at[0]], add=True)

            return carry

        lax.fori_loop(0, n_iter, body, 0)
        plsc.subcore_barrier()
        pltpu.sync_copy(accn.at[pl.ds(sid * rpt, rpt)],
                        on_h.at[cid, pl.ds(sid * rpt, rpt)])
        pltpu.sync_copy(accd.at[pl.ds(sid * rpt, rpt)],
                        od_h.at[cid, pl.ds(sid * rpt, rpt)])

    return k(num_lin, w_lin, dst2d, zeros32, zeros4)



def kernel(node_attr, pos, edge_attr, edge_index, Wq0, Wk0, Wv0, We1_0, be1_0,
           We2_0, Wskip0, bskip0, Wq1, Wk1, Wv1, We1_1, be1_1, We2_1, Wskip1,
           bskip1, Wout, bout):
    n = node_attr.shape[0]
    e = edge_attr.shape[0]
    c = Wout.shape[0]
    e4 = e // 4
    n4 = n // 4
    n_pad = ((n + 3135) // 3136) * 3136

    src2d = edge_index[0].reshape(e // _GRP, _GRP)
    dst2d = edge_index[1].reshape(e // _GRP, _GRP)

    eye4 = jnp.eye(4, dtype=F32)
    sel = jnp.repeat(eye4, 8, axis=0)
    selbd = jnp.kron(eye4, sel)
    seltbd = jnp.kron(eye4, sel.T)

    def bd(wmat):
        return jnp.kron(eye4, wmat)

    we1p0 = jnp.zeros((8, c), F32).at[:6].set(We1_0)
    we1p1 = jnp.zeros((8, c), F32).at[:6].set(We1_1)

    smat = jnp.zeros((128, 32), F32)
    qtmat = jnp.zeros((32, 128), F32)
    qmat = jnp.zeros((128, 32), F32)
    for j in range(4):
        for t in range(3):
            smat = smat.at[32 * j + t, 8 * j + 5].set(1.0)
        qtmat = qtmat.at[8 * j + 5, 32 * j].set(1.0)
        qmat = qmat.at[32 * j, 8 * j + 5].set(1.0)

    x4 = jnp.pad(node_attr, ((0, n_pad - n), (0, 1))).reshape(n_pad // 4, 64)
    pos32 = jnp.pad(pos, ((0, 0), (0, 29)))
    rb4 = jnp.pad(edge_attr, ((0, 0), (0, 3))).reshape(e4, 32)
    zeros32 = jnp.zeros((n_pad, 32), F32)
    zeros4 = jnp.zeros((n_pad, 4), F32)

    def tile4(b):
        return jnp.tile(b.reshape(1, c), (1, 4)).reshape(1, 4 * c)

    xk0p, xv0p, xq0p, sk0p = _proj0(
        x4,
        bd(jnp.pad(Wq0, ((0, 1), (0, 0)))),
        bd(jnp.pad(Wk0, ((0, 1), (0, 0)))),
        bd(jnp.pad(Wv0, ((0, 1), (0, 0)))),
        bd(jnp.pad(Wskip0, ((0, 1), (0, 0)))),
        tile4(bskip0),
    )
    gxk, gxv, gxq, gps, gpd = _sc_gather(
        src2d, dst2d,
        xk0p.reshape(n_pad, 32), xv0p.reshape(n_pad, 32),
        xq0p.reshape(n_pad, 32), pos32)
    num0, w0, dx = _edge0(
        gxk.reshape(e4, 128), gxv.reshape(e4, 128), gxq.reshape(e4, 128),
        gps.reshape(e4, 128), gpd.reshape(e4, 128), rb4,
        bd(we1p0), tile4(be1_0), bd(We2_0), selbd, seltbd, smat, qtmat)
    pn, pd_ = _sc_scatter(num0.reshape(e, 32), w0.reshape(e, 4), dst2d,
                          zeros32, zeros4)

    xk1p, xv1p, xq1p, sk1p = _fin0(
        pn[0].reshape(n_pad // 4, 128),
        pn[1].reshape(n_pad // 4, 128),
        pd_[0].reshape(n_pad // 4, 16),
        pd_[1].reshape(n_pad // 4, 16),
        sk0p,
        bd(Wq1), bd(Wk1), bd(Wv1), bd(Wskip1), tile4(bskip1), seltbd)
    gxk1, gxv1, gxq1 = _sc_gather(
        src2d, dst2d,
        xk1p.reshape(n_pad, 32), xv1p.reshape(n_pad, 32),
        xq1p.reshape(n_pad, 32))
    num1, w1 = _edge1(
        gxk1.reshape(e4, 128), gxv1.reshape(e4, 128), gxq1.reshape(e4, 128),
        dx, rb4,
        bd(we1p1), tile4(be1_1), bd(We2_1), selbd, seltbd, qmat)
    pn1, pd1 = _sc_scatter(num1.reshape(e, 32), w1.reshape(e, 4), dst2d,
                           zeros32, zeros4)

    out4 = _fin1(
        pn1[0].reshape(n_pad // 4, 128),
        pn1[1].reshape(n_pad // 4, 128),
        pd1[0].reshape(n_pad // 4, 16),
        pd1[1].reshape(n_pad // 4, 16),
        sk1p,
        bd(Wout), tile4(bout), seltbd)

    return out4.reshape(n_pad, 32)[:n]

# --- scband reference (transcript-rebuilt; emitter-appended) ---
"""Pipeline reference for scband-ligand-se3-20770461843836 (READ-ONLY COPY).

The authoritative reference and input builder live on the scoring server;
editing this copy changes nothing except your own understanding.
"""

import jax, jax.numpy as jnp
import numpy as np

N = 50000
E = 800000
D_IN = 15
D_EDGE = 5
C = 32
H = 4
DH = C // H

def _p(k, shape):
    return jax.random.normal(k, shape, jnp.float32) * 0.1

def setup_inputs(seed: int = 0):
    key = jax.random.key(seed)
    ks = jax.random.split(key, 24)
    inp = {}
    inp["node_attr"] = jax.random.normal(ks[0], (N, D_IN), jnp.float32)
    inp["pos"] = jax.random.normal(ks[1], (N, 3), jnp.float32) * 10.0
    inp["edge_attr"] = jax.random.normal(ks[2], (E, D_EDGE), jnp.float32)
    inp["edge_index"] = jax.random.randint(ks[3], (2, E), 0, N, jnp.int32)
    dims = [D_IN, C]
    i = 4
    for l in range(2):
        d = dims[l]
        inp["Wq%d" % l] = _p(ks[i], (d, H * DH)); i += 1
        inp["Wk%d" % l] = _p(ks[i], (d, H * DH)); i += 1
        inp["Wv%d" % l] = _p(ks[i], (d, H * DH)); i += 1
        inp["We1_%d" % l] = _p(ks[i], (D_EDGE + 1, C)); i += 1
        inp["be1_%d" % l] = jnp.zeros((C,), jnp.float32)
        inp["We2_%d" % l] = _p(ks[i], (C, H * DH)); i += 1
        inp["Wskip%d" % l] = _p(ks[i], (d, C)); i += 1
        inp["bskip%d" % l] = jnp.zeros((C,), jnp.float32)
    inp["Wout"] = _p(ks[i], (C, C)); i += 1
    inp["bout"] = jnp.zeros((C,), jnp.float32)
    return inp

def _layer(x, pos, edge_attr, src, dst, Wq, Wk, Wv, We1, be1, We2, Wskip, bskip):
    n = x.shape[0]
    e = src.shape[0]
    rel = pos[src] - pos[dst]
    dist = jnp.sqrt(jnp.sum(rel * rel, -1, keepdims=True) + 1e-8)
    radial = jnp.concatenate([edge_attr, dist], axis=-1)
    emb = jax.nn.relu(radial @ We1 + be1) @ We2
    q = (x @ Wq).reshape(n, H, DH)
    k = (x[src] @ Wk).reshape(e, H, DH) * emb.reshape(e, H, DH)
    v = (x[src] @ Wv).reshape(e, H, DH) * emb.reshape(e, H, DH)
    logits = jnp.sum(q[dst] * k, -1) / np.sqrt(DH)
    m = jax.ops.segment_max(logits, dst, num_segments=n)
    m = jnp.where(jnp.isfinite(m), m, 0.0)
    ex = jnp.exp(logits - m[dst])
    denom = jax.ops.segment_sum(ex, dst, num_segments=n) + 1e-9
    alpha = ex / denom[dst]
    out = jax.ops.segment_sum(alpha[:, :, None] * v, dst, num_segments=n).reshape(n, H * DH)
    return out + x @ Wskip + bskip

def reference(node_attr, pos, edge_attr, edge_index, Wq0, Wk0, Wv0, We1_0, be1_0, We2_0, Wskip0, bskip0, Wq1, Wk1, Wv1, We1_1, be1_1, We2_1, Wskip1, bskip1, Wout, bout):
    src = edge_index[0]
    dst = edge_index[1]
    h = _layer(node_attr, pos, edge_attr, src, dst, Wq0, Wk0, Wv0, We1_0, be1_0, We2_0, Wskip0, bskip0)
    h = _layer(h, pos, edge_attr, src, dst, Wq1, Wk1, Wv1, We1_1, be1_1, We2_1, Wskip1, bskip1)
    return h @ Wout + bout

if __name__ == "__main__":
    import jax
    _d = setup_inputs()
    print(jax.jit(kernel)(*tuple(_d.values())))

</pallas_src>

<mosaic_0001>
#map = affine_map<(d0, d1) -> (0, 0)>
#map1 = affine_map<(d0, d1) -> (0, 0, 0)>
module attributes {stable_mosaic.version = 14 : i64} {
  func.func @k(%arg0: i32, %arg1: i32, %arg2: memref<800000x32xf32, #tpu.memory_space<hbm>>, %arg3: memref<800000x4xf32, #tpu.memory_space<hbm>>, %arg4: memref<6250x128xi32, #tpu.memory_space<hbm>>, %arg5: memref<50176x32xf32, #tpu.memory_space<hbm>>, %arg6: memref<50176x4xf32, #tpu.memory_space<hbm>>, %arg7: memref<2x50176x32xf32, #tpu.memory_space<hbm>>, %arg8: memref<2x50176x4xf32, #tpu.memory_space<hbm>>, %arg9: memref<1x128xi32, #tpu.memory_space<vmem>>, %arg10: memref<128x32xf32, #tpu.memory_space<vmem>>, %arg11: memref<128x4xf32, #tpu.memory_space<vmem>>, %arg12: memref<50176x32xf32, #tpu.memory_space<vmem_shared>>, %arg13: memref<50176x4xf32, #tpu.memory_space<vmem_shared>>, %arg14: memref<!tpu.dma_semaphore, #tpu.memory_space<semaphore_mem>>) attributes {dimension_semantics = [#tpu.dimension_semantics<core_parallel>, #tpu.dimension_semantics<subcore_parallel>], iteration_bounds = array<i64: 2, 16>, scalar_prefetch = 0 : i64, scratch_operands = 6 : i64, tpu.core_type = #tpu.core_type<sc_vector_subcore>, window_params = [{transform_indices = #map}, {transform_indices = #map}, {transform_indices = #map}, {transform_indices = #map}, {transform_indices = #map}, {transform_indices = #map1}, {transform_indices = #map1}]} {
    %mul3A = arith.constant 2 : i32
    %mul3A_0 = arith.muli %arg1, %mul3A : i32
    %add3A = arith.addi %mul3A_0, %arg0 : i32
    %mul3A_1 = arith.constant 3136 : i32
    %mul3A_2 = arith.muli %arg1, %mul3A_1 : i32
    %mul3A_3 = arith.constant 3136 : i32
    %mul3A_4 = arith.muli %arg1, %mul3A_3 : i32
    "tpu.region"() ({
      %run_scoped3A = tpu.sem_alloc : memref<!tpu.dma_semaphore, #tpu.memory_space<semaphore_mem>>
      %dma_start3A = arith.constant 0 : i32
      %dma_start3A_23 = tpu.memref_slice %arg12[%mul3A_4, %dma_start3A] : memref<50176x32xf32, #tpu.memory_space<vmem_shared>> -> memref<3136x32xf32, #tpu.memory_space<vmem_shared>>
      %dma_start3A_24 = arith.constant 0 : i32
      %dma_start3A_25 = tpu.memref_slice %arg5[%mul3A_2, %dma_start3A_24] : memref<50176x32xf32, #tpu.memory_space<hbm>> -> memref<3136x32xf32, #tpu.memory_space<hbm>>
      tpu.enqueue_dma source(%dma_start3A_25 : memref<3136x32xf32, #tpu.memory_space<hbm>>) target(%dma_start3A_23 : memref<3136x32xf32, #tpu.memory_space<vmem_shared>>) target_semaphore(%run_scoped3A : memref<!tpu.dma_semaphore, #tpu.memory_space<semaphore_mem>>)
      %dma_wait3A = arith.constant 0 : i32
      %dma_wait3A_26 = tpu.memref_slice %arg12[%mul3A_4, %dma_wait3A] : memref<50176x32xf32, #tpu.memory_space<vmem_shared>> -> memref<3136x32xf32, #tpu.memory_space<vmem_shared>>
      %dma_wait3A_27 = arith.constant 0 : i32
      %dma_wait3A_28 = tpu.memref_slice %arg5[%mul3A_2, %dma_wait3A_27] : memref<50176x32xf32, #tpu.memory_space<hbm>> -> memref<3136x32xf32, #tpu.memory_space<hbm>>
      tpu.wait_dma2 semaphore(%run_scoped3A : memref<!tpu.dma_semaphore, #tpu.memory_space<semaphore_mem>>) src(%dma_wait3A_28 : memref<3136x32xf32, #tpu.memory_space<hbm>>) dst(%dma_wait3A_26 : memref<3136x32xf32, #tpu.memory_space<vmem_shared>>)
      tpu.yield
    }) : () -> ()
    %mul3A_5 = arith.constant 3136 : i32
    %mul3A_6 = arith.muli %arg1, %mul3A_5 : i32
    %mul3A_7 = arith.constant 3136 : i32
    %mul3A_8 = arith.muli %arg1, %mul3A_7 : i32
    "tpu.region"() ({
      %run_scoped3A = tpu.sem_alloc : memref<!tpu.dma_semaphore, #tpu.memory_space<semaphore_mem>>
      %dma_start3A = arith.constant 0 : i32
      %dma_start3A_23 = tpu.memref_slice %arg13[%mul3A_8, %dma_start3A] : memref<50176x4xf32, #tpu.memory_space<vmem_shared>> -> memref<3136x4xf32, #tpu.memory_space<vmem_shared>>
      %dma_start3A_24 = arith.constant 0 : i32
      %dma_start3A_25 = tpu.memref_slice %arg6[%mul3A_6, %dma_start3A_24] : memref<50176x4xf32, #tpu.memory_space<hbm>> -> memref<3136x4xf32, #tpu.memory_space<hbm>>
      tpu.enqueue_dma source(%dma_start3A_25 : memref<3136x4xf32, #tpu.memory_space<hbm>>) target(%dma_start3A_23 : memref<3136x4xf32, #tpu.memory_space<vmem_shared>>) target_semaphore(%run_scoped3A : memref<!tpu.dma_semaphore, #tpu.memory_space<semaphore_mem>>)
      %dma_wait3A = arith.constant 0 : i32
      %dma_wait3A_26 = tpu.memref_slice %arg13[%mul3A_8, %dma_wait3A] : memref<50176x4xf32, #tpu.memory_space<vmem_shared>> -> memref<3136x4xf32, #tpu.memory_space<vmem_shared>>
      %dma_wait3A_27 = arith.constant 0 : i32
      %dma_wait3A_28 = tpu.memref_slice %arg6[%mul3A_6, %dma_wait3A_27] : memref<50176x4xf32, #tpu.memory_space<hbm>> -> memref<3136x4xf32, #tpu.memory_space<hbm>>
      tpu.wait_dma2 semaphore(%run_scoped3A : memref<!tpu.dma_semaphore, #tpu.memory_space<semaphore_mem>>) src(%dma_wait3A_28 : memref<3136x4xf32, #tpu.memory_space<hbm>>) dst(%dma_wait3A_26 : memref<3136x4xf32, #tpu.memory_space<vmem_shared>>)
      tpu.yield
    }) : () -> ()
    %barrier3A = arith.constant 0 : index
    tpu.barrier barrier_id(%barrier3A)
    %scan3A = arith.constant 0 : i32
    %scan3A_9 = arith.constant 0 : i32
    %scan3A_10 = arith.constant 196 : i32
    %scan3A_11 = arith.addi %scan3A_9, %scan3A_10 : i32
    %scan3A_12 = arith.constant 1 : i32
    scf.for %scan3A_23 = %scan3A_9 to %scan3A_11 step %scan3A_12  : i32 {
      %mul3A_24 = arith.constant 32 : i32
      %mul3A_25 = arith.muli %scan3A_23, %mul3A_24 : i32
      %add3A_26 = arith.addi %add3A, %mul3A_25 : i32
      %lt3A = arith.constant 6250 : i32
      %lt3A_27 = arith.cmpi slt, %add3A_26, %lt3A : i32
      %convert_element_type3A = arith.extui %lt3A_27 : i1 to i32
      %cond3A = arith.constant 0 : i32
      %cond3A_28 = arith.cmpi ne, %convert_element_type3A, %cond3A : i32
      scf.if %cond3A_28 {
        %run_scoped3A = arith.constant 0 : i32
        "tpu.region"() ({
          %run_scoped3A_49 = tpu.sem_alloc : memref<!tpu.dma_semaphore, #tpu.memory_space<semaphore_mem>>
          %dma_start3A_50 = arith.constant 0 : i32
          %dma_start3A_51 = tpu.memref_slice %arg9[%run_scoped3A, %dma_start3A_50] : memref<1x128xi32, #tpu.memory_space<vmem>> -> memref<1x128xi32, #tpu.memory_space<vmem>>
          %dma_start3A_52 = tpu.memref_squeeze %dma_start3A_51 : memref<1x128xi32, #tpu.memory_space<vmem>> -> memref<128xi32, #tpu.memory_space<vmem>>
          %dma_start3A_53 = arith.constant 0 : i32
          %dma_start3A_54 = tpu.memref_slice %arg4[%add3A_26, %dma_start3A_53] : memref<6250x128xi32, #tpu.memory_space<hbm>> -> memref<1x128xi32, #tpu.memory_space<hbm>>
          %dma_start3A_55 = tpu.memref_squeeze %dma_start3A_54 : memref<1x128xi32, #tpu.memory_space<hbm>> -> memref<128xi32, #tpu.memory_space<hbm>>
          %dma_start3A_56 = arith.constant 0 : i32
          %dma_start3A_57 = tpu.memref_slice %arg9[%run_scoped3A, %dma_start3A_56] : memref<1x128xi32, #tpu.memory_space<vmem>> -> memref<1x128xi32, #tpu.memory_space<vmem>>
          %dma_start3A_58 = tpu.memref_squeeze %dma_start3A_57 : memref<1x128xi32, #tpu.memory_space<vmem>> -> memref<128xi32, #tpu.memory_space<vmem>>
          %dma_start3A_59 = arith.constant 0 : i32
          %dma_start3A_60 = tpu.memref_slice %arg4[%add3A_26, %dma_start3A_59] : memref<6250x128xi32, #tpu.memory_space<hbm>> -> memref<1x128xi32, #tpu.memory_space<hbm>>
          %dma_start3A_61 = tpu.memref_squeeze %dma_start3A_60 : memref<1x128xi32, #tpu.memory_space<hbm>> -> memref<128xi32, #tpu.memory_space<hbm>>
          tpu.enqueue_dma source(%dma_start3A_61 : memref<128xi32, #tpu.memory_space<hbm>>) target(%dma_start3A_58 : memref<128xi32, #tpu.memory_space<vmem>>) target_semaphore(%run_scoped3A_49 : memref<!tpu.dma_semaphore, #tpu.memory_space<semaphore_mem>>)
          %dma_wait3A_62 = arith.constant 0 : i32
          %dma_wait3A_63 = tpu.memref_slice %arg9[%run_scoped3A, %dma_wait3A_62] : memref<1x128xi32, #tpu.memory_space<vmem>> -> memref<1x128xi32, #tpu.memory_space<vmem>>
          %dma_wait3A_64 = tpu.memref_squeeze %dma_wait3A_63 : memref<1x128xi32, #tpu.memory_space<vmem>> -> memref<128xi32, #tpu.memory_space<vmem>>
          %dma_wait3A_65 = arith.constant 0 : i32
          %dma_wait3A_66 = tpu.memref_slice %arg4[%add3A_26, %dma_wait3A_65] : memref<6250x128xi32, #tpu.memory_space<hbm>> -> memref<1x128xi32, #tpu.memory_space<hbm>>
          %dma_wait3A_67 = tpu.memref_squeeze %dma_wait3A_66 : memref<1x128xi32, #tpu.memory_space<hbm>> -> memref<128xi32, #tpu.memory_space<hbm>>
          %dma_wait3A_68 = arith.constant 0 : i32
          %dma_wait3A_69 = tpu.memref_slice %arg9[%run_scoped3A, %dma_wait3A_68] : memref<1x128xi32, #tpu.memory_space<vmem>> -> memref<1x128xi32, #tpu.memory_space<vmem>>
          %dma_wait3A_70 = tpu.memref_squeeze %dma_wait3A_69 : memref<1x128xi32, #tpu.memory_space<vmem>> -> memref<128xi32, #tpu.memory_space<vmem>>
          %dma_wait3A_71 = arith.constant 0 : i32
          %dma_wait3A_72 = tpu.memref_slice %arg4[%add3A_26, %dma_wait3A_71] : memref<6250x128xi32, #tpu.memory_space<hbm>> -> memref<1x128xi32, #tpu.memory_space<hbm>>
          %dma_wait3A_73 = tpu.memref_squeeze %dma_wait3A_72 : memref<1x128xi32, #tpu.memory_space<hbm>> -> memref<128xi32, #tpu.memory_space<hbm>>
          tpu.wait_dma2 semaphore(%run_scoped3A_49 : memref<!tpu.dma_semaphore, #tpu.memory_space<semaphore_mem>>) src(%dma_wait3A_73 : memref<128xi32, #tpu.memory_space<hbm>>) dst(%dma_wait3A_70 : memref<128xi32, #tpu.memory_space<vmem>>)
          tpu.yield
        }) : () -> ()
        %mul3A_29 = arith.constant 128 : i32
        %mul3A_30 = arith.muli %add3A_26, %mul3A_29 : i32
        %dma_start3A = arith.constant 0 : i32
        %dma_start3A_31 = tpu.memref_slice %arg2[%mul3A_30, %dma_start3A] : memref<800000x32xf32, #tpu.memory_space<hbm>> -> memref<128x32xf32, #tpu.memory_space<hbm>>
        %dma_start3A_32 = arith.constant 0 : i32
        %dma_start3A_33 = tpu.memref_slice %arg2[%mul3A_30, %dma_start3A_32] : memref<800000x32xf32, #tpu.memory_space<hbm>> -> memref<128x32xf32, #tpu.memory_space<hbm>>
        tpu.enqueue_dma source(%dma_start3A_33 : memref<128x32xf32, #tpu.memory_space<hbm>>) target(%arg10 : memref<128x32xf32, #tpu.memory_space<vmem>>) target_semaphore(%arg14 : memref<!tpu.dma_semaphore, #tpu.memory_space<semaphore_mem>>)
        %mul3A_34 = arith.constant 128 : i32
        %mul3A_35 = arith.muli %add3A_26, %mul3A_34 : i32
        %dma_start3A_36 = arith.constant 0 : i32
        %dma_start3A_37 = tpu.memref_slice %arg3[%mul3A_35, %dma_start3A_36] : memref<800000x4xf32, #tpu.memory_space<hbm>> -> memref<128x4xf32, #tpu.memory_space<hbm>>
        %dma_start3A_38 = arith.constant 0 : i32
        %dma_start3A_39 = tpu.memref_slice %arg3[%mul3A_35, %dma_start3A_38] : memref<800000x4xf32, #tpu.memory_space<hbm>> -> memref<128x4xf32, #tpu.memory_space<hbm>>
        tpu.enqueue_dma source(%dma_start3A_39 : memref<128x4xf32, #tpu.memory_space<hbm>>) target(%arg11 : memref<128x4xf32, #tpu.memory_space<vmem>>) target_semaphore(%arg14 : memref<!tpu.dma_semaphore, #tpu.memory_space<semaphore_mem>>)
        %dma_wait3A = arith.constant 0 : i32
        %dma_wait3A_40 = tpu.memref_slice %arg2[%mul3A_30, %dma_wait3A] : memref<800000x32xf32, #tpu.memory_space<hbm>> -> memref<128x32xf32, #tpu.memory_space<hbm>>
        %dma_wait3A_41 = arith.constant 0 : i32
        %dma_wait3A_42 = tpu.memref_slice %arg2[%mul3A_30, %dma_wait3A_41] : memref<800000x32xf32, #tpu.memory_space<hbm>> -> memref<128x32xf32, #tpu.memory_space<hbm>>
        tpu.wait_dma2 semaphore(%arg14 : memref<!tpu.dma_semaphore, #tpu.memory_space<semaphore_mem>>) src(%dma_wait3A_42 : memref<128x32xf32, #tpu.memory_space<hbm>>) dst(%arg10 : memref<128x32xf32, #tpu.memory_space<vmem>>)
        %dma_wait3A_43 = arith.constant 0 : i32
        %dma_wait3A_44 = tpu.memref_slice %arg3[%mul3A_35, %dma_wait3A_43] : memref<800000x4xf32, #tpu.memory_space<hbm>> -> memref<128x4xf32, #tpu.memory_space<hbm>>
        %dma_wait3A_45 = arith.constant 0 : i32
        %dma_wait3A_46 = tpu.memref_slice %arg3[%mul3A_35, %dma_wait3A_45] : memref<800000x4xf32, #tpu.memory_space<hbm>> -> memref<128x4xf32, #tpu.memory_space<hbm>>
        tpu.wait_dma2 semaphore(%arg14 : memref<!tpu.dma_semaphore, #tpu.memory_space<semaphore_mem>>) src(%dma_wait3A_46 : memref<128x4xf32, #tpu.memory_space<hbm>>) dst(%arg11 : memref<128x4xf32, #tpu.memory_space<vmem>>)
        %run_scoped3A_47 = arith.constant 0 : i32
        "tpu.region"() ({
          %run_scoped3A_49 = tpu.sem_alloc : memref<!tpu.dma_semaphore, #tpu.memory_space<semaphore_mem>>
          %dma_start3A_50 = arith.constant 0 : i32
          %dma_start3A_51 = tpu.memref_slice %arg9[%run_scoped3A_47, %dma_start3A_50] : memref<1x128xi32, #tpu.memory_space<vmem>> -> memref<1x128xi32, #tpu.memory_space<vmem>>
          %dma_start3A_52 = tpu.memref_squeeze %dma_start3A_51 : memref<1x128xi32, #tpu.memory_space<vmem>> -> memref<128xi32, #tpu.memory_space<vmem>>
          %dma_start3A_53 = arith.constant 0 : i32
          %dma_start3A_54 = arith.constant 0 : i32
          %dma_start3A_55 = tpu.memref_slice %arg12[%dma_start3A_53, %dma_start3A_54] : memref<50176x32xf32, #tpu.memory_space<vmem_shared>> -> memref<50176x32xf32, #tpu.memory_space<vmem_shared>>
          tpu.enqueue_indirect_dma source(%arg10 : memref<128x32xf32, #tpu.memory_space<vmem>>) target(%dma_start3A_55 : memref<50176x32xf32, #tpu.memory_space<vmem_shared>>) offsets(%dma_start3A_52 : memref<128xi32, #tpu.memory_space<vmem>>) semaphore(%run_scoped3A_49 : memref<!tpu.dma_semaphore, #tpu.memory_space<semaphore_mem>>) {add = true}
          %dma_wait3A_56 = arith.constant 0 : i32
          %dma_wait3A_57 = tpu.memref_slice %arg9[%run_scoped3A_47, %dma_wait3A_56] : memref<1x128xi32, #tpu.memory_space<vmem>> -> memref<1x128xi32, #tpu.memory_space<vmem>>
          %dma_wait3A_58 = tpu.memref_squeeze %dma_wait3A_57 : memref<1x128xi32, #tpu.memory_space<vmem>> -> memref<128xi32, #tpu.memory_space<vmem>>
          %dma_wait3A_59 = arith.constant 0 : i32
          %dma_wait3A_60 = arith.constant 0 : i32
          %dma_wait3A_61 = tpu.memref_slice %arg12[%dma_wait3A_59, %dma_wait3A_60] : memref<50176x32xf32, #tpu.memory_space<vmem_shared>> -> memref<50176x32xf32, #tpu.memory_space<vmem_shared>>
          tpu.wait_indirect_dma semaphore(%run_scoped3A_49 : memref<!tpu.dma_semaphore, #tpu.memory_space<semaphore_mem>>) src(%arg10 : memref<128x32xf32, #tpu.memory_space<vmem>>) dst(%dma_wait3A_61 : memref<50176x32xf32, #tpu.memory_space<vmem_shared>>)
          tpu.yield
        }) : () -> ()
        %run_scoped3A_48 = arith.constant 0 : i32
        "tpu.region"() ({
          %run_scoped3A_49 = tpu.sem_alloc : memref<!tpu.dma_semaphore, #tpu.memory_space<semaphore_mem>>
          %dma_start3A_50 = arith.constant 0 : i32
          %dma_start3A_51 = tpu.memref_slice %arg9[%run_scoped3A_48, %dma_start3A_50] : memref<1x128xi32, #tpu.memory_space<vmem>> -> memref<1x128xi32, #tpu.memory_space<vmem>>
          %dma_start3A_52 = tpu.memref_squeeze %dma_start3A_51 : memref<1x128xi32, #tpu.memory_space<vmem>> -> memref<128xi32, #tpu.memory_space<vmem>>
          %dma_start3A_53 = arith.constant 0 : i32
          %dma_start3A_54 = arith.constant 0 : i32
          %dma_start3A_55 = tpu.memref_slice %arg13[%dma_start3A_53, %dma_start3A_54] : memref<50176x4xf32, #tpu.memory_space<vmem_shared>> -> memref<50176x4xf32, #tpu.memory_space<vmem_shared>>
          tpu.enqueue_indirect_dma source(%arg11 : memref<128x4xf32, #tpu.memory_space<vmem>>) target(%dma_start3A_55 : memref<50176x4xf32, #tpu.memory_space<vmem_shared>>) offsets(%dma_start3A_52 : memref<128xi32, #tpu.memory_space<vmem>>) semaphore(%run_scoped3A_49 : memref<!tpu.dma_semaphore, #tpu.memory_space<semaphore_mem>>) {add = true}
          %dma_wait3A_56 = arith.constant 0 : i32
          %dma_wait3A_57 = tpu.memref_slice %arg9[%run_scoped3A_48, %dma_wait3A_56] : memref<1x128xi32, #tpu.memory_space<vmem>> -> memref<1x128xi32, #tpu.memory_space<vmem>>
          %dma_wait3A_58 = tpu.memref_squeeze %dma_wait3A_57 : memref<1x128xi32, #tpu.memory_space<vmem>> -> memref<128xi32, #tpu.memory_space<vmem>>
          %dma_wait3A_59 = arith.constant 0 : i32
          %dma_wait3A_60 = arith.constant 0 : i32
          %dma_wait3A_61 = tpu.memref_slice %arg13[%dma_wait3A_59, %dma_wait3A_60] : memref<50176x4xf32, #tpu.memory_space<vmem_shared>> -> memref<50176x4xf32, #tpu.memory_space<vmem_shared>>
          tpu.wait_indirect_dma semaphore(%run_scoped3A_49 : memref<!tpu.dma_semaphore, #tpu.memory_space<semaphore_mem>>) src(%arg11 : memref<128x4xf32, #tpu.memory_space<vmem>>) dst(%dma_wait3A_61 : memref<50176x4xf32, #tpu.memory_space<vmem_shared>>)
          tpu.yield
        }) : () -> ()
      } else {
      }
    }
    %scan3A_13 = arith.constant 196 : i32
    %barrier3A_14 = arith.constant 0 : index
    tpu.barrier barrier_id(%barrier3A_14)
    %mul3A_15 = arith.constant 3136 : i32
    %mul3A_16 = arith.muli %arg1, %mul3A_15 : i32
    %mul3A_17 = arith.constant 3136 : i32
    %mul3A_18 = arith.muli %arg1, %mul3A_17 : i32
    "tpu.region"() ({
      %run_scoped3A = tpu.sem_alloc : memref<!tpu.dma_semaphore, #tpu.memory_space<semaphore_mem>>
      %dma_start3A = arith.constant 0 : i32
      %dma_start3A_23 = tpu.memref_slice %arg7[%arg0, %mul3A_18, %dma_start3A] : memref<2x50176x32xf32, #tpu.memory_space<hbm>> -> memref<1x3136x32xf32, #tpu.memory_space<hbm>>
      %dma_start3A_24 = tpu.memref_squeeze %dma_start3A_23 : memref<1x3136x32xf32, #tpu.memory_space<hbm>> -> memref<3136x32xf32, #tpu.memory_space<hbm>>
      %dma_start3A_25 = arith.constant 0 : i32
      %dma_start3A_26 = tpu.memref_slice %arg12[%mul3A_16, %dma_start3A_25] : memref<50176x32xf32, #tpu.memory_space<vmem_shared>> -> memref<3136x32xf32, #tpu.memory_space<vmem_shared>>
      tpu.enqueue_dma source(%dma_start3A_26 : memref<3136x32xf32, #tpu.memory_space<vmem_shared>>) target(%dma_start3A_24 : memref<3136x32xf32, #tpu.memory_space<hbm>>) target_semaphore(%run_scoped3A : memref<!tpu.dma_semaphore, #tpu.memory_space<semaphore_mem>>)
      %dma_wait3A = arith.constant 0 : i32
      %dma_wait3A_27 = tpu.memref_slice %arg7[%arg0, %mul3A_18, %dma_wait3A] : memref<2x50176x32xf32, #tpu.memory_space<hbm>> -> memref<1x3136x32xf32, #tpu.memory_space<hbm>>
      %dma_wait3A_28 = tpu.memref_squeeze %dma_wait3A_27 : memref<1x3136x32xf32, #tpu.memory_space<hbm>> -> memref<3136x32xf32, #tpu.memory_space<hbm>>
      %dma_wait3A_29 = arith.constant 0 : i32
      %dma_wait3A_30 = tpu.memref_slice %arg12[%mul3A_16, %dma_wait3A_29] : memref<50176x32xf32, #tpu.memory_space<vmem_shared>> -> memref<3136x32xf32, #tpu.memory_space<vmem_shared>>
      tpu.wait_dma2 semaphore(%run_scoped3A : memref<!tpu.dma_semaphore, #tpu.memory_space<semaphore_mem>>) src(%dma_wait3A_30 : memref<3136x32xf32, #tpu.memory_space<vmem_shared>>) dst(%dma_wait3A_28 : memref<3136x32xf32, #tpu.memory_space<hbm>>)
      tpu.yield
    }) : () -> ()
    %mul3A_19 = arith.constant 3136 : i32
    %mul3A_20 = arith.muli %arg1, %mul3A_19 : i32
    %mul3A_21 = arith.constant 3136 : i32
    %mul3A_22 = arith.muli %arg1, %mul3A_21 : i32
    "tpu.region"() ({
      %run_scoped3A = tpu.sem_alloc : memref<!tpu.dma_semaphore, #tpu.memory_space<semaphore_mem>>
      %dma_start3A = arith.constant 0 : i32
      %dma_start3A_23 = tpu.memref_slice %arg8[%arg0, %mul3A_22, %dma_start3A] : memref<2x50176x4xf32, #tpu.memory_space<hbm>> -> memref<1x3136x4xf32, #tpu.memory_space<hbm>>
      %dma_start3A_24 = tpu.memref_squeeze %dma_start3A_23 : memref<1x3136x4xf32, #tpu.memory_space<hbm>> -> memref<3136x4xf32, #tpu.memory_space<hbm>>
      %dma_start3A_25 = arith.constant 0 : i32
      %dma_start3A_26 = tpu.memref_slice %arg13[%mul3A_20, %dma_start3A_25] : memref<50176x4xf32, #tpu.memory_space<vmem_shared>> -> memref<3136x4xf32, #tpu.memory_space<vmem_shared>>
      tpu.enqueue_dma source(%dma_start3A_26 : memref<3136x4xf32, #tpu.memory_space<vmem_shared>>) target(%dma_start3A_24 : memref<3136x4xf32, #tpu.memory_space<hbm>>) target_semaphore(%run_scoped3A : memref<!tpu.dma_semaphore, #tpu.memory_space<semaphore_mem>>)
      %dma_wait3A = arith.constant 0 : i32
      %dma_wait3A_27 = tpu.memref_slice %arg8[%arg0, %mul3A_22, %dma_wait3A] : memref<2x50176x4xf32, #tpu.memory_space<hbm>> -> memref<1x3136x4xf32, #tpu.memory_space<hbm>>
      %dma_wait3A_28 = tpu.memref_squeeze %dma_wait3A_27 : memref<1x3136x4xf32, #tpu.memory_space<hbm>> -> memref<3136x4xf32, #tpu.memory_space<hbm>>
      %dma_wait3A_29 = arith.constant 0 : i32
      %dma_wait3A_30 = tpu.memref_slice %arg13[%mul3A_20, %dma_wait3A_29] : memref<50176x4xf32, #tpu.memory_space<vmem_shared>> -> memref<3136x4xf32, #tpu.memory_space<vmem_shared>>
      tpu.wait_dma2 semaphore(%run_scoped3A : memref<!tpu.dma_semaphore, #tpu.memory_space<semaphore_mem>>) src(%dma_wait3A_30 : memref<3136x4xf32, #tpu.memory_space<vmem_shared>>) dst(%dma_wait3A_28 : memref<3136x4xf32, #tpu.memory_space<hbm>>)
      tpu.yield
    }) : () -> ()
    return
  }
}

#map = affine_map<(d0, d1) -> (0, 0)>
module attributes {stable_mosaic.version = 14 : i64} {
  func.func @k(%arg0: i32, %arg1: i32, %arg2: memref<6250x128xi32, #tpu.memory_space<hbm>>, %arg3: memref<6250x128xi32, #tpu.memory_space<hbm>>, %arg4: memref<50176x32xf32, #tpu.memory_space<hbm>>, %arg5: memref<50176x32xf32, #tpu.memory_space<hbm>>, %arg6: memref<50176x32xf32, #tpu.memory_space<hbm>>, %arg7: memref<50000x32xf32, #tpu.memory_space<hbm>>, %arg8: memref<800000x32xf32, #tpu.memory_space<hbm>>, %arg9: memref<800000x32xf32, #tpu.memory_space<hbm>>, %arg10: memref<800000x32xf32, #tpu.memory_space<hbm>>, %arg11: memref<800000x32xf32, #tpu.memory_space<hbm>>, %arg12: memref<800000x32xf32, #tpu.memory_space<hbm>>, %arg13: memref<2x128xi32, #tpu.memory_space<vmem>>, %arg14: memref<128x32xf32, #tpu.memory_space<vmem>>, %arg15: memref<128x32xf32, #tpu.memory_space<vmem>>, %arg16: memref<128x32xf32, #tpu.memory_space<vmem>>, %arg17: memref<128x32xf32, #tpu.memory_space<vmem>>, %arg18: memref<128x32xf32, #tpu.memory_space<vmem>>, %arg19: memref<!tpu.dma_semaphore, #tpu.memory_space<semaphore_mem>>, %arg20: memref<!tpu.dma_semaphore, #tpu.memory_space<semaphore_mem>>) attributes {dimension_semantics = [#tpu.dimension_semantics<core_parallel>, #tpu.dimension_semantics<subcore_parallel>], iteration_bounds = array<i64: 2, 16>, scalar_prefetch = 0 : i64, scratch_operands = 8 : i64, tpu.core_type = #tpu.core_type<sc_vector_subcore>, window_params = [{transform_indices = #map}, {transform_indices = #map}, {transform_indices = #map}, {transform_indices = #map}, {transform_indices = #map}, {transform_indices = #map}, {transform_indices = #map}, {transform_indices = #map}, {transform_indices = #map}, {transform_indices = #map}, {transform_indices = #map}]} {
    %mul3A = arith.constant 2 : i32
    %mul3A_0 = arith.muli %arg1, %mul3A : i32
    %add3A = arith.addi %mul3A_0, %arg0 : i32
    %scan3A = arith.constant 0 : i32
    %scan3A_1 = arith.constant 0 : i32
    %scan3A_2 = arith.constant 196 : i32
    %scan3A_3 = arith.addi %scan3A_1, %scan3A_2 : i32
    %scan3A_4 = arith.constant 1 : i32
    scf.for %scan3A_6 = %scan3A_1 to %scan3A_3 step %scan3A_4  : i32 {
      %mul3A_7 = arith.constant 32 : i32
      %mul3A_8 = arith.muli %scan3A_6, %mul3A_7 : i32
      %add3A_9 = arith.addi %add3A, %mul3A_8 : i32
      %lt3A = arith.constant 6250 : i32
      %lt3A_10 = arith.cmpi slt, %add3A_9, %lt3A : i32
      %convert_element_type3A = arith.extui %lt3A_10 : i1 to i32
      %cond3A = arith.constant 0 : i32
      %cond3A_11 = arith.cmpi ne, %convert_element_type3A, %cond3A : i32
      scf.if %cond3A_11 {
        %run_scoped3A = arith.constant 0 : i32
        "tpu.region"() ({
          %run_scoped3A_131 = tpu.sem_alloc : memref<!tpu.dma_semaphore, #tpu.memory_space<semaphore_mem>>
          %dma_start3A_132 = arith.constant 0 : i32
          %dma_start3A_133 = tpu.memref_slice %arg13[%run_scoped3A, %dma_start3A_132] : memref<2x128xi32, #tpu.memory_space<vmem>> -> memref<1x128xi32, #tpu.memory_space<vmem>>
          %dma_start3A_134 = tpu.memref_squeeze %dma_start3A_133 : memref<1x128xi32, #tpu.memory_space<vmem>> -> memref<128xi32, #tpu.memory_space<vmem>>
          %dma_start3A_135 = arith.constant 0 : i32
          %dma_start3A_136 = tpu.memref_slice %arg2[%add3A_9, %dma_start3A_135] : memref<6250x128xi32, #tpu.memory_space<hbm>> -> memref<1x128xi32, #tpu.memory_space<hbm>>
          %dma_start3A_137 = tpu.memref_squeeze %dma_start3A_136 : memref<1x128xi32, #tpu.memory_space<hbm>> -> memref<128xi32, #tpu.memory_space<hbm>>
          %dma_start3A_138 = arith.constant 0 : i32
          %dma_start3A_139 = tpu.memref_slice %arg13[%run_scoped3A, %dma_start3A_138] : memref<2x128xi32, #tpu.memory_space<vmem>> -> memref<1x128xi32, #tpu.memory_space<vmem>>
          %dma_start3A_140 = tpu.memref_squeeze %dma_start3A_139 : memref<1x128xi32, #tpu.memory_space<vmem>> -> memref<128xi32, #tpu.memory_space<vmem>>
          %dma_start3A_141 = arith.constant 0 : i32
          %dma_start3A_142 = tpu.memref_slice %arg2[%add3A_9, %dma_start3A_141] : memref<6250x128xi32, #tpu.memory_space<hbm>> -> memref<1x128xi32, #tpu.memory_space<hbm>>
          %dma_start3A_143 = tpu.memref_squeeze %dma_start3A_142 : memref<1x128xi32, #tpu.memory_space<hbm>> -> memref<128xi32, #tpu.memory_space<hbm>>
          tpu.enqueue_dma source(%dma_start3A_143 : memref<128xi32, #tpu.memory_space<hbm>>) target(%dma_start3A_140 : memref<128xi32, #tpu.memory_space<vmem>>) target_semaphore(%run_scoped3A_131 : memref<!tpu.dma_semaphore, #tpu.memory_space<semaphore_mem>>)
          %dma_wait3A_144 = arith.constant 0 : i32
          %dma_wait3A_145 = tpu.memref_slice %arg13[%run_scoped3A, %dma_wait3A_144] : memref<2x128xi32, #tpu.memory_space<vmem>> -> memref<1x128xi32, #tpu.memory_space<vmem>>
          %dma_wait3A_146 = tpu.memref_squeeze %dma_wait3A_145 : memref<1x128xi32, #tpu.memory_space<vmem>> -> memref<128xi32, #tpu.memory_space<vmem>>
          %dma_wait3A_147 = arith.constant 0 : i32
          %dma_wait3A_148 = tpu.memref_slice %arg2[%add3A_9, %dma_wait3A_147] : memref<6250x128xi32, #tpu.memory_space<hbm>> -> memref<1x128xi32, #tpu.memory_space<hbm>>
          %dma_wait3A_149 = tpu.memref_squeeze %dma_wait3A_148 : memref<1x128xi32, #tpu.memory_space<hbm>> -> memref<128xi32, #tpu.memory_space<hbm>>
          %dma_wait3A_150 = arith.constant 0 : i32
          %dma_wait3A_151 = tpu.memref_slice %arg13[%run_scoped3A, %dma_wait3A_150] : memref<2x128xi32, #tpu.memory_space<vmem>> -> memref<1x128xi32, #tpu.memory_space<vmem>>
          %dma_wait3A_152 = tpu.memref_squeeze %dma_wait3A_151 : memref<1x128xi32, #tpu.memory_space<vmem>> -> memref<128xi32, #tpu.memory_space<vmem>>
          %dma_wait3A_153 = arith.constant 0 : i32
          %dma_wait3A_154 = tpu.memref_slice %arg2[%add3A_9, %dma_wait3A_153] : memref<6250x128xi32, #tpu.memory_space<hbm>> -> memref<1x128xi32, #tpu.memory_space<hbm>>
          %dma_wait3A_155 = tpu.memref_squeeze %dma_wait3A_154 : memref<1x128xi32, #tpu.memory_space<hbm>> -> memref<128xi32, #tpu.memory_space<hbm>>
          tpu.wait_dma2 semaphore(%run_scoped3A_131 : memref<!tpu.dma_semaphore, #tpu.memory_space<semaphore_mem>>) src(%dma_wait3A_155 : memref<128xi32, #tpu.memory_space<hbm>>) dst(%dma_wait3A_152 : memref<128xi32, #tpu.memory_space<vmem>>)
          tpu.yield
        }) : () -> ()
        %run_scoped3A_12 = arith.constant 1 : i32
        "tpu.region"() ({
          %run_scoped3A_131 = tpu.sem_alloc : memref<!tpu.dma_semaphore, #tpu.memory_space<semaphore_mem>>
          %dma_start3A_132 = arith.constant 0 : i32
          %dma_start3A_133 = tpu.memref_slice %arg13[%run_scoped3A_12, %dma_start3A_132] : memref<2x128xi32, #tpu.memory_space<vmem>> -> memref<1x128xi32, #tpu.memory_space<vmem>>
          %dma_start3A_134 = tpu.memref_squeeze %dma_start3A_133 : memref<1x128xi32, #tpu.memory_space<vmem>> -> memref<128xi32, #tpu.memory_space<vmem>>
          %dma_start3A_135 = arith.constant 0 : i32
          %dma_start3A_136 = tpu.memref_slice %arg3[%add3A_9, %dma_start3A_135] : memref<6250x128xi32, #tpu.memory_space<hbm>> -> memref<1x128xi32, #tpu.memory_space<hbm>>
          %dma_start3A_137 = tpu.memref_squeeze %dma_start3A_136 : memref<1x128xi32, #tpu.memory_space<hbm>> -> memref<128xi32, #tpu.memory_space<hbm>>
          %dma_start3A_138 = arith.constant 0 : i32
          %dma_start3A_139 = tpu.memref_slice %arg13[%run_scoped3A_12, %dma_start3A_138] : memref<2x128xi32, #tpu.memory_space<vmem>> -> memref<1x128xi32, #tpu.memory_space<vmem>>
          %dma_start3A_140 = tpu.memref_squeeze %dma_start3A_139 : memref<1x128xi32, #tpu.memory_space<vmem>> -> memref<128xi32, #tpu.memory_space<vmem>>
          %dma_start3A_141 = arith.constant 0 : i32
          %dma_start3A_142 = tpu.memref_slice %arg3[%add3A_9, %dma_start3A_141] : memref<6250x128xi32, #tpu.memory_space<hbm>> -> memref<1x128xi32, #tpu.memory_space<hbm>>
          %dma_start3A_143 = tpu.memref_squeeze %dma_start3A_142 : memref<1x128xi32, #tpu.memory_space<hbm>> -> memref<128xi32, #tpu.memory_space<hbm>>
          tpu.enqueue_dma source(%dma_start3A_143 : memref<128xi32, #tpu.memory_space<hbm>>) target(%dma_start3A_140 : memref<128xi32, #tpu.memory_space<vmem>>) target_semaphore(%run_scoped3A_131 : memref<!tpu.dma_semaphore, #tpu.memory_space<semaphore_mem>>)
          %dma_wait3A_144 = arith.constant 0 : i32
          %dma_wait3A_145 = tpu.memref_slice %arg13[%run_scoped3A_12, %dma_wait3A_144] : memref<2x128xi32, #tpu.memory_space<vmem>> -> memref<1x128xi32, #tpu.memory_space<vmem>>
          %dma_wait3A_146 = tpu.memref_squeeze %dma_wait3A_145 : memref<1x128xi32, #tpu.memory_space<vmem>> -> memref<128xi32, #tpu.memory_space<vmem>>
          %dma_wait3A_147 = arith.constant 0 : i32
          %dma_wait3A_148 = tpu.memref_slice %arg3[%add3A_9, %dma_wait3A_147] : memref<6250x128xi32, #tpu.memory_space<hbm>> -> memref<1x128xi32, #tpu.memory_space<hbm>>
          %dma_wait3A_149 = tpu.memref_squeeze %dma_wait3A_148 : memref<1x128xi32, #tpu.memory_space<hbm>> -> memref<128xi32, #tpu.memory_space<hbm>>
          %dma_wait3A_150 = arith.constant 0 : i32
          %dma_wait3A_151 = tpu.memref_slice %arg13[%run_scoped3A_12, %dma_wait3A_150] : memref<2x128xi32, #tpu.memory_space<vmem>> -> memref<1x128xi32, #tpu.memory_space<vmem>>
          %dma_wait3A_152 = tpu.memref_squeeze %dma_wait3A_151 : memref<1x128xi32, #tpu.memory_space<vmem>> -> memref<128xi32, #tpu.memory_space<vmem>>
          %dma_wait3A_153 = arith.constant 0 : i32
          %dma_wait3A_154 = tpu.memref_slice %arg3[%add3A_9, %dma_wait3A_153] : memref<6250x128xi32, #tpu.memory_space<hbm>> -> memref<1x128xi32, #tpu.memory_space<hbm>>
          %dma_wait3A_155 = tpu.memref_squeeze %dma_wait3A_154 : memref<1x128xi32, #tpu.memory_space<hbm>> -> memref<128xi32, #tpu.memory_space<hbm>>
          tpu.wait_dma2 semaphore(%run_scoped3A_131 : memref<!tpu.dma_semaphore, #tpu.memory_space<semaphore_mem>>) src(%dma_wait3A_155 : memref<128xi32, #tpu.memory_space<hbm>>) dst(%dma_wait3A_152 : memref<128xi32, #tpu.memory_space<vmem>>)
          tpu.yield
        }) : () -> ()
        %dma_start3A = arith.constant 0 : i32
        %dma_start3A_13 = arith.constant 0 : i32
        %dma_start3A_14 = tpu.memref_slice %arg13[%dma_start3A, %dma_start3A_13] : memref<2x128xi32, #tpu.memory_space<vmem>> -> memref<1x128xi32, #tpu.memory_space<vmem>>
        %dma_start3A_15 = tpu.memref_squeeze %dma_start3A_14 : memref<1x128xi32, #tpu.memory_space<vmem>> -> memref<128xi32, #tpu.memory_space<vmem>>
        %dma_start3A_16 = arith.constant 0 : i32
        %dma_start3A_17 = arith.constant 0 : i32
        %dma_start3A_18 = tpu.memref_slice %arg4[%dma_start3A_16, %dma_start3A_17] : memref<50176x32xf32, #tpu.memory_space<hbm>> -> memref<50176x32xf32, #tpu.memory_space<hbm>>
        tpu.enqueue_indirect_dma source(%dma_start3A_18 : memref<50176x32xf32, #tpu.memory_space<hbm>>) target(%arg14 : memref<128x32xf32, #tpu.memory_space<vmem>>) offsets(%dma_start3A_15 : memref<128xi32, #tpu.memory_space<vmem>>) semaphore(%arg19 : memref<!tpu.dma_semaphore, #tpu.memory_space<semaphore_mem>>)
        %dma_start3A_19 = arith.constant 0 : i32
        %dma_start3A_20 = arith.constant 0 : i32
        %dma_start3A_21 = tpu.memref_slice %arg13[%dma_start3A_19, %dma_start3A_20] : memref<2x128xi32, #tpu.memory_space<vmem>> -> memref<1x128xi32, #tpu.memory_space<vmem>>
        %dma_start3A_22 = tpu.memref_squeeze %dma_start3A_21 : memref<1x128xi32, #tpu.memory_space<vmem>> -> memref<128xi32, #tpu.memory_space<vmem>>
        %dma_start3A_23 = arith.constant 0 : i32
        %dma_start3A_24 = arith.constant 0 : i32
        %dma_start3A_25 = tpu.memref_slice %arg5[%dma_start3A_23, %dma_start3A_24] : memref<50176x32xf32, #tpu.memory_space<hbm>> -> memref<50176x32xf32, #tpu.memory_space<hbm>>
        tpu.enqueue_indirect_dma source(%dma_start3A_25 : memref<50176x32xf32, #tpu.memory_space<hbm>>) target(%arg15 : memref<128x32xf32, #tpu.memory_space<vmem>>) offsets(%dma_start3A_22 : memref<128xi32, #tpu.memory_space<vmem>>) semaphore(%arg19 : memref<!tpu.dma_semaphore, #tpu.memory_space<semaphore_mem>>)
        %dma_start3A_26 = arith.constant 1 : i32
        %dma_start3A_27 = arith.constant 0 : i32
        %dma_start3A_28 = tpu.memref_slice %arg13[%dma_start3A_26, %dma_start3A_27] : memref<2x128xi32, #tpu.memory_space<vmem>> -> memref<1x128xi32, #tpu.memory_space<vmem>>
        %dma_start3A_29 = tpu.memref_squeeze %dma_start3A_28 : memref<1x128xi32, #tpu.memory_space<vmem>> -> memref<128xi32, #tpu.memory_space<vmem>>
        %dma_start3A_30 = arith.constant 0 : i32
        %dma_start3A_31 = arith.constant 0 : i32
        %dma_start3A_32 = tpu.memref_slice %arg6[%dma_start3A_30, %dma_start3A_31] : memref<50176x32xf32, #tpu.memory_space<hbm>> -> memref<50176x32xf32, #tpu.memory_space<hbm>>
        tpu.enqueue_indirect_dma source(%dma_start3A_32 : memref<50176x32xf32, #tpu.memory_space<hbm>>) target(%arg16 : memref<128x32xf32, #tpu.memory_space<vmem>>) offsets(%dma_start3A_29 : memref<128xi32, #tpu.memory_space<vmem>>) semaphore(%arg19 : memref<!tpu.dma_semaphore, #tpu.memory_space<semaphore_mem>>)
        %dma_start3A_33 = arith.constant 0 : i32
        %dma_start3A_34 = arith.constant 0 : i32
        %dma_start3A_35 = tpu.memref_slice %arg13[%dma_start3A_33, %dma_start3A_34] : memref<2x128xi32, #tpu.memory_space<vmem>> -> memref<1x128xi32, #tpu.memory_space<vmem>>
        %dma_start3A_36 = tpu.memref_squeeze %dma_start3A_35 : memref<1x128xi32, #tpu.memory_space<vmem>> -> memref<128xi32, #tpu.memory_space<vmem>>
        %dma_start3A_37 = arith.constant 0 : i32
        %dma_start3A_38 = arith.constant 0 : i32
        %dma_start3A_39 = tpu.memref_slice %arg7[%dma_start3A_37, %dma_start3A_38] : memref<50000x32xf32, #tpu.memory_space<hbm>> -> memref<50000x32xf32, #tpu.memory_space<hbm>>
        tpu.enqueue_indirect_dma source(%dma_start3A_39 : memref<50000x32xf32, #tpu.memory_space<hbm>>) target(%arg17 : memref<128x32xf32, #tpu.memory_space<vmem>>) offsets(%dma_start3A_36 : memref<128xi32, #tpu.memory_space<vmem>>) semaphore(%arg19 : memref<!tpu.dma_semaphore, #tpu.memory_space<semaphore_mem>>)
        %dma_start3A_40 = arith.constant 1 : i32
        %dma_start3A_41 = arith.constant 0 : i32
        %dma_start3A_42 = tpu.memref_slice %arg13[%dma_start3A_40, %dma_start3A_41] : memref<2x128xi32, #tpu.memory_space<vmem>> -> memref<1x128xi32, #tpu.memory_space<vmem>>
        %dma_start3A_43 = tpu.memref_squeeze %dma_start3A_42 : memref<1x128xi32, #tpu.memory_space<vmem>> -> memref<128xi32, #tpu.memory_space<vmem>>
        %dma_start3A_44 = arith.constant 0 : i32
        %dma_start3A_45 = arith.constant 0 : i32
        %dma_start3A_46 = tpu.memref_slice %arg7[%dma_start3A_44, %dma_start3A_45] : memref<50000x32xf32, #tpu.memory_space<hbm>> -> memref<50000x32xf32, #tpu.memory_space<hbm>>
        tpu.enqueue_indirect_dma source(%dma_start3A_46 : memref<50000x32xf32, #tpu.memory_space<hbm>>) target(%arg18 : memref<128x32xf32, #tpu.memory_space<vmem>>) offsets(%dma_start3A_43 : memref<128xi32, #tpu.memory_space<vmem>>) semaphore(%arg19 : memref<!tpu.dma_semaphore, #tpu.memory_space<semaphore_mem>>)
        %dma_wait3A = arith.constant 0 : i32
        %dma_wait3A_47 = arith.constant 0 : i32
        %dma_wait3A_48 = tpu.memref_slice %arg13[%dma_wait3A, %dma_wait3A_47] : memref<2x128xi32, #tpu.memory_space<vmem>> -> memref<1x128xi32, #tpu.memory_space<vmem>>
        %dma_wait3A_49 = tpu.memref_squeeze %dma_wait3A_48 : memref<1x128xi32, #tpu.memory_space<vmem>> -> memref<128xi32, #tpu.memory_space<vmem>>
        %dma_wait3A_50 = arith.constant 0 : i32
        %dma_wait3A_51 = arith.constant 0 : i32
        %dma_wait3A_52 = tpu.memref_slice %arg4[%dma_wait3A_50, %dma_wait3A_51] : memref<50176x32xf32, #tpu.memory_space<hbm>> -> memref<50176x32xf32, #tpu.memory_space<hbm>>
        tpu.wait_indirect_dma semaphore(%arg19 : memref<!tpu.dma_semaphore, #tpu.memory_space<semaphore_mem>>) src(%dma_wait3A_52 : memref<50176x32xf32, #tpu.memory_space<hbm>>) dst(%arg14 : memref<128x32xf32, #tpu.memory_space<vmem>>)
        %dma_wait3A_53 = arith.constant 0 : i32
        %dma_wait3A_54 = arith.constant 0 : i32
        %dma_wait3A_55 = tpu.memref_slice %arg13[%dma_wait3A_53, %dma_wait3A_54] : memref<2x128xi32, #tpu.memory_space<vmem>> -> memref<1x128xi32, #tpu.memory_space<vmem>>
        %dma_wait3A_56 = tpu.memref_squeeze %dma_wait3A_55 : memref<1x128xi32, #tpu.memory_space<vmem>> -> memref<128xi32, #tpu.memory_space<vmem>>
        %dma_wait3A_57 = arith.constant 0 : i32
        %dma_wait3A_58 = arith.constant 0 : i32
        %dma_wait3A_59 = tpu.memref_slice %arg5[%dma_wait3A_57, %dma_wait3A_58] : memref<50176x32xf32, #tpu.memory_space<hbm>> -> memref<50176x32xf32, #tpu.memory_space<hbm>>
        tpu.wait_indirect_dma semaphore(%arg19 : memref<!tpu.dma_semaphore, #tpu.memory_space<semaphore_mem>>) src(%dma_wait3A_59 : memref<50176x32xf32, #tpu.memory_space<hbm>>) dst(%arg15 : memref<128x32xf32, #tpu.memory_space<vmem>>)
        %dma_wait3A_60 = arith.constant 1 : i32
        %dma_wait3A_61 = arith.constant 0 : i32
        %dma_wait3A_62 = tpu.memref_slice %arg13[%dma_wait3A_60, %dma_wait3A_61] : memref<2x128xi32, #tpu.memory_space<vmem>> -> memref<1x128xi32, #tpu.memory_space<vmem>>
        %dma_wait3A_63 = tpu.memref_squeeze %dma_wait3A_62 : memref<1x128xi32, #tpu.memory_space<vmem>> -> memref<128xi32, #tpu.memory_space<vmem>>
        %dma_wait3A_64 = arith.constant 0 : i32
        %dma_wait3A_65 = arith.constant 0 : i32
        %dma_wait3A_66 = tpu.memref_slice %arg6[%dma_wait3A_64, %dma_wait3A_65] : memref<50176x32xf32, #tpu.memory_space<hbm>> -> memref<50176x32xf32, #tpu.memory_space<hbm>>
        tpu.wait_indirect_dma semaphore(%arg19 : memref<!tpu.dma_semaphore, #tpu.memory_space<semaphore_mem>>) src(%dma_wait3A_66 : memref<50176x32xf32, #tpu.memory_space<hbm>>) dst(%arg16 : memref<128x32xf32, #tpu.memory_space<vmem>>)
        %dma_wait3A_67 = arith.constant 0 : i32
        %dma_wait3A_68 = arith.constant 0 : i32
        %dma_wait3A_69 = tpu.memref_slice %arg13[%dma_wait3A_67, %dma_wait3A_68] : memref<2x128xi32, #tpu.memory_space<vmem>> -> memref<1x128xi32, #tpu.memory_space<vmem>>
        %dma_wait3A_70 = tpu.memref_squeeze %dma_wait3A_69 : memref<1x128xi32, #tpu.memory_space<vmem>> -> memref<128xi32, #tpu.memory_space<vmem>>
        %dma_wait3A_71 = arith.constant 0 : i32
        %dma_wait3A_72 = arith.constant 0 : i32
        %dma_wait3A_73 = tpu.memref_slice %arg7[%dma_wait3A_71, %dma_wait3A_72] : memref<50000x32xf32, #tpu.memory_space<hbm>> -> memref<50000x32xf32, #tpu.memory_space<hbm>>
        tpu.wait_indirect_dma semaphore(%arg19 : memref<!tpu.dma_semaphore, #tpu.memory_space<semaphore_mem>>) src(%dma_wait3A_73 : memref<50000x32xf32, #tpu.memory_space<hbm>>) dst(%arg17 : memref<128x32xf32, #tpu.memory_space<vmem>>)
        %dma_wait3A_74 = arith.constant 1 : i32
        %dma_wait3A_75 = arith.constant 0 : i32
        %dma_wait3A_76 = tpu.memref_slice %arg13[%dma_wait3A_74, %dma_wait3A_75] : memref<2x128xi32, #tpu.memory_space<vmem>> -> memref<1x128xi32, #tpu.memory_space<vmem>>
        %dma_wait3A_77 = tpu.memref_squeeze %dma_wait3A_76 : memref<1x128xi32, #tpu.memory_space<vmem>> -> memref<128xi32, #tpu.memory_space<vmem>>
        %dma_wait3A_78 = arith.constant 0 : i32
        %dma_wait3A_79 = arith.constant 0 : i32
        %dma_wait3A_80 = tpu.memref_slice %arg7[%dma_wait3A_78, %dma_wait3A_79] : memref<50000x32xf32, #tpu.memory_space<hbm>> -> memref<50000x32xf32, #tpu.memory_space<hbm>>
        tpu.wait_indirect_dma semaphore(%arg19 : memref<!tpu.dma_semaphore, #tpu.memory_space<semaphore_mem>>) src(%dma_wait3A_80 : memref<50000x32xf32, #tpu.memory_space<hbm>>) dst(%arg18 : memref<128x32xf32, #tpu.memory_space<vmem>>)
        %mul3A_81 = arith.constant 128 : i32
        %mul3A_82 = arith.muli %add3A_9, %mul3A_81 : i32
        %dma_start3A_83 = arith.constant 0 : i32
        %dma_start3A_84 = tpu.memref_slice %arg8[%mul3A_82, %dma_start3A_83] : memref<800000x32xf32, #tpu.memory_space<hbm>> -> memref<128x32xf32, #tpu.memory_space<hbm>>
        %dma_start3A_85 = arith.constant 0 : i32
        %dma_start3A_86 = tpu.memref_slice %arg8[%mul3A_82, %dma_start3A_85] : memref<800000x32xf32, #tpu.memory_space<hbm>> -> memref<128x32xf32, #tpu.memory_space<hbm>>
        tpu.enqueue_dma source(%arg14 : memref<128x32xf32, #tpu.memory_space<vmem>>) target(%dma_start3A_86 : memref<128x32xf32, #tpu.memory_space<hbm>>) target_semaphore(%arg20 : memref<!tpu.dma_semaphore, #tpu.memory_space<semaphore_mem>>)
        %mul3A_87 = arith.constant 128 : i32
        %mul3A_88 = arith.muli %add3A_9, %mul3A_87 : i32
        %dma_start3A_89 = arith.constant 0 : i32
        %dma_start3A_90 = tpu.memref_slice %arg9[%mul3A_88, %dma_start3A_89] : memref<800000x32xf32, #tpu.memory_space<hbm>> -> memref<128x32xf32, #tpu.memory_space<hbm>>
        %dma_start3A_91 = arith.constant 0 : i32
        %dma_start3A_92 = tpu.memref_slice %arg9[%mul3A_88, %dma_start3A_91] : memref<800000x32xf32, #tpu.memory_space<hbm>> -> memref<128x32xf32, #tpu.memory_space<hbm>>
        tpu.enqueue_dma source(%arg15 : memref<128x32xf32, #tpu.memory_space<vmem>>) target(%dma_start3A_92 : memref<128x32xf32, #tpu.memory_space<hbm>>) target_semaphore(%arg20 : memref<!tpu.dma_semaphore, #tpu.memory_space<semaphore_mem>>)
        %mul3A_93 = arith.constant 128 : i32
        %mul3A_94 = arith.muli %add3A_9, %mul3A_93 : i32
        %dma_start3A_95 = arith.constant 0 : i32
        %dma_start3A_96 = tpu.memref_slice %arg10[%mul3A_94, %dma_start3A_95] : memref<800000x32xf32, #tpu.memory_space<hbm>> -> memref<128x32xf32, #tpu.memory_space<hbm>>
        %dma_start3A_97 = arith.constant 0 : i32
        %dma_start3A_98 = tpu.memref_slice %arg10[%mul3A_94, %dma_start3A_97] : memref<800000x32xf32, #tpu.memory_space<hbm>> -> memref<128x32xf32, #tpu.memory_space<hbm>>
        tpu.enqueue_dma source(%arg16 : memref<128x32xf32, #tpu.memory_space<vmem>>) target(%dma_start3A_98 : memref<128x32xf32, #tpu.memory_space<hbm>>) target_semaphore(%arg20 : memref<!tpu.dma_semaphore, #tpu.memory_space<semaphore_mem>>)
        %mul3A_99 = arith.constant 128 : i32
        %mul3A_100 = arith.muli %add3A_9, %mul3A_99 : i32
        %dma_start3A_101 = arith.constant 0 : i32
        %dma_start3A_102 = tpu.memref_slice %arg11[%mul3A_100, %dma_start3A_101] : memref<800000x32xf32, #tpu.memory_space<hbm>> -> memref<128x32xf32, #tpu.memory_space<hbm>>
        %dma_start3A_103 = arith.constant 0 : i32
        %dma_start3A_104 = tpu.memref_slice %arg11[%mul3A_100, %dma_start3A_103] : memref<800000x32xf32, #tpu.memory_space<hbm>> -> memref<128x32xf32, #tpu.memory_space<hbm>>
        tpu.enqueue_dma source(%arg17 : memref<128x32xf32, #tpu.memory_space<vmem>>) target(%dma_start3A_104 : memref<128x32xf32, #tpu.memory_space<hbm>>) target_semaphore(%arg20 : memref<!tpu.dma_semaphore, #tpu.memory_space<semaphore_mem>>)
        %mul3A_105 = arith.constant 128 : i32
        %mul3A_106 = arith.muli %add3A_9, %mul3A_105 : i32
        %dma_start3A_107 = arith.constant 0 : i32
        %dma_start3A_108 = tpu.memref_slice %arg12[%mul3A_106, %dma_start3A_107] : memref<800000x32xf32, #tpu.memory_space<hbm>> -> memref<128x32xf32, #tpu.memory_space<hbm>>
        %dma_start3A_109 = arith.constant 0 : i32
        %dma_start3A_110 = tpu.memref_slice %arg12[%mul3A_106, %dma_start3A_109] : memref<800000x32xf32, #tpu.memory_space<hbm>> -> memref<128x32xf32, #tpu.memory_space<hbm>>
        tpu.enqueue_dma source(%arg18 : memref<128x32xf32, #tpu.memory_space<vmem>>) target(%dma_start3A_110 : memref<128x32xf32, #tpu.memory_space<hbm>>) target_semaphore(%arg20 : memref<!tpu.dma_semaphore, #tpu.memory_space<semaphore_mem>>)
        %dma_wait3A_111 = arith.constant 0 : i32
        %dma_wait3A_112 = tpu.memref_slice %arg8[%mul3A_82, %dma_wait3A_111] : memref<800000x32xf32, #tpu.memory_space<hbm>> -> memref<128x32xf32, #tpu.memory_space<hbm>>
        %dma_wait3A_113 = arith.constant 0 : i32
        %dma_wait3A_114 = tpu.memref_slice %arg8[%mul3A_82, %dma_wait3A_113] : memref<800000x32xf32, #tpu.memory_space<hbm>> -> memref<128x32xf32, #tpu.memory_space<hbm>>
        tpu.wait_dma2 semaphore(%arg20 : memref<!tpu.dma_semaphore, #tpu.memory_space<semaphore_mem>>) src(%arg14 : memref<128x32xf32, #tpu.memory_space<vmem>>) dst(%dma_wait3A_114 : memref<128x32xf32, #tpu.memory_space<hbm>>)
        %dma_wait3A_115 = arith.constant 0 : i32
        %dma_wait3A_116 = tpu.memref_slice %arg9[%mul3A_88, %dma_wait3A_115] : memref<800000x32xf32, #tpu.memory_space<hbm>> -> memref<128x32xf32, #tpu.memory_space<hbm>>
        %dma_wait3A_117 = arith.constant 0 : i32
        %dma_wait3A_118 = tpu.memref_slice %arg9[%mul3A_88, %dma_wait3A_117] : memref<800000x32xf32, #tpu.memory_space<hbm>> -> memref<128x32xf32, #tpu.memory_space<hbm>>
        tpu.wait_dma2 semaphore(%arg20 : memref<!tpu.dma_semaphore, #tpu.memory_space<semaphore_mem>>) src(%arg15 : memref<128x32xf32, #tpu.memory_space<vmem>>) dst(%dma_wait3A_118 : memref<128x32xf32, #tpu.memory_space<hbm>>)
        %dma_wait3A_119 = arith.constant 0 : i32
        %dma_wait3A_120 = tpu.memref_slice %arg10[%mul3A_94, %dma_wait3A_119] : memref<800000x32xf32, #tpu.memory_space<hbm>> -> memref<128x32xf32, #tpu.memory_space<hbm>>
        %dma_wait3A_121 = arith.constant 0 : i32
        %dma_wait3A_122 = tpu.memref_slice %arg10[%mul3A_94, %dma_wait3A_121] : memref<800000x32xf32, #tpu.memory_space<hbm>> -> memref<128x32xf32, #tpu.memory_space<hbm>>
        tpu.wait_dma2 semaphore(%arg20 : memref<!tpu.dma_semaphore, #tpu.memory_space<semaphore_mem>>) src(%arg16 : memref<128x32xf32, #tpu.memory_space<vmem>>) dst(%dma_wait3A_122 : memref<128x32xf32, #tpu.memory_space<hbm>>)
        %dma_wait3A_123 = arith.constant 0 : i32
        %dma_wait3A_124 = tpu.memref_slice %arg11[%mul3A_100, %dma_wait3A_123] : memref<800000x32xf32, #tpu.memory_space<hbm>> -> memref<128x32xf32, #tpu.memory_space<hbm>>
        %dma_wait3A_125 = arith.constant 0 : i32
        %dma_wait3A_126 = tpu.memref_slice %arg11[%mul3A_100, %dma_wait3A_125] : memref<800000x32xf32, #tpu.memory_space<hbm>> -> memref<128x32xf32, #tpu.memory_space<hbm>>
        tpu.wait_dma2 semaphore(%arg20 : memref<!tpu.dma_semaphore, #tpu.memory_space<semaphore_mem>>) src(%arg17 : memref<128x32xf32, #tpu.memory_space<vmem>>) dst(%dma_wait3A_126 : memref<128x32xf32, #tpu.memory_space<hbm>>)
        %dma_wait3A_127 = arith.constant 0 : i32
        %dma_wait3A_128 = tpu.memref_slice %arg12[%mul3A_106, %dma_wait3A_127] : memref<800000x32xf32, #tpu.memory_space<hbm>> -> memref<128x32xf32, #tpu.memory_space<hbm>>
        %dma_wait3A_129 = arith.constant 0 : i32
        %dma_wait3A_130 = tpu.memref_slice %arg12[%mul3A_106, %dma_wait3A_129] : memref<800000x32xf32, #tpu.memory_space<hbm>> -> memref<128x32xf32, #tpu.memory_space<hbm>>
        tpu.wait_dma2 semaphore(%arg20 : memref<!tpu.dma_semaphore, #tpu.memory_space<semaphore_mem>>) src(%arg18 : memref<128x32xf32, #tpu.memory_space<vmem>>) dst(%dma_wait3A_130 : memref<128x32xf32, #tpu.memory_space<hbm>>)
      } else {
      }
    }
    %scan3A_5 = arith.constant 196 : i32
    return
  }
}

#map = affine_map<(d0, d1) -> (0, 0)>
module attributes {stable_mosaic.version = 14 : i64} {
  func.func @k(%arg0: i32, %arg1: i32, %arg2: memref<6250x128xi32, #tpu.memory_space<hbm>>, %arg3: memref<6250x128xi32, #tpu.memory_space<hbm>>, %arg4: memref<50176x32xf32, #tpu.memory_space<hbm>>, %arg5: memref<50176x32xf32, #tpu.memory_space<hbm>>, %arg6: memref<50176x32xf32, #tpu.memory_space<hbm>>, %arg7: memref<800000x32xf32, #tpu.memory_space<hbm>>, %arg8: memref<800000x32xf32, #tpu.memory_space<hbm>>, %arg9: memref<800000x32xf32, #tpu.memory_space<hbm>>, %arg10: memref<2x128xi32, #tpu.memory_space<vmem>>, %arg11: memref<128x32xf32, #tpu.memory_space<vmem>>, %arg12: memref<128x32xf32, #tpu.memory_space<vmem>>, %arg13: memref<128x32xf32, #tpu.memory_space<vmem>>, %arg14: memref<!tpu.dma_semaphore, #tpu.memory_space<semaphore_mem>>, %arg15: memref<!tpu.dma_semaphore, #tpu.memory_space<semaphore_mem>>) attributes {dimension_semantics = [#tpu.dimension_semantics<core_parallel>, #tpu.dimension_semantics<subcore_parallel>], iteration_bounds = array<i64: 2, 16>, scalar_prefetch = 0 : i64, scratch_operands = 6 : i64, tpu.core_type = #tpu.core_type<sc_vector_subcore>, window_params = [{transform_indices = #map}, {transform_indices = #map}, {transform_indices = #map}, {transform_indices = #map}, {transform_indices = #map}, {transform_indices = #map}, {transform_indices = #map}, {transform_indices = #map}]} {
    %mul3A = arith.constant 2 : i32
    %mul3A_0 = arith.muli %arg1, %mul3A : i32
    %add3A = arith.addi %mul3A_0, %arg0 : i32
    %scan3A = arith.constant 0 : i32
    %scan3A_1 = arith.constant 0 : i32
    %scan3A_2 = arith.constant 196 : i32
    %scan3A_3 = arith.addi %scan3A_1, %scan3A_2 : i32
    %scan3A_4 = arith.constant 1 : i32
    scf.for %scan3A_6 = %scan3A_1 to %scan3A_3 step %scan3A_4  : i32 {
      %mul3A_7 = arith.constant 32 : i32
      %mul3A_8 = arith.muli %scan3A_6, %mul3A_7 : i32
      %add3A_9 = arith.addi %add3A, %mul3A_8 : i32
      %lt3A = arith.constant 6250 : i32
      %lt3A_10 = arith.cmpi slt, %add3A_9, %lt3A : i32
      %convert_element_type3A = arith.extui %lt3A_10 : i1 to i32
      %cond3A = arith.constant 0 : i32
      %cond3A_11 = arith.cmpi ne, %convert_element_type3A, %cond3A : i32
      scf.if %cond3A_11 {
        %run_scoped3A = arith.constant 0 : i32
        "tpu.region"() ({
          %run_scoped3A_83 = tpu.sem_alloc : memref<!tpu.dma_semaphore, #tpu.memory_space<semaphore_mem>>
          %dma_start3A_84 = arith.constant 0 : i32
          %dma_start3A_85 = tpu.memref_slice %arg10[%run_scoped3A, %dma_start3A_84] : memref<2x128xi32, #tpu.memory_space<vmem>> -> memref<1x128xi32, #tpu.memory_space<vmem>>
          %dma_start3A_86 = tpu.memref_squeeze %dma_start3A_85 : memref<1x128xi32, #tpu.memory_space<vmem>> -> memref<128xi32, #tpu.memory_space<vmem>>
          %dma_start3A_87 = arith.constant 0 : i32
          %dma_start3A_88 = tpu.memref_slice %arg2[%add3A_9, %dma_start3A_87] : memref<6250x128xi32, #tpu.memory_space<hbm>> -> memref<1x128xi32, #tpu.memory_space<hbm>>
          %dma_start3A_89 = tpu.memref_squeeze %dma_start3A_88 : memref<1x128xi32, #tpu.memory_space<hbm>> -> memref<128xi32, #tpu.memory_space<hbm>>
          %dma_start3A_90 = arith.constant 0 : i32
          %dma_start3A_91 = tpu.memref_slice %arg10[%run_scoped3A, %dma_start3A_90] : memref<2x128xi32, #tpu.memory_space<vmem>> -> memref<1x128xi32, #tpu.memory_space<vmem>>
          %dma_start3A_92 = tpu.memref_squeeze %dma_start3A_91 : memref<1x128xi32, #tpu.memory_space<vmem>> -> memref<128xi32, #tpu.memory_space<vmem>>
          %dma_start3A_93 = arith.constant 0 : i32
          %dma_start3A_94 = tpu.memref_slice %arg2[%add3A_9, %dma_start3A_93] : memref<6250x128xi32, #tpu.memory_space<hbm>> -> memref<1x128xi32, #tpu.memory_space<hbm>>
          %dma_start3A_95 = tpu.memref_squeeze %dma_start3A_94 : memref<1x128xi32, #tpu.memory_space<hbm>> -> memref<128xi32, #tpu.memory_space<hbm>>
          tpu.enqueue_dma source(%dma_start3A_95 : memref<128xi32, #tpu.memory_space<hbm>>) target(%dma_start3A_92 : memref<128xi32, #tpu.memory_space<vmem>>) target_semaphore(%run_scoped3A_83 : memref<!tpu.dma_semaphore, #tpu.memory_space<semaphore_mem>>)
          %dma_wait3A_96 = arith.constant 0 : i32
          %dma_wait3A_97 = tpu.memref_slice %arg10[%run_scoped3A, %dma_wait3A_96] : memref<2x128xi32, #tpu.memory_space<vmem>> -> memref<1x128xi32, #tpu.memory_space<vmem>>
          %dma_wait3A_98 = tpu.memref_squeeze %dma_wait3A_97 : memref<1x128xi32, #tpu.memory_space<vmem>> -> memref<128xi32, #tpu.memory_space<vmem>>
          %dma_wait3A_99 = arith.constant 0 : i32
          %dma_wait3A_100 = tpu.memref_slice %arg2[%add3A_9, %dma_wait3A_99] : memref<6250x128xi32, #tpu.memory_space<hbm>> -> memref<1x128xi32, #tpu.memory_space<hbm>>
          %dma_wait3A_101 = tpu.memref_squeeze %dma_wait3A_100 : memref<1x128xi32, #tpu.memory_space<hbm>> -> memref<128xi32, #tpu.memory_space<hbm>>
          %dma_wait3A_102 = arith.constant 0 : i32
          %dma_wait3A_103 = tpu.memref_slice %arg10[%run_scoped3A, %dma_wait3A_102] : memref<2x128xi32, #tpu.memory_space<vmem>> -> memref<1x128xi32, #tpu.memory_space<vmem>>
          %dma_wait3A_104 = tpu.memref_squeeze %dma_wait3A_103 : memref<1x128xi32, #tpu.memory_space<vmem>> -> memref<128xi32, #tpu.memory_space<vmem>>
          %dma_wait3A_105 = arith.constant 0 : i32
          %dma_wait3A_106 = tpu.memref_slice %arg2[%add3A_9, %dma_wait3A_105] : memref<6250x128xi32, #tpu.memory_space<hbm>> -> memref<1x128xi32, #tpu.memory_space<hbm>>
          %dma_wait3A_107 = tpu.memref_squeeze %dma_wait3A_106 : memref<1x128xi32, #tpu.memory_space<hbm>> -> memref<128xi32, #tpu.memory_space<hbm>>
          tpu.wait_dma2 semaphore(%run_scoped3A_83 : memref<!tpu.dma_semaphore, #tpu.memory_space<semaphore_mem>>) src(%dma_wait3A_107 : memref<128xi32, #tpu.memory_space<hbm>>) dst(%dma_wait3A_104 : memref<128xi32, #tpu.memory_space<vmem>>)
          tpu.yield
        }) : () -> ()
        %run_scoped3A_12 = arith.constant 1 : i32
        "tpu.region"() ({
          %run_scoped3A_83 = tpu.sem_alloc : memref<!tpu.dma_semaphore, #tpu.memory_space<semaphore_mem>>
          %dma_start3A_84 = arith.constant 0 : i32
          %dma_start3A_85 = tpu.memref_slice %arg10[%run_scoped3A_12, %dma_start3A_84] : memref<2x128xi32, #tpu.memory_space<vmem>> -> memref<1x128xi32, #tpu.memory_space<vmem>>
          %dma_start3A_86 = tpu.memref_squeeze %dma_start3A_85 : memref<1x128xi32, #tpu.memory_space<vmem>> -> memref<128xi32, #tpu.memory_space<vmem>>
          %dma_start3A_87 = arith.constant 0 : i32
          %dma_start3A_88 = tpu.memref_slice %arg3[%add3A_9, %dma_start3A_87] : memref<6250x128xi32, #tpu.memory_space<hbm>> -> memref<1x128xi32, #tpu.memory_space<hbm>>
          %dma_start3A_89 = tpu.memref_squeeze %dma_start3A_88 : memref<1x128xi32, #tpu.memory_space<hbm>> -> memref<128xi32, #tpu.memory_space<hbm>>
          %dma_start3A_90 = arith.constant 0 : i32
          %dma_start3A_91 = tpu.memref_slice %arg10[%run_scoped3A_12, %dma_start3A_90] : memref<2x128xi32, #tpu.memory_space<vmem>> -> memref<1x128xi32, #tpu.memory_space<vmem>>
          %dma_start3A_92 = tpu.memref_squeeze %dma_start3A_91 : memref<1x128xi32, #tpu.memory_space<vmem>> -> memref<128xi32, #tpu.memory_space<vmem>>
          %dma_start3A_93 = arith.constant 0 : i32
          %dma_start3A_94 = tpu.memref_slice %arg3[%add3A_9, %dma_start3A_93] : memref<6250x128xi32, #tpu.memory_space<hbm>> -> memref<1x128xi32, #tpu.memory_space<hbm>>
          %dma_start3A_95 = tpu.memref_squeeze %dma_start3A_94 : memref<1x128xi32, #tpu.memory_space<hbm>> -> memref<128xi32, #tpu.memory_space<hbm>>
          tpu.enqueue_dma source(%dma_start3A_95 : memref<128xi32, #tpu.memory_space<hbm>>) target(%dma_start3A_92 : memref<128xi32, #tpu.memory_space<vmem>>) target_semaphore(%run_scoped3A_83 : memref<!tpu.dma_semaphore, #tpu.memory_space<semaphore_mem>>)
          %dma_wait3A_96 = arith.constant 0 : i32
          %dma_wait3A_97 = tpu.memref_slice %arg10[%run_scoped3A_12, %dma_wait3A_96] : memref<2x128xi32, #tpu.memory_space<vmem>> -> memref<1x128xi32, #tpu.memory_space<vmem>>
          %dma_wait3A_98 = tpu.memref_squeeze %dma_wait3A_97 : memref<1x128xi32, #tpu.memory_space<vmem>> -> memref<128xi32, #tpu.memory_space<vmem>>
          %dma_wait3A_99 = arith.constant 0 : i32
          %dma_wait3A_100 = tpu.memref_slice %arg3[%add3A_9, %dma_wait3A_99] : memref<6250x128xi32, #tpu.memory_space<hbm>> -> memref<1x128xi32, #tpu.memory_space<hbm>>
          %dma_wait3A_101 = tpu.memref_squeeze %dma_wait3A_100 : memref<1x128xi32, #tpu.memory_space<hbm>> -> memref<128xi32, #tpu.memory_space<hbm>>
          %dma_wait3A_102 = arith.constant 0 : i32
          %dma_wait3A_103 = tpu.memref_slice %arg10[%run_scoped3A_12, %dma_wait3A_102] : memref<2x128xi32, #tpu.memory_space<vmem>> -> memref<1x128xi32, #tpu.memory_space<vmem>>
          %dma_wait3A_104 = tpu.memref_squeeze %dma_wait3A_103 : memref<1x128xi32, #tpu.memory_space<vmem>> -> memref<128xi32, #tpu.memory_space<vmem>>
          %dma_wait3A_105 = arith.constant 0 : i32
          %dma_wait3A_106 = tpu.memref_slice %arg3[%add3A_9, %dma_wait3A_105] : memref<6250x128xi32, #tpu.memory_space<hbm>> -> memref<1x128xi32, #tpu.memory_space<hbm>>
          %dma_wait3A_107 = tpu.memref_squeeze %dma_wait3A_106 : memref<1x128xi32, #tpu.memory_space<hbm>> -> memref<128xi32, #tpu.memory_space<hbm>>
          tpu.wait_dma2 semaphore(%run_scoped3A_83 : memref<!tpu.dma_semaphore, #tpu.memory_space<semaphore_mem>>) src(%dma_wait3A_107 : memref<128xi32, #tpu.memory_space<hbm>>) dst(%dma_wait3A_104 : memref<128xi32, #tpu.memory_space<vmem>>)
          tpu.yield
        }) : () -> ()
        %dma_start3A = arith.constant 0 : i32
        %dma_start3A_13 = arith.constant 0 : i32
        %dma_start3A_14 = tpu.memref_slice %arg10[%dma_start3A, %dma_start3A_13] : memref<2x128xi32, #tpu.memory_space<vmem>> -> memref<1x128xi32, #tpu.memory_space<vmem>>
        %dma_start3A_15 = tpu.memref_squeeze %dma_start3A_14 : memref<1x128xi32, #tpu.memory_space<vmem>> -> memref<128xi32, #tpu.memory_space<vmem>>
        %dma_start3A_16 = arith.constant 0 : i32
        %dma_start3A_17 = arith.constant 0 : i32
        %dma_start3A_18 = tpu.memref_slice %arg4[%dma_start3A_16, %dma_start3A_17] : memref<50176x32xf32, #tpu.memory_space<hbm>> -> memref<50176x32xf32, #tpu.memory_space<hbm>>
        tpu.enqueue_indirect_dma source(%dma_start3A_18 : memref<50176x32xf32, #tpu.memory_space<hbm>>) target(%arg11 : memref<128x32xf32, #tpu.memory_space<vmem>>) offsets(%dma_start3A_15 : memref<128xi32, #tpu.memory_space<vmem>>) semaphore(%arg14 : memref<!tpu.dma_semaphore, #tpu.memory_space<semaphore_mem>>)
        %dma_start3A_19 = arith.constant 0 : i32
        %dma_start3A_20 = arith.constant 0 : i32
        %dma_start3A_21 = tpu.memref_slice %arg10[%dma_start3A_19, %dma_start3A_20] : memref<2x128xi32, #tpu.memory_space<vmem>> -> memref<1x128xi32, #tpu.memory_space<vmem>>
        %dma_start3A_22 = tpu.memref_squeeze %dma_start3A_21 : memref<1x128xi32, #tpu.memory_space<vmem>> -> memref<128xi32, #tpu.memory_space<vmem>>
        %dma_start3A_23 = arith.constant 0 : i32
        %dma_start3A_24 = arith.constant 0 : i32
        %dma_start3A_25 = tpu.memref_slice %arg5[%dma_start3A_23, %dma_start3A_24] : memref<50176x32xf32, #tpu.memory_space<hbm>> -> memref<50176x32xf32, #tpu.memory_space<hbm>>
        tpu.enqueue_indirect_dma source(%dma_start3A_25 : memref<50176x32xf32, #tpu.memory_space<hbm>>) target(%arg12 : memref<128x32xf32, #tpu.memory_space<vmem>>) offsets(%dma_start3A_22 : memref<128xi32, #tpu.memory_space<vmem>>) semaphore(%arg14 : memref<!tpu.dma_semaphore, #tpu.memory_space<semaphore_mem>>)
        %dma_start3A_26 = arith.constant 1 : i32
        %dma_start3A_27 = arith.constant 0 : i32
        %dma_start3A_28 = tpu.memref_slice %arg10[%dma_start3A_26, %dma_start3A_27] : memref<2x128xi32, #tpu.memory_space<vmem>> -> memref<1x128xi32, #tpu.memory_space<vmem>>
        %dma_start3A_29 = tpu.memref_squeeze %dma_start3A_28 : memref<1x128xi32, #tpu.memory_space<vmem>> -> memref<128xi32, #tpu.memory_space<vmem>>
        %dma_start3A_30 = arith.constant 0 : i32
        %dma_start3A_31 = arith.constant 0 : i32
        %dma_start3A_32 = tpu.memref_slice %arg6[%dma_start3A_30, %dma_start3A_31] : memref<50176x32xf32, #tpu.memory_space<hbm>> -> memref<50176x32xf32, #tpu.memory_space<hbm>>
        tpu.enqueue_indirect_dma source(%dma_start3A_32 : memref<50176x32xf32, #tpu.memory_space<hbm>>) target(%arg13 : memref<128x32xf32, #tpu.memory_space<vmem>>) offsets(%dma_start3A_29 : memref<128xi32, #tpu.memory_space<vmem>>) semaphore(%arg14 : memref<!tpu.dma_semaphore, #tpu.memory_space<semaphore_mem>>)
        %dma_wait3A = arith.constant 0 : i32
        %dma_wait3A_33 = arith.constant 0 : i32
        %dma_wait3A_34 = tpu.memref_slice %arg10[%dma_wait3A, %dma_wait3A_33] : memref<2x128xi32, #tpu.memory_space<vmem>> -> memref<1x128xi32, #tpu.memory_space<vmem>>
        %dma_wait3A_35 = tpu.memref_squeeze %dma_wait3A_34 : memref<1x128xi32, #tpu.memory_space<vmem>> -> memref<128xi32, #tpu.memory_space<vmem>>
        %dma_wait3A_36 = arith.constant 0 : i32
        %dma_wait3A_37 = arith.constant 0 : i32
        %dma_wait3A_38 = tpu.memref_slice %arg4[%dma_wait3A_36, %dma_wait3A_37] : memref<50176x32xf32, #tpu.memory_space<hbm>> -> memref<50176x32xf32, #tpu.memory_space<hbm>>
        tpu.wait_indirect_dma semaphore(%arg14 : memref<!tpu.dma_semaphore, #tpu.memory_space<semaphore_mem>>) src(%dma_wait3A_38 : memref<50176x32xf32, #tpu.memory_space<hbm>>) dst(%arg11 : memref<128x32xf32, #tpu.memory_space<vmem>>)
        %dma_wait3A_39 = arith.constant 0 : i32
        %dma_wait3A_40 = arith.constant 0 : i32
        %dma_wait3A_41 = tpu.memref_slice %arg10[%dma_wait3A_39, %dma_wait3A_40] : memref<2x128xi32, #tpu.memory_space<vmem>> -> memref<1x128xi32, #tpu.memory_space<vmem>>
        %dma_wait3A_42 = tpu.memref_squeeze %dma_wait3A_41 : memref<1x128xi32, #tpu.memory_space<vmem>> -> memref<128xi32, #tpu.memory_space<vmem>>
        %dma_wait3A_43 = arith.constant 0 : i32
        %dma_wait3A_44 = arith.constant 0 : i32
        %dma_wait3A_45 = tpu.memref_slice %arg5[%dma_wait3A_43, %dma_wait3A_44] : memref<50176x32xf32, #tpu.memory_space<hbm>> -> memref<50176x32xf32, #tpu.memory_space<hbm>>
        tpu.wait_indirect_dma semaphore(%arg14 : memref<!tpu.dma_semaphore, #tpu.memory_space<semaphore_mem>>) src(%dma_wait3A_45 : memref<50176x32xf32, #tpu.memory_space<hbm>>) dst(%arg12 : memref<128x32xf32, #tpu.memory_space<vmem>>)
        %dma_wait3A_46 = arith.constant 1 : i32
        %dma_wait3A_47 = arith.constant 0 : i32
        %dma_wait3A_48 = tpu.memref_slice %arg10[%dma_wait3A_46, %dma_wait3A_47] : memref<2x128xi32, #tpu.memory_space<vmem>> -> memref<1x128xi32, #tpu.memory_space<vmem>>
        %dma_wait3A_49 = tpu.memref_squeeze %dma_wait3A_48 : memref<1x128xi32, #tpu.memory_space<vmem>> -> memref<128xi32, #tpu.memory_space<vmem>>
        %dma_wait3A_50 = arith.constant 0 : i32
        %dma_wait3A_51 = arith.constant 0 : i32
        %dma_wait3A_52 = tpu.memref_slice %arg6[%dma_wait3A_50, %dma_wait3A_51] : memref<50176x32xf32, #tpu.memory_space<hbm>> -> memref<50176x32xf32, #tpu.memory_space<hbm>>
        tpu.wait_indirect_dma semaphore(%arg14 : memref<!tpu.dma_semaphore, #tpu.memory_space<semaphore_mem>>) src(%dma_wait3A_52 : memref<50176x32xf32, #tpu.memory_space<hbm>>) dst(%arg13 : memref<128x32xf32, #tpu.memory_space<vmem>>)
        %mul3A_53 = arith.constant 128 : i32
        %mul3A_54 = arith.muli %add3A_9, %mul3A_53 : i32
        %dma_start3A_55 = arith.constant 0 : i32
        %dma_start3A_56 = tpu.memref_slice %arg7[%mul3A_54, %dma_start3A_55] : memref<800000x32xf32, #tpu.memory_space<hbm>> -> memref<128x32xf32, #tpu.memory_space<hbm>>
        %dma_start3A_57 = arith.constant 0 : i32
        %dma_start3A_58 = tpu.memref_slice %arg7[%mul3A_54, %dma_start3A_57] : memref<800000x32xf32, #tpu.memory_space<hbm>> -> memref<128x32xf32, #tpu.memory_space<hbm>>
        tpu.enqueue_dma source(%arg11 : memref<128x32xf32, #tpu.memory_space<vmem>>) target(%dma_start3A_58 : memref<128x32xf32, #tpu.memory_space<hbm>>) target_semaphore(%arg15 : memref<!tpu.dma_semaphore, #tpu.memory_space<semaphore_mem>>)
        %mul3A_59 = arith.constant 128 : i32
        %mul3A_60 = arith.muli %add3A_9, %mul3A_59 : i32
        %dma_start3A_61 = arith.constant 0 : i32
        %dma_start3A_62 = tpu.memref_slice %arg8[%mul3A_60, %dma_start3A_61] : memref<800000x32xf32, #tpu.memory_space<hbm>> -> memref<128x32xf32, #tpu.memory_space<hbm>>
        %dma_start3A_63 = arith.constant 0 : i32
        %dma_start3A_64 = tpu.memref_slice %arg8[%mul3A_60, %dma_start3A_63] : memref<800000x32xf32, #tpu.memory_space<hbm>> -> memref<128x32xf32, #tpu.memory_space<hbm>>
        tpu.enqueue_dma source(%arg12 : memref<128x32xf32, #tpu.memory_space<vmem>>) target(%dma_start3A_64 : memref<128x32xf32, #tpu.memory_space<hbm>>) target_semaphore(%arg15 : memref<!tpu.dma_semaphore, #tpu.memory_space<semaphore_mem>>)
        %mul3A_65 = arith.constant 128 : i32
        %mul3A_66 = arith.muli %add3A_9, %mul3A_65 : i32
        %dma_start3A_67 = arith.constant 0 : i32
        %dma_start3A_68 = tpu.memref_slice %arg9[%mul3A_66, %dma_start3A_67] : memref<800000x32xf32, #tpu.memory_space<hbm>> -> memref<128x32xf32, #tpu.memory_space<hbm>>
        %dma_start3A_69 = arith.constant 0 : i32
        %dma_start3A_70 = tpu.memref_slice %arg9[%mul3A_66, %dma_start3A_69] : memref<800000x32xf32, #tpu.memory_space<hbm>> -> memref<128x32xf32, #tpu.memory_space<hbm>>
        tpu.enqueue_dma source(%arg13 : memref<128x32xf32, #tpu.memory_space<vmem>>) target(%dma_start3A_70 : memref<128x32xf32, #tpu.memory_space<hbm>>) target_semaphore(%arg15 : memref<!tpu.dma_semaphore, #tpu.memory_space<semaphore_mem>>)
        %dma_wait3A_71 = arith.constant 0 : i32
        %dma_wait3A_72 = tpu.memref_slice %arg7[%mul3A_54, %dma_wait3A_71] : memref<800000x32xf32, #tpu.memory_space<hbm>> -> memref<128x32xf32, #tpu.memory_space<hbm>>
        %dma_wait3A_73 = arith.constant 0 : i32
        %dma_wait3A_74 = tpu.memref_slice %arg7[%mul3A_54, %dma_wait3A_73] : memref<800000x32xf32, #tpu.memory_space<hbm>> -> memref<128x32xf32, #tpu.memory_space<hbm>>
        tpu.wait_dma2 semaphore(%arg15 : memref<!tpu.dma_semaphore, #tpu.memory_space<semaphore_mem>>) src(%arg11 : memref<128x32xf32, #tpu.memory_space<vmem>>) dst(%dma_wait3A_74 : memref<128x32xf32, #tpu.memory_space<hbm>>)
        %dma_wait3A_75 = arith.constant 0 : i32
        %dma_wait3A_76 = tpu.memref_slice %arg8[%mul3A_60, %dma_wait3A_75] : memref<800000x32xf32, #tpu.memory_space<hbm>> -> memref<128x32xf32, #tpu.memory_space<hbm>>
        %dma_wait3A_77 = arith.constant 0 : i32
        %dma_wait3A_78 = tpu.memref_slice %arg8[%mul3A_60, %dma_wait3A_77] : memref<800000x32xf32, #tpu.memory_space<hbm>> -> memref<128x32xf32, #tpu.memory_space<hbm>>
        tpu.wait_dma2 semaphore(%arg15 : memref<!tpu.dma_semaphore, #tpu.memory_space<semaphore_mem>>) src(%arg12 : memref<128x32xf32, #tpu.memory_space<vmem>>) dst(%dma_wait3A_78 : memref<128x32xf32, #tpu.memory_space<hbm>>)
        %dma_wait3A_79 = arith.constant 0 : i32
        %dma_wait3A_80 = tpu.memref_slice %arg9[%mul3A_66, %dma_wait3A_79] : memref<800000x32xf32, #tpu.memory_space<hbm>> -> memref<128x32xf32, #tpu.memory_space<hbm>>
        %dma_wait3A_81 = arith.constant 0 : i32
        %dma_wait3A_82 = tpu.memref_slice %arg9[%mul3A_66, %dma_wait3A_81] : memref<800000x32xf32, #tpu.memory_space<hbm>> -> memref<128x32xf32, #tpu.memory_space<hbm>>
        tpu.wait_dma2 semaphore(%arg15 : memref<!tpu.dma_semaphore, #tpu.memory_space<semaphore_mem>>) src(%arg13 : memref<128x32xf32, #tpu.memory_space<vmem>>) dst(%dma_wait3A_82 : memref<128x32xf32, #tpu.memory_space<hbm>>)
      } else {
      }
    }
    %scan3A_5 = arith.constant 196 : i32
    return
  }
}

#map = affine_map<(d0, d1) -> (0, 0)>
#map1 = affine_map<(d0, d1) -> (0, 0, 0)>
module attributes {stable_mosaic.version = 14 : i64} {
  func.func @k(%arg0: i32, %arg1: i32, %arg2: memref<800000x32xf32, #tpu.memory_space<hbm>>, %arg3: memref<800000x4xf32, #tpu.memory_space<hbm>>, %arg4: memref<6250x128xi32, #tpu.memory_space<hbm>>, %arg5: memref<50176x32xf32, #tpu.memory_space<hbm>>, %arg6: memref<50176x4xf32, #tpu.memory_space<hbm>>, %arg7: memref<2x50176x32xf32, #tpu.memory_space<hbm>>, %arg8: memref<2x50176x4xf32, #tpu.memory_space<hbm>>, %arg9: memref<1x128xi32, #tpu.memory_space<vmem>>, %arg10: memref<128x32xf32, #tpu.memory_space<vmem>>, %arg11: memref<128x4xf32, #tpu.memory_space<vmem>>, %arg12: memref<50176x32xf32, #tpu.memory_space<vmem_shared>>, %arg13: memref<50176x4xf32, #tpu.memory_space<vmem_shared>>, %arg14: memref<!tpu.dma_semaphore, #tpu.memory_space<semaphore_mem>>) attributes {dimension_semantics = [#tpu.dimension_semantics<core_parallel>, #tpu.dimension_semantics<subcore_parallel>], iteration_bounds = array<i64: 2, 16>, scalar_prefetch = 0 : i64, scratch_operands = 6 : i64, tpu.core_type = #tpu.core_type<sc_vector_subcore>, window_params = [{transform_indices = #map}, {transform_indices = #map}, {transform_indices = #map}, {transform_indices = #map}, {transform_indices = #map}, {transform_indices = #map1}, {transform_indices = #map1}]} {
    %mul3A = arith.constant 2 : i32
    %mul3A_0 = arith.muli %arg1, %mul3A : i32
    %add3A = arith.addi %mul3A_0, %arg0 : i32
    %mul3A_1 = arith.constant 3136 : i32
    %mul3A_2 = arith.muli %arg1, %mul3A_1 : i32
    %mul3A_3 = arith.constant 3136 : i32
    %mul3A_4 = arith.muli %arg1, %mul3A_3 : i32
    "tpu.region"() ({
      %run_scoped3A = tpu.sem_alloc : memref<!tpu.dma_semaphore, #tpu.memory_space<semaphore_mem>>
      %dma_start3A = arith.constant 0 : i32
      %dma_start3A_23 = tpu.memref_slice %arg12[%mul3A_4, %dma_start3A] : memref<50176x32xf32, #tpu.memory_space<vmem_shared>> -> memref<3136x32xf32, #tpu.memory_space<vmem_shared>>
      %dma_start3A_24 = arith.constant 0 : i32
      %dma_start3A_25 = tpu.memref_slice %arg5[%mul3A_2, %dma_start3A_24] : memref<50176x32xf32, #tpu.memory_space<hbm>> -> memref<3136x32xf32, #tpu.memory_space<hbm>>
      tpu.enqueue_dma source(%dma_start3A_25 : memref<3136x32xf32, #tpu.memory_space<hbm>>) target(%dma_start3A_23 : memref<3136x32xf32, #tpu.memory_space<vmem_shared>>) target_semaphore(%run_scoped3A : memref<!tpu.dma_semaphore, #tpu.memory_space<semaphore_mem>>)
      %dma_wait3A = arith.constant 0 : i32
      %dma_wait3A_26 = tpu.memref_slice %arg12[%mul3A_4, %dma_wait3A] : memref<50176x32xf32, #tpu.memory_space<vmem_shared>> -> memref<3136x32xf32, #tpu.memory_space<vmem_shared>>
      %dma_wait3A_27 = arith.constant 0 : i32
      %dma_wait3A_28 = tpu.memref_slice %arg5[%mul3A_2, %dma_wait3A_27] : memref<50176x32xf32, #tpu.memory_space<hbm>> -> memref<3136x32xf32, #tpu.memory_space<hbm>>
      tpu.wait_dma2 semaphore(%run_scoped3A : memref<!tpu.dma_semaphore, #tpu.memory_space<semaphore_mem>>) src(%dma_wait3A_28 : memref<3136x32xf32, #tpu.memory_space<hbm>>) dst(%dma_wait3A_26 : memref<3136x32xf32, #tpu.memory_space<vmem_shared>>)
      tpu.yield
    }) : () -> ()
    %mul3A_5 = arith.constant 3136 : i32
    %mul3A_6 = arith.muli %arg1, %mul3A_5 : i32
    %mul3A_7 = arith.constant 3136 : i32
    %mul3A_8 = arith.muli %arg1, %mul3A_7 : i32
    "tpu.region"() ({
      %run_scoped3A = tpu.sem_alloc : memref<!tpu.dma_semaphore, #tpu.memory_space<semaphore_mem>>
      %dma_start3A = arith.constant 0 : i32
      %dma_start3A_23 = tpu.memref_slice %arg13[%mul3A_8, %dma_start3A] : memref<50176x4xf32, #tpu.memory_space<vmem_shared>> -> memref<3136x4xf32, #tpu.memory_space<vmem_shared>>
      %dma_start3A_24 = arith.constant 0 : i32
      %dma_start3A_25 = tpu.memref_slice %arg6[%mul3A_6, %dma_start3A_24] : memref<50176x4xf32, #tpu.memory_space<hbm>> -> memref<3136x4xf32, #tpu.memory_space<hbm>>
      tpu.enqueue_dma source(%dma_start3A_25 : memref<3136x4xf32, #tpu.memory_space<hbm>>) target(%dma_start3A_23 : memref<3136x4xf32, #tpu.memory_space<vmem_shared>>) target_semaphore(%run_scoped3A : memref<!tpu.dma_semaphore, #tpu.memory_space<semaphore_mem>>)
      %dma_wait3A = arith.constant 0 : i32
      %dma_wait3A_26 = tpu.memref_slice %arg13[%mul3A_8, %dma_wait3A] : memref<50176x4xf32, #tpu.memory_space<vmem_shared>> -> memref<3136x4xf32, #tpu.memory_space<vmem_shared>>
      %dma_wait3A_27 = arith.constant 0 : i32
      %dma_wait3A_28 = tpu.memref_slice %arg6[%mul3A_6, %dma_wait3A_27] : memref<50176x4xf32, #tpu.memory_space<hbm>> -> memref<3136x4xf32, #tpu.memory_space<hbm>>
      tpu.wait_dma2 semaphore(%run_scoped3A : memref<!tpu.dma_semaphore, #tpu.memory_space<semaphore_mem>>) src(%dma_wait3A_28 : memref<3136x4xf32, #tpu.memory_space<hbm>>) dst(%dma_wait3A_26 : memref<3136x4xf32, #tpu.memory_space<vmem_shared>>)
      tpu.yield
    }) : () -> ()
    %barrier3A = arith.constant 0 : index
    tpu.barrier barrier_id(%barrier3A)
    %scan3A = arith.constant 0 : i32
    %scan3A_9 = arith.constant 0 : i32
    %scan3A_10 = arith.constant 196 : i32
    %scan3A_11 = arith.addi %scan3A_9, %scan3A_10 : i32
    %scan3A_12 = arith.constant 1 : i32
    scf.for %scan3A_23 = %scan3A_9 to %scan3A_11 step %scan3A_12  : i32 {
      %mul3A_24 = arith.constant 32 : i32
      %mul3A_25 = arith.muli %scan3A_23, %mul3A_24 : i32
      %add3A_26 = arith.addi %add3A, %mul3A_25 : i32
      %lt3A = arith.constant 6250 : i32
      %lt3A_27 = arith.cmpi slt, %add3A_26, %lt3A : i32
      %convert_element_type3A = arith.extui %lt3A_27 : i1 to i32
      %cond3A = arith.constant 0 : i32
      %cond3A_28 = arith.cmpi ne, %convert_element_type3A, %cond3A : i32
      scf.if %cond3A_28 {
        %run_scoped3A = arith.constant 0 : i32
        "tpu.region"() ({
          %run_scoped3A_49 = tpu.sem_alloc : memref<!tpu.dma_semaphore, #tpu.memory_space<semaphore_mem>>
          %dma_start3A_50 = arith.constant 0 : i32
          %dma_start3A_51 = tpu.memref_slice %arg9[%run_scoped3A, %dma_start3A_50] : memref<1x128xi32, #tpu.memory_space<vmem>> -> memref<1x128xi32, #tpu.memory_space<vmem>>
          %dma_start3A_52 = tpu.memref_squeeze %dma_start3A_51 : memref<1x128xi32, #tpu.memory_space<vmem>> -> memref<128xi32, #tpu.memory_space<vmem>>
          %dma_start3A_53 = arith.constant 0 : i32
          %dma_start3A_54 = tpu.memref_slice %arg4[%add3A_26, %dma_start3A_53] : memref<6250x128xi32, #tpu.memory_space<hbm>> -> memref<1x128xi32, #tpu.memory_space<hbm>>
          %dma_start3A_55 = tpu.memref_squeeze %dma_start3A_54 : memref<1x128xi32, #tpu.memory_space<hbm>> -> memref<128xi32, #tpu.memory_space<hbm>>
          %dma_start3A_56 = arith.constant 0 : i32
          %dma_start3A_57 = tpu.memref_slice %arg9[%run_scoped3A, %dma_start3A_56] : memref<1x128xi32, #tpu.memory_space<vmem>> -> memref<1x128xi32, #tpu.memory_space<vmem>>
          %dma_start3A_58 = tpu.memref_squeeze %dma_start3A_57 : memref<1x128xi32, #tpu.memory_space<vmem>> -> memref<128xi32, #tpu.memory_space<vmem>>
          %dma_start3A_59 = arith.constant 0 : i32
          %dma_start3A_60 = tpu.memref_slice %arg4[%add3A_26, %dma_start3A_59] : memref<6250x128xi32, #tpu.memory_space<hbm>> -> memref<1x128xi32, #tpu.memory_space<hbm>>
          %dma_start3A_61 = tpu.memref_squeeze %dma_start3A_60 : memref<1x128xi32, #tpu.memory_space<hbm>> -> memref<128xi32, #tpu.memory_space<hbm>>
          tpu.enqueue_dma source(%dma_start3A_61 : memref<128xi32, #tpu.memory_space<hbm>>) target(%dma_start3A_58 : memref<128xi32, #tpu.memory_space<vmem>>) target_semaphore(%run_scoped3A_49 : memref<!tpu.dma_semaphore, #tpu.memory_space<semaphore_mem>>)
          %dma_wait3A_62 = arith.constant 0 : i32
          %dma_wait3A_63 = tpu.memref_slice %arg9[%run_scoped3A, %dma_wait3A_62] : memref<1x128xi32, #tpu.memory_space<vmem>> -> memref<1x128xi32, #tpu.memory_space<vmem>>
          %dma_wait3A_64 = tpu.memref_squeeze %dma_wait3A_63 : memref<1x128xi32, #tpu.memory_space<vmem>> -> memref<128xi32, #tpu.memory_space<vmem>>
          %dma_wait3A_65 = arith.constant 0 : i32
          %dma_wait3A_66 = tpu.memref_slice %arg4[%add3A_26, %dma_wait3A_65] : memref<6250x128xi32, #tpu.memory_space<hbm>> -> memref<1x128xi32, #tpu.memory_space<hbm>>
          %dma_wait3A_67 = tpu.memref_squeeze %dma_wait3A_66 : memref<1x128xi32, #tpu.memory_space<hbm>> -> memref<128xi32, #tpu.memory_space<hbm>>
          %dma_wait3A_68 = arith.constant 0 : i32
          %dma_wait3A_69 = tpu.memref_slice %arg9[%run_scoped3A, %dma_wait3A_68] : memref<1x128xi32, #tpu.memory_space<vmem>> -> memref<1x128xi32, #tpu.memory_space<vmem>>
          %dma_wait3A_70 = tpu.memref_squeeze %dma_wait3A_69 : memref<1x128xi32, #tpu.memory_space<vmem>> -> memref<128xi32, #tpu.memory_space<vmem>>
          %dma_wait3A_71 = arith.constant 0 : i32
          %dma_wait3A_72 = tpu.memref_slice %arg4[%add3A_26, %dma_wait3A_71] : memref<6250x128xi32, #tpu.memory_space<hbm>> -> memref<1x128xi32, #tpu.memory_space<hbm>>
          %dma_wait3A_73 = tpu.memref_squeeze %dma_wait3A_72 : memref<1x128xi32, #tpu.memory_space<hbm>> -> memref<128xi32, #tpu.memory_space<hbm>>
          tpu.wait_dma2 semaphore(%run_scoped3A_49 : memref<!tpu.dma_semaphore, #tpu.memory_space<semaphore_mem>>) src(%dma_wait3A_73 : memref<128xi32, #tpu.memory_space<hbm>>) dst(%dma_wait3A_70 : memref<128xi32, #tpu.memory_space<vmem>>)
          tpu.yield
        }) : () -> ()
        %mul3A_29 = arith.constant 128 : i32
        %mul3A_30 = arith.muli %add3A_26, %mul3A_29 : i32
        %dma_start3A = arith.constant 0 : i32
        %dma_start3A_31 = tpu.memref_slice %arg2[%mul3A_30, %dma_start3A] : memref<800000x32xf32, #tpu.memory_space<hbm>> -> memref<128x32xf32, #tpu.memory_space<hbm>>
        %dma_start3A_32 = arith.constant 0 : i32
        %dma_start3A_33 = tpu.memref_slice %arg2[%mul3A_30, %dma_start3A_32] : memref<800000x32xf32, #tpu.memory_space<hbm>> -> memref<128x32xf32, #tpu.memory_space<hbm>>
        tpu.enqueue_dma source(%dma_start3A_33 : memref<128x32xf32, #tpu.memory_space<hbm>>) target(%arg10 : memref<128x32xf32, #tpu.memory_space<vmem>>) target_semaphore(%arg14 : memref<!tpu.dma_semaphore, #tpu.memory_space<semaphore_mem>>)
        %mul3A_34 = arith.constant 128 : i32
        %mul3A_35 = arith.muli %add3A_26, %mul3A_34 : i32
        %dma_start3A_36 = arith.constant 0 : i32
        %dma_start3A_37 = tpu.memref_slice %arg3[%mul3A_35, %dma_start3A_36] : memref<800000x4xf32, #tpu.memory_space<hbm>> -> memref<128x4xf32, #tpu.memory_space<hbm>>
        %dma_start3A_38 = arith.constant 0 : i32
        %dma_start3A_39 = tpu.memref_slice %arg3[%mul3A_35, %dma_start3A_38] : memref<800000x4xf32, #tpu.memory_space<hbm>> -> memref<128x4xf32, #tpu.memory_space<hbm>>
        tpu.enqueue_dma source(%dma_start3A_39 : memref<128x4xf32, #tpu.memory_space<hbm>>) target(%arg11 : memref<128x4xf32, #tpu.memory_space<vmem>>) target_semaphore(%arg14 : memref<!tpu.dma_semaphore, #tpu.memory_space<semaphore_mem>>)
        %dma_wait3A = arith.constant 0 : i32
        %dma_wait3A_40 = tpu.memref_slice %arg2[%mul3A_30, %dma_wait3A] : memref<800000x32xf32, #tpu.memory_space<hbm>> -> memref<128x32xf32, #tpu.memory_space<hbm>>
        %dma_wait3A_41 = arith.constant 0 : i32
        %dma_wait3A_42 = tpu.memref_slice %arg2[%mul3A_30, %dma_wait3A_41] : memref<800000x32xf32, #tpu.memory_space<hbm>> -> memref<128x32xf32, #tpu.memory_space<hbm>>
        tpu.wait_dma2 semaphore(%arg14 : memref<!tpu.dma_semaphore, #tpu.memory_space<semaphore_mem>>) src(%dma_wait3A_42 : memref<128x32xf32, #tpu.memory_space<hbm>>) dst(%arg10 : memref<128x32xf32, #tpu.memory_space<vmem>>)
        %dma_wait3A_43 = arith.constant 0 : i32
        %dma_wait3A_44 = tpu.memref_slice %arg3[%mul3A_35, %dma_wait3A_43] : memref<800000x4xf32, #tpu.memory_space<hbm>> -> memref<128x4xf32, #tpu.memory_space<hbm>>
        %dma_wait3A_45 = arith.constant 0 : i32
        %dma_wait3A_46 = tpu.memref_slice %arg3[%mul3A_35, %dma_wait3A_45] : memref<800000x4xf32, #tpu.memory_space<hbm>> -> memref<128x4xf32, #tpu.memory_space<hbm>>
        tpu.wait_dma2 semaphore(%arg14 : memref<!tpu.dma_semaphore, #tpu.memory_space<semaphore_mem>>) src(%dma_wait3A_46 : memref<128x4xf32, #tpu.memory_space<hbm>>) dst(%arg11 : memref<128x4xf32, #tpu.memory_space<vmem>>)
        %run_scoped3A_47 = arith.constant 0 : i32
        "tpu.region"() ({
          %run_scoped3A_49 = tpu.sem_alloc : memref<!tpu.dma_semaphore, #tpu.memory_space<semaphore_mem>>
          %dma_start3A_50 = arith.constant 0 : i32
          %dma_start3A_51 = tpu.memref_slice %arg9[%run_scoped3A_47, %dma_start3A_50] : memref<1x128xi32, #tpu.memory_space<vmem>> -> memref<1x128xi32, #tpu.memory_space<vmem>>
          %dma_start3A_52 = tpu.memref_squeeze %dma_start3A_51 : memref<1x128xi32, #tpu.memory_space<vmem>> -> memref<128xi32, #tpu.memory_space<vmem>>
          %dma_start3A_53 = arith.constant 0 : i32
          %dma_start3A_54 = arith.constant 0 : i32
          %dma_start3A_55 = tpu.memref_slice %arg12[%dma_start3A_53, %dma_start3A_54] : memref<50176x32xf32, #tpu.memory_space<vmem_shared>> -> memref<50176x32xf32, #tpu.memory_space<vmem_shared>>
          tpu.enqueue_indirect_dma source(%arg10 : memref<128x32xf32, #tpu.memory_space<vmem>>) target(%dma_start3A_55 : memref<50176x32xf32, #tpu.memory_space<vmem_shared>>) offsets(%dma_start3A_52 : memref<128xi32, #tpu.memory_space<vmem>>) semaphore(%run_scoped3A_49 : memref<!tpu.dma_semaphore, #tpu.memory_space<semaphore_mem>>) {add = true}
          %dma_wait3A_56 = arith.constant 0 : i32
          %dma_wait3A_57 = tpu.memref_slice %arg9[%run_scoped3A_47, %dma_wait3A_56] : memref<1x128xi32, #tpu.memory_space<vmem>> -> memref<1x128xi32, #tpu.memory_space<vmem>>
          %dma_wait3A_58 = tpu.memref_squeeze %dma_wait3A_57 : memref<1x128xi32, #tpu.memory_space<vmem>> -> memref<128xi32, #tpu.memory_space<vmem>>
          %dma_wait3A_59 = arith.constant 0 : i32
          %dma_wait3A_60 = arith.constant 0 : i32
          %dma_wait3A_61 = tpu.memref_slice %arg12[%dma_wait3A_59, %dma_wait3A_60] : memref<50176x32xf32, #tpu.memory_space<vmem_shared>> -> memref<50176x32xf32, #tpu.memory_space<vmem_shared>>
          tpu.wait_indirect_dma semaphore(%run_scoped3A_49 : memref<!tpu.dma_semaphore, #tpu.memory_space<semaphore_mem>>) src(%arg10 : memref<128x32xf32, #tpu.memory_space<vmem>>) dst(%dma_wait3A_61 : memref<50176x32xf32, #tpu.memory_space<vmem_shared>>)
          tpu.yield
        }) : () -> ()
        %run_scoped3A_48 = arith.constant 0 : i32
        "tpu.region"() ({
          %run_scoped3A_49 = tpu.sem_alloc : memref<!tpu.dma_semaphore, #tpu.memory_space<semaphore_mem>>
          %dma_start3A_50 = arith.constant 0 : i32
          %dma_start3A_51 = tpu.memref_slice %arg9[%run_scoped3A_48, %dma_start3A_50] : memref<1x128xi32, #tpu.memory_space<vmem>> -> memref<1x128xi32, #tpu.memory_space<vmem>>
          %dma_start3A_52 = tpu.memref_squeeze %dma_start3A_51 : memref<1x128xi32, #tpu.memory_space<vmem>> -> memref<128xi32, #tpu.memory_space<vmem>>
          %dma_start3A_53 = arith.constant 0 : i32
          %dma_start3A_54 = arith.constant 0 : i32
          %dma_start3A_55 = tpu.memref_slice %arg13[%dma_start3A_53, %dma_start3A_54] : memref<50176x4xf32, #tpu.memory_space<vmem_shared>> -> memref<50176x4xf32, #tpu.memory_space<vmem_shared>>
          tpu.enqueue_indirect_dma source(%arg11 : memref<128x4xf32, #tpu.memory_space<vmem>>) target(%dma_start3A_55 : memref<50176x4xf32, #tpu.memory_space<vmem_shared>>) offsets(%dma_start3A_52 : memref<128xi32, #tpu.memory_space<vmem>>) semaphore(%run_scoped3A_49 : memref<!tpu.dma_semaphore, #tpu.memory_space<semaphore_mem>>) {add = true}
          %dma_wait3A_56 = arith.constant 0 : i32
          %dma_wait3A_57 = tpu.memref_slice %arg9[%run_scoped3A_48, %dma_wait3A_56] : memref<1x128xi32, #tpu.memory_space<vmem>> -> memref<1x128xi32, #tpu.memory_space<vmem>>
          %dma_wait3A_58 = tpu.memref_squeeze %dma_wait3A_57 : memref<1x128xi32, #tpu.memory_space<vmem>> -> memref<128xi32, #tpu.memory_space<vmem>>
          %dma_wait3A_59 = arith.constant 0 : i32
          %dma_wait3A_60 = arith.constant 0 : i32
          %dma_wait3A_61 = tpu.memref_slice %arg13[%dma_wait3A_59, %dma_wait3A_60] : memref<50176x4xf32, #tpu.memory_space<vmem_shared>> -> memref<50176x4xf32, #tpu.memory_space<vmem_shared>>
          tpu.wait_indirect_dma semaphore(%run_scoped3A_49 : memref<!tpu.dma_semaphore, #tpu.memory_space<semaphore_mem>>) src(%arg11 : memref<128x4xf32, #tpu.memory_space<vmem>>) dst(%dma_wait3A_61 : memref<50176x4xf32, #tpu.memory_space<vmem_shared>>)
          tpu.yield
        }) : () -> ()
      } else {
      }
    }
    %scan3A_13 = arith.constant 196 : i32
    %barrier3A_14 = arith.constant 0 : index
    tpu.barrier barrier_id(%barrier3A_14)
    %mul3A_15 = arith.constant 3136 : i32
    %mul3A_16 = arith.muli %arg1, %mul3A_15 : i32
    %mul3A_17 = arith.constant 3136 : i32
    %mul3A_18 = arith.muli %arg1, %mul3A_17 : i32
    "tpu.region"() ({
      %run_scoped3A = tpu.sem_alloc : memref<!tpu.dma_semaphore, #tpu.memory_space<semaphore_mem>>
      %dma_start3A = arith.constant 0 : i32
      %dma_start3A_23 = tpu.memref_slice %arg7[%arg0, %mul3A_18, %dma_start3A] : memref<2x50176x32xf32, #tpu.memory_space<hbm>> -> memref<1x3136x32xf32, #tpu.memory_space<hbm>>
      %dma_start3A_24 = tpu.memref_squeeze %dma_start3A_23 : memref<1x3136x32xf32, #tpu.memory_space<hbm>> -> memref<3136x32xf32, #tpu.memory_space<hbm>>
      %dma_start3A_25 = arith.constant 0 : i32
      %dma_start3A_26 = tpu.memref_slice %arg12[%mul3A_16, %dma_start3A_25] : memref<50176x32xf32, #tpu.memory_space<vmem_shared>> -> memref<3136x32xf32, #tpu.memory_space<vmem_shared>>
      tpu.enqueue_dma source(%dma_start3A_26 : memref<3136x32xf32, #tpu.memory_space<vmem_shared>>) target(%dma_start3A_24 : memref<3136x32xf32, #tpu.memory_space<hbm>>) target_semaphore(%run_scoped3A : memref<!tpu.dma_semaphore, #tpu.memory_space<semaphore_mem>>)
      %dma_wait3A = arith.constant 0 : i32
      %dma_wait3A_27 = tpu.memref_slice %arg7[%arg0, %mul3A_18, %dma_wait3A] : memref<2x50176x32xf32, #tpu.memory_space<hbm>> -> memref<1x3136x32xf32, #tpu.memory_space<hbm>>
      %dma_wait3A_28 = tpu.memref_squeeze %dma_wait3A_27 : memref<1x3136x32xf32, #tpu.memory_space<hbm>> -> memref<3136x32xf32, #tpu.memory_space<hbm>>
      %dma_wait3A_29 = arith.constant 0 : i32
      %dma_wait3A_30 = tpu.memref_slice %arg12[%mul3A_16, %dma_wait3A_29] : memref<50176x32xf32, #tpu.memory_space<vmem_shared>> -> memref<3136x32xf32, #tpu.memory_space<vmem_shared>>
      tpu.wait_dma2 semaphore(%run_scoped3A : memref<!tpu.dma_semaphore, #tpu.memory_space<semaphore_mem>>) src(%dma_wait3A_30 : memref<3136x32xf32, #tpu.memory_space<vmem_shared>>) dst(%dma_wait3A_28 : memref<3136x32xf32, #tpu.memory_space<hbm>>)
      tpu.yield
    }) : () -> ()
    %mul3A_19 = arith.constant 3136 : i32
    %mul3A_20 = arith.muli %arg1, %mul3A_19 : i32
    %mul3A_21 = arith.constant 3136 : i32
    %mul3A_22 = arith.muli %arg1, %mul3A_21 : i32
    "tpu.region"() ({
      %run_scoped3A = tpu.sem_alloc : memref<!tpu.dma_semaphore, #tpu.memory_space<semaphore_mem>>
      %dma_start3A = arith.constant 0 : i32
      %dma_start3A_23 = tpu.memref_slice %arg8[%arg0, %mul3A_22, %dma_start3A] : memref<2x50176x4xf32, #tpu.memory_space<hbm>> -> memref<1x3136x4xf32, #tpu.memory_space<hbm>>
      %dma_start3A_24 = tpu.memref_squeeze %dma_start3A_23 : memref<1x3136x4xf32, #tpu.memory_space<hbm>> -> memref<3136x4xf32, #tpu.memory_space<hbm>>
      %dma_start3A_25 = arith.constant 0 : i32
      %dma_start3A_26 = tpu.memref_slice %arg13[%mul3A_20, %dma_start3A_25] : memref<50176x4xf32, #tpu.memory_space<vmem_shared>> -> memref<3136x4xf32, #tpu.memory_space<vmem_shared>>
      tpu.enqueue_dma source(%dma_start3A_26 : memref<3136x4xf32, #tpu.memory_space<vmem_shared>>) target(%dma_start3A_24 : memref<3136x4xf32, #tpu.memory_space<hbm>>) target_semaphore(%run_scoped3A : memref<!tpu.dma_semaphore, #tpu.memory_space<semaphore_mem>>)
      %dma_wait3A = arith.constant 0 : i32
      %dma_wait3A_27 = tpu.memref_slice %arg8[%arg0, %mul3A_22, %dma_wait3A] : memref<2x50176x4xf32, #tpu.memory_space<hbm>> -> memref<1x3136x4xf32, #tpu.memory_space<hbm>>
      %dma_wait3A_28 = tpu.memref_squeeze %dma_wait3A_27 : memref<1x3136x4xf32, #tpu.memory_space<hbm>> -> memref<3136x4xf32, #tpu.memory_space<hbm>>
      %dma_wait3A_29 = arith.constant 0 : i32
      %dma_wait3A_30 = tpu.memref_slice %arg13[%mul3A_20, %dma_wait3A_29] : memref<50176x4xf32, #tpu.memory_space<vmem_shared>> -> memref<3136x4xf32, #tpu.memory_space<vmem_shared>>
      tpu.wait_dma2 semaphore(%run_scoped3A : memref<!tpu.dma_semaphore, #tpu.memory_space<semaphore_mem>>) src(%dma_wait3A_30 : memref<3136x4xf32, #tpu.memory_space<vmem_shared>>) dst(%dma_wait3A_28 : memref<3136x4xf32, #tpu.memory_space<hbm>>)
      tpu.yield
    }) : () -> ()
    return
  }
}

module attributes {stable_mosaic.version = 14 : i64} {
  func.func @_proj0_body(%arg0: i32, %arg1: memref<784x64xf32, #tpu.memory_space<vmem>>, %arg2: memref<64x128xf32, #tpu.memory_space<vmem>>, %arg3: memref<64x128xf32, #tpu.memory_space<vmem>>, %arg4: memref<64x128xf32, #tpu.memory_space<vmem>>, %arg5: memref<64x128xf32, #tpu.memory_space<vmem>>, %arg6: memref<1x128xf32, #tpu.memory_space<vmem>>, %arg7: memref<784x128xf32, #tpu.memory_space<vmem>>, %arg8: memref<784x128xf32, #tpu.memory_space<vmem>>, %arg9: memref<784x128xf32, #tpu.memory_space<vmem>>, %arg10: memref<784x128xf32, #tpu.memory_space<vmem>>) attributes {dimension_semantics = [#tpu.dimension_semantics<arbitrary>], iteration_bounds = array<i64: 16>, scalar_prefetch = 0 : i64, scratch_operands = 0 : i64, tpu.core_type = #tpu.core_type<tc>, window_params = [{transform_indices = @transform_0, window_bounds = array<i64: 784, 64>}, {pipeline_mode = #tpu.pipeline_mode<synchronous>, transform_indices = @transform_1, window_bounds = array<i64: 64, 128>}, {pipeline_mode = #tpu.pipeline_mode<synchronous>, transform_indices = @transform_2, window_bounds = array<i64: 64, 128>}, {pipeline_mode = #tpu.pipeline_mode<synchronous>, transform_indices = @transform_3, window_bounds = array<i64: 64, 128>}, {pipeline_mode = #tpu.pipeline_mode<synchronous>, transform_indices = @transform_4, window_bounds = array<i64: 64, 128>}, {pipeline_mode = #tpu.pipeline_mode<synchronous>, transform_indices = @transform_5, window_bounds = array<i64: 1, 128>}, {transform_indices = @transform_6, window_bounds = array<i64: 784, 128>}, {transform_indices = @transform_7, window_bounds = array<i64: 784, 128>}, {transform_indices = @transform_8, window_bounds = array<i64: 784, 128>}, {transform_indices = @transform_9, window_bounds = array<i64: 784, 128>}]} {
    %get3A = arith.constant 0 : index
    %get3A_0 = arith.constant 0 : index
    %get3A_1 = vector.load %arg1[%get3A, %get3A_0] : memref<784x64xf32, #tpu.memory_space<vmem>>, vector<784x64xf32>
    %get3A_2 = arith.constant 0 : index
    %get3A_3 = arith.constant 0 : index
    %get3A_4 = vector.load %arg3[%get3A_2, %get3A_3] : memref<64x128xf32, #tpu.memory_space<vmem>>, vector<64x128xf32>
    %dot_general3A = arith.constant dense<0.000000e+00> : vector<784x128xf32>
    %dot_general3A_5 = tpu.matmul %get3A_1, %get3A_4, %dot_general3A {dimension_numbers = #tpu.dot_dimension_numbers<[1], [0], [0], [1], [0, 0, 1, 1], [], []>, transpose_lhs_hint = false} : vector<784x64xf32>, vector<64x128xf32>, vector<784x128xf32> -> vector<784x128xf32>
    %swap3A = arith.constant 0 : index
    %swap3A_6 = arith.constant 0 : index
    %swap3A_7 = vector.load %arg7[%swap3A, %swap3A_6] : memref<784x128xf32, #tpu.memory_space<vmem>>, vector<784x128xf32>
    tpu.vector_store %arg7[%swap3A, %swap3A_6], %dot_general3A_5 {strides = array<i32>} : memref<784x128xf32, #tpu.memory_space<vmem>>, vector<784x128xf32>,
    %get3A_8 = arith.constant 0 : index
    %get3A_9 = arith.constant 0 : index
    %get3A_10 = vector.load %arg4[%get3A_8, %get3A_9] : memref<64x128xf32, #tpu.memory_space<vmem>>, vector<64x128xf32>
    %dot_general3A_11 = arith.constant dense<0.000000e+00> : vector<784x128xf32>
    %dot_general3A_12 = tpu.matmul %get3A_1, %get3A_10, %dot_general3A_11 {dimension_numbers = #tpu.dot_dimension_numbers<[1], [0], [0], [1], [0, 0, 1, 1], [], []>, transpose_lhs_hint = false} : vector<784x64xf32>, vector<64x128xf32>, vector<784x128xf32> -> vector<784x128xf32>
    %swap3A_13 = arith.constant 0 : index
    %swap3A_14 = arith.constant 0 : index
    %swap3A_15 = vector.load %arg8[%swap3A_13, %swap3A_14] : memref<784x128xf32, #tpu.memory_space<vmem>>, vector<784x128xf32>
    tpu.vector_store %arg8[%swap3A_13, %swap3A_14], %dot_general3A_12 {strides = array<i32>} : memref<784x128xf32, #tpu.memory_space<vmem>>, vector<784x128xf32>,
    %get3A_16 = arith.constant 0 : index
    %get3A_17 = arith.constant 0 : index
    %get3A_18 = vector.load %arg2[%get3A_16, %get3A_17] : memref<64x128xf32, #tpu.memory_space<vmem>>, vector<64x128xf32>
    %dot_general3A_19 = arith.constant dense<0.000000e+00> : vector<784x128xf32>
    %dot_general3A_20 = tpu.matmul %get3A_1, %get3A_18, %dot_general3A_19 {dimension_numbers = #tpu.dot_dimension_numbers<[1], [0], [0], [1], [0, 0, 1, 1], [], []>, transpose_lhs_hint = false} : vector<784x64xf32>, vector<64x128xf32>, vector<784x128xf32> -> vector<784x128xf32>
    %swap3A_21 = arith.constant 0 : index
    %swap3A_22 = arith.constant 0 : index
    %swap3A_23 = vector.load %arg9[%swap3A_21, %swap3A_22] : memref<784x128xf32, #tpu.memory_space<vmem>>, vector<784x128xf32>
    tpu.vector_store %arg9[%swap3A_21, %swap3A_22], %dot_general3A_20 {strides = array<i32>} : memref<784x128xf32, #tpu.memory_space<vmem>>, vector<784x128xf32>,
    %get3A_24 = arith.constant 0 : index
    %get3A_25 = arith.constant 0 : index
    %get3A_26 = vector.load %arg5[%get3A_24, %get3A_25] : memref<64x128xf32, #tpu.memory_space<vmem>>, vector<64x128xf32>
    %dot_general3A_27 = arith.constant dense<0.000000e+00> : vector<784x128xf32>
    %dot_general3A_28 = tpu.matmul %get3A_1, %get3A_26, %dot_general3A_27 {dimension_numbers = #tpu.dot_dimension_numbers<[1], [0], [0], [1], [0, 0, 1, 1], [], []>, transpose_lhs_hint = false} : vector<784x64xf32>, vector<64x128xf32>, vector<784x128xf32> -> vector<784x128xf32>
    %get3A_29 = arith.constant 0 : index
    %get3A_30 = arith.constant 0 : index
    %get3A_31 = vector.load %arg6[%get3A_29, %get3A_30] : memref<1x128xf32, #tpu.memory_space<vmem>>, vector<1x128xf32>
    %add3A = vector.broadcast %get3A_31 : vector<1x128xf32> to vector<784x128xf32>
    %add3A_32 = arith.addf %dot_general3A_28, %add3A : vector<784x128xf32>
    %swap3A_33 = arith.constant 0 : index
    %swap3A_34 = arith.constant 0 : index
    %swap3A_35 = vector.load %arg10[%swap3A_33, %swap3A_34] : memref<784x128xf32, #tpu.memory_space<vmem>>, vector<784x128xf32>
    tpu.vector_store %arg10[%swap3A_33, %swap3A_34], %add3A_32 {strides = array<i32>} : memref<784x128xf32, #tpu.memory_space<vmem>>, vector<784x128xf32>,
    return
  }
  func.func @transform_0(%arg0: i32) -> (i32, i32) {
    %c0_i32 = arith.constant 0 : i32
    %c0_i32_0 = arith.constant 0 : i32
    return %arg0, %c0_i32 : i32, i32
  }
  func.func @transform_1(%arg0: i32) -> (i32, i32) {
    %c0_i32 = arith.constant 0 : i32
    %c0_i32_0 = arith.constant 0 : i32
    %c0_i32_1 = arith.constant 0 : i32
    return %c0_i32, %c0_i32_0 : i32, i32
  }
  func.func @transform_2(%arg0: i32) -> (i32, i32) {
    %c0_i32 = arith.constant 0 : i32
    %c0_i32_0 = arith.constant 0 : i32
    %c0_i32_1 = arith.constant 0 : i32
    return %c0_i32, %c0_i32_0 : i32, i32
  }
  func.func @transform_3(%arg0: i32) -> (i32, i32) {
    %c0_i32 = arith.constant 0 : i32
    %c0_i32_0 = arith.constant 0 : i32
    %c0_i32_1 = arith.constant 0 : i32
    return %c0_i32, %c0_i32_0 : i32, i32
  }
  func.func @transform_4(%arg0: i32) -> (i32, i32) {
    %c0_i32 = arith.constant 0 : i32
    %c0_i32_0 = arith.constant 0 : i32
    %c0_i32_1 = arith.constant 0 : i32
    return %c0_i32, %c0_i32_0 : i32, i32
  }
  func.func @transform_5(%arg0: i32) -> (i32, i32) {
    %c0_i32 = arith.constant 0 : i32
    %c0_i32_0 = arith.constant 0 : i32
    %c0_i32_1 = arith.constant 0 : i32
    return %c0_i32, %c0_i32_0 : i32, i32
  }
  func.func @transform_6(%arg0: i32) -> (i32, i32) {
    %c0_i32 = arith.constant 0 : i32
    %c0_i32_0 = arith.constant 0 : i32
    return %arg0, %c0_i32 : i32, i32
  }
  func.func @transform_7(%arg0: i32) -> (i32, i32) {
    %c0_i32 = arith.constant 0 : i32
    %c0_i32_0 = arith.constant 0 : i32
    return %arg0, %c0_i32 : i32, i32
  }
  func.func @transform_8(%arg0: i32) -> (i32, i32) {
    %c0_i32 = arith.constant 0 : i32
    %c0_i32_0 = arith.constant 0 : i32
    return %arg0, %c0_i32 : i32, i32
  }
  func.func @transform_9(%arg0: i32) -> (i32, i32) {
    %c0_i32 = arith.constant 0 : i32
    %c0_i32_0 = arith.constant 0 : i32
    return %arg0, %c0_i32 : i32, i32
  }
}

module attributes {stable_mosaic.version = 14 : i64} {
  func.func @_edge0_body(%arg0: i32, %arg1: memref<2000x128xf32, #tpu.memory_space<vmem>>, %arg2: memref<2000x128xf32, #tpu.memory_space<vmem>>, %arg3: memref<2000x128xf32, #tpu.memory_space<vmem>>, %arg4: memref<2000x128xf32, #tpu.memory_space<vmem>>, %arg5: memref<2000x128xf32, #tpu.memory_space<vmem>>, %arg6: memref<2000x32xf32, #tpu.memory_space<vmem>>, %arg7: memref<32x128xf32, #tpu.memory_space<vmem>>, %arg8: memref<1x128xf32, #tpu.memory_space<vmem>>, %arg9: memref<128x128xf32, #tpu.memory_space<vmem>>, %arg10: memref<128x16xf32, #tpu.memory_space<vmem>>, %arg11: memref<16x128xf32, #tpu.memory_space<vmem>>, %arg12: memref<128x32xf32, #tpu.memory_space<vmem>>, %arg13: memref<32x128xf32, #tpu.memory_space<vmem>>, %arg14: memref<2000x128xf32, #tpu.memory_space<vmem>>, %arg15: memref<2000x16xf32, #tpu.memory_space<vmem>>, %arg16: memref<2000x128xf32, #tpu.memory_space<vmem>>) attributes {dimension_semantics = [#tpu.dimension_semantics<arbitrary>], iteration_bounds = array<i64: 100>, scalar_prefetch = 0 : i64, scratch_operands = 0 : i64, tpu.core_type = #tpu.core_type<tc>, window_params = [{transform_indices = @transform_0, window_bounds = array<i64: 2000, 128>}, {transform_indices = @transform_1, window_bounds = array<i64: 2000, 128>}, {transform_indices = @transform_2, window_bounds = array<i64: 2000, 128>}, {transform_indices = @transform_3, window_bounds = array<i64: 2000, 128>}, {transform_indices = @transform_4, window_bounds = array<i64: 2000, 128>}, {transform_indices = @transform_5, window_bounds = array<i64: 2000, 32>}, {pipeline_mode = #tpu.pipeline_mode<synchronous>, transform_indices = @transform_6, window_bounds = array<i64: 32, 128>}, {pipeline_mode = #tpu.pipeline_mode<synchronous>, transform_indices = @transform_7, window_bounds = array<i64: 1, 128>}, {pipeline_mode = #tpu.pipeline_mode<synchronous>, transform_indices = @transform_8, window_bounds = array<i64: 128, 128>}, {pipeline_mode = #tpu.pipeline_mode<synchronous>, transform_indices = @transform_9, window_bounds = array<i64: 128, 16>}, {pipeline_mode = #tpu.pipeline_mode<synchronous>, transform_indices = @transform_10, window_bounds = array<i64: 16, 128>}, {pipeline_mode = #tpu.pipeline_mode<synchronous>, transform_indices = @transform_11, window_bounds = array<i64: 128, 32>}, {pipeline_mode = #tpu.pipeline_mode<synchronous>, transform_indices = @transform_12, window_bounds = array<i64: 32, 128>}, {transform_indices = @transform_13, window_bounds = array<i64: 2000, 128>}, {transform_indices = @transform_14, window_bounds = array<i64: 2000, 16>}, {transform_indices = @transform_15, window_bounds = array<i64: 2000, 128>}]} {
    %get3A = arith.constant 0 : index
    %get3A_0 = arith.constant 0 : index
    %get3A_1 = vector.load %arg4[%get3A, %get3A_0] : memref<2000x128xf32, #tpu.memory_space<vmem>>, vector<2000x128xf32>
    %get3A_2 = arith.constant 0 : index
    %get3A_3 = arith.constant 0 : index
    %get3A_4 = vector.load %arg5[%get3A_2, %get3A_3] : memref<2000x128xf32, #tpu.memory_space<vmem>>, vector<2000x128xf32>
    %sub3A = arith.subf %get3A_1, %get3A_4 : vector<2000x128xf32>
    %mul3A = arith.mulf %sub3A, %sub3A : vector<2000x128xf32>
    %get3A_5 = arith.constant 0 : index
    %get3A_6 = arith.constant 0 : index
    %get3A_7 = vector.load %arg12[%get3A_5, %get3A_6] : memref<128x32xf32, #tpu.memory_space<vmem>>, vector<128x32xf32>
    %dot_general3A = arith.constant dense<0.000000e+00> : vector<2000x32xf32>
    %dot_general3A_8 = tpu.matmul %mul3A, %get3A_7, %dot_general3A {dimension_numbers = #tpu.dot_dimension_numbers<[1], [0], [0], [1], [0, 0, 1, 1], [], []>, transpose_lhs_hint = false} : vector<2000x128xf32>, vector<128x32xf32>, vector<2000x32xf32> -> vector<2000x32xf32>
    %iota3A = tpu.iota {dimensions = array<i32: 1>} : vector<1x32xi32>
    %jit3A = arith.constant 8 : i32
    %eq3A = arith.constant 0 : i32
    %eq3A_9 = arith.cmpi eq, %jit3A, %eq3A : i32
    %jit3A_10 = arith.constant 1 : i32
    %select_n3A = arith.select %eq3A_9, %jit3A_10, %jit3A : i32
    %rem3A = vector.broadcast %select_n3A : i32 to vector<1x32xi32>
    %rem3A_11 = arith.remsi %iota3A, %rem3A : vector<1x32xi32>
    %ne3A = arith.constant 0 : i32
    %ne3A_12 = vector.broadcast %ne3A : i32 to vector<1x32xi32>
    %ne3A_13 = arith.cmpi ne, %rem3A_11, %ne3A_12 : vector<1x32xi32>
    %lt3A = arith.constant 0 : i32
    %lt3A_14 = vector.broadcast %lt3A : i32 to vector<1x32xi32>
    %lt3A_15 = arith.cmpi slt, %rem3A_11, %lt3A_14 : vector<1x32xi32>
    %lt3A_16 = arith.constant 0 : i32
    %lt3A_17 = arith.cmpi slt, %select_n3A, %lt3A_16 : i32
    %ne3A_18 = vector.broadcast %lt3A_17 : i1 to vector<1x32xi1>
    %ne3A_19 = vector.broadcast %ne3A_18 : vector<1x32xi1> to vector<1x32xi1>
    %ne3A_20 = arith.xori %lt3A_15, %ne3A_19 : vector<1x32xi1>
    %and3A = arith.andi %ne3A_20, %ne3A_13 : vector<1x32xi1>
    %add3A = vector.broadcast %select_n3A : i32 to vector<1x32xi32>
    %add3A_21 = arith.addi %rem3A_11, %add3A : vector<1x32xi32>
    %select_n3A_22 = arith.select %and3A, %add3A_21, %rem3A_11 : vector<1x32xi1>, vector<1x32xi32>
    %eq3A_23 = arith.constant 5 : i32
    %eq3A_24 = vector.broadcast %eq3A_23 : i32 to vector<1x32xi32>
    %eq3A_25 = arith.cmpi eq, %select_n3A_22, %eq3A_24 : vector<1x32xi32>
    %add3A_26 = arith.constant 9.99999993E-9 : f32
    %add3A_27 = vector.broadcast %add3A_26 : f32 to vector<2000x32xf32>
    %add3A_28 = arith.addf %dot_general3A_8, %add3A_27 : vector<2000x32xf32>
    %sqrt3A = math.sqrt %add3A_28 : vector<2000x32xf32>
    %jit3A_29 = arith.constant 0.000000e+00 : f32
    %broadcast_in_dim3A = vector.shape_cast %eq3A_25 : vector<1x32xi1> to vector<1x32xi1>
    %broadcast_in_dim3A_30 = vector.broadcast %broadcast_in_dim3A : vector<1x32xi1> to vector<2000x32xi1>
    %broadcast_in_dim3A_31 = vector.broadcast %jit3A_29 : f32 to vector<2000x32xf32>
    %select_n3A_32 = arith.select %broadcast_in_dim3A_30, %sqrt3A, %broadcast_in_dim3A_31 : vector<2000x32xi1>, vector<2000x32xf32>
    %get3A_33 = arith.constant 0 : index
    %get3A_34 = arith.constant 0 : index
    %get3A_35 = vector.load %arg6[%get3A_33, %get3A_34] : memref<2000x32xf32, #tpu.memory_space<vmem>>, vector<2000x32xf32>
    %add3A_36 = arith.addf %get3A_35, %select_n3A_32 : vector<2000x32xf32>
    %get3A_37 = arith.constant 0 : index
    %get3A_38 = arith.constant 0 : index
    %get3A_39 = vector.load %arg1[%get3A_37, %get3A_38] : memref<2000x128xf32, #tpu.memory_space<vmem>>, vector<2000x128xf32>
    %get3A_40 = arith.constant 0 : index
    %get3A_41 = arith.constant 0 : index
    %get3A_42 = vector.load %arg2[%get3A_40, %get3A_41] : memref<2000x128xf32, #tpu.memory_space<vmem>>, vector<2000x128xf32>
    %get3A_43 = arith.constant 0 : index
    %get3A_44 = arith.constant 0 : index
    %get3A_45 = vector.load %arg3[%get3A_43, %get3A_44] : memref<2000x128xf32, #tpu.memory_space<vmem>>, vector<2000x128xf32>
    %get3A_46 = arith.constant 0 : index
    %get3A_47 = arith.constant 0 : index
    %get3A_48 = vector.load %arg7[%get3A_46, %get3A_47] : memref<32x128xf32, #tpu.memory_space<vmem>>, vector<32x128xf32>
    %get3A_49 = arith.constant 0 : index
    %get3A_50 = arith.constant 0 : index
    %get3A_51 = vector.load %arg8[%get3A_49, %get3A_50] : memref<1x128xf32, #tpu.memory_space<vmem>>, vector<1x128xf32>
    %get3A_52 = arith.constant 0 : index
    %get3A_53 = arith.constant 0 : index
    %get3A_54 = vector.load %arg9[%get3A_52, %get3A_53] : memref<128x128xf32, #tpu.memory_space<vmem>>, vector<128x128xf32>
    %get3A_55 = arith.constant 0 : index
    %get3A_56 = arith.constant 0 : index
    %get3A_57 = vector.load %arg10[%get3A_55, %get3A_56] : memref<128x16xf32, #tpu.memory_space<vmem>>, vector<128x16xf32>
    %get3A_58 = arith.constant 0 : index
    %get3A_59 = arith.constant 0 : index
    %get3A_60 = vector.load %arg11[%get3A_58, %get3A_59] : memref<16x128xf32, #tpu.memory_space<vmem>>, vector<16x128xf32>
    %dot_general3A_61 = arith.constant dense<0.000000e+00> : vector<2000x128xf32>
    %dot_general3A_62 = tpu.matmul %add3A_36, %get3A_48, %dot_general3A_61 {dimension_numbers = #tpu.dot_dimension_numbers<[1], [0], [0], [1], [0, 0, 1, 1], [], []>, transpose_lhs_hint = false} : vector<2000x32xf32>, vector<32x128xf32>, vector<2000x128xf32> -> vector<2000x128xf32>
    %add3A_63 = vector.broadcast %get3A_51 : vector<1x128xf32> to vector<2000x128xf32>
    %add3A_64 = arith.addf %dot_general3A_62, %add3A_63 : vector<2000x128xf32>
    %max3A = arith.constant 0.000000e+00 : f32
    %max3A_65 = vector.broadcast %max3A : f32 to vector<2000x128xf32>
    %max3A_66 = arith.maximumf %add3A_64, %max3A_65 : vector<2000x128xf32>
    %dot_general3A_67 = arith.constant dense<0.000000e+00> : vector<2000x128xf32>
    %dot_general3A_68 = tpu.matmul %max3A_66, %get3A_54, %dot_general3A_67 {dimension_numbers = #tpu.dot_dimension_numbers<[1], [0], [0], [1], [0, 0, 1, 1], [], []>, transpose_lhs_hint = false} : vector<2000x128xf32>, vector<128x128xf32>, vector<2000x128xf32> -> vector<2000x128xf32>
    %mul3A_69 = arith.mulf %get3A_39, %dot_general3A_68 : vector<2000x128xf32>
    %mul3A_70 = arith.mulf %get3A_42, %dot_general3A_68 : vector<2000x128xf32>
    %mul3A_71 = arith.mulf %get3A_45, %mul3A_69 : vector<2000x128xf32>
    %dot_general3A_72 = arith.constant dense<0.000000e+00> : vector<2000x16xf32>
    %dot_general3A_73 = tpu.matmul %mul3A_71, %get3A_57, %dot_general3A_72 {dimension_numbers = #tpu.dot_dimension_numbers<[1], [0], [0], [1], [0, 0, 1, 1], [], []>, transpose_lhs_hint = false} : vector<2000x128xf32>, vector<128x16xf32>, vector<2000x16xf32> -> vector<2000x16xf32>
    %mul3A_74 = arith.constant 0.353553385 : f32
    %mul3A_75 = vector.broadcast %mul3A_74 : f32 to vector<2000x16xf32>
    %mul3A_76 = arith.mulf %dot_general3A_73, %mul3A_75 : vector<2000x16xf32>
    %exp3A = math.exp %mul3A_76 : vector<2000x16xf32>
    %dot_general3A_77 = arith.constant dense<0.000000e+00> : vector<2000x128xf32>
    %dot_general3A_78 = tpu.matmul %exp3A, %get3A_60, %dot_general3A_77 {dimension_numbers = #tpu.dot_dimension_numbers<[1], [0], [0], [1], [0, 0, 1, 1], [], []>, transpose_lhs_hint = false} : vector<2000x16xf32>, vector<16x128xf32>, vector<2000x128xf32> -> vector<2000x128xf32>
    %mul3A_79 = arith.mulf %dot_general3A_78, %mul3A_70 : vector<2000x128xf32>
    %swap3A = arith.constant 0 : index
    %swap3A_80 = arith.constant 0 : index
    %swap3A_81 = vector.load %arg14[%swap3A, %swap3A_80] : memref<2000x128xf32, #tpu.memory_space<vmem>>, vector<2000x128xf32>
    tpu.vector_store %arg14[%swap3A, %swap3A_80], %mul3A_79 {strides = array<i32>} : memref<2000x128xf32, #tpu.memory_space<vmem>>, vector<2000x128xf32>,
    %swap3A_82 = arith.constant 0 : index
    %swap3A_83 = arith.constant 0 : index
    %swap3A_84 = vector.load %arg15[%swap3A_82, %swap3A_83] : memref<2000x16xf32, #tpu.memory_space<vmem>>, vector<2000x16xf32>
    tpu.vector_store %arg15[%swap3A_82, %swap3A_83], %exp3A {strides = array<i32>} : memref<2000x16xf32, #tpu.memory_space<vmem>>, vector<2000x16xf32>,
    %get3A_85 = arith.constant 0 : index
    %get3A_86 = arith.constant 0 : index
    %get3A_87 = vector.load %arg13[%get3A_85, %get3A_86] : memref<32x128xf32, #tpu.memory_space<vmem>>, vector<32x128xf32>
    %dot_general3A_88 = arith.constant dense<0.000000e+00> : vector<2000x128xf32>
    %dot_general3A_89 = tpu.matmul %select_n3A_32, %get3A_87, %dot_general3A_88 {dimension_numbers = #tpu.dot_dimension_numbers<[1], [0], [0], [1], [0, 0, 1, 1], [], []>, transpose_lhs_hint = false} : vector<2000x32xf32>, vector<32x128xf32>, vector<2000x128xf32> -> vector<2000x128xf32>
    %swap3A_90 = arith.constant 0 : index
    %swap3A_91 = arith.constant 0 : index
    %swap3A_92 = vector.load %arg16[%swap3A_90, %swap3A_91] : memref<2000x128xf32, #tpu.memory_space<vmem>>, vector<2000x128xf32>
    tpu.vector_store %arg16[%swap3A_90, %swap3A_91], %dot_general3A_89 {strides = array<i32>} : memref<2000x128xf32, #tpu.memory_space<vmem>>, vector<2000x128xf32>,
    return
  }
  func.func @transform_0(%arg0: i32) -> (i32, i32) {
    %c0_i32 = arith.constant 0 : i32
    %c0_i32_0 = arith.constant 0 : i32
    return %arg0, %c0_i32 : i32, i32
  }
  func.func @transform_1(%arg0: i32) -> (i32, i32) {
    %c0_i32 = arith.constant 0 : i32
    %c0_i32_0 = arith.constant 0 : i32
    return %arg0, %c0_i32 : i32, i32
  }
  func.func @transform_2(%arg0: i32) -> (i32, i32) {
    %c0_i32 = arith.constant 0 : i32
    %c0_i32_0 = arith.constant 0 : i32
    return %arg0, %c0_i32 : i32, i32
  }
  func.func @transform_3(%arg0: i32) -> (i32, i32) {
    %c0_i32 = arith.constant 0 : i32
    %c0_i32_0 = arith.constant 0 : i32
    return %arg0, %c0_i32 : i32, i32
  }
  func.func @transform_4(%arg0: i32) -> (i32, i32) {
    %c0_i32 = arith.constant 0 : i32
    %c0_i32_0 = arith.constant 0 : i32
    return %arg0, %c0_i32 : i32, i32
  }
  func.func @transform_5(%arg0: i32) -> (i32, i32) {
    %c0_i32 = arith.constant 0 : i32
    %c0_i32_0 = arith.constant 0 : i32
    return %arg0, %c0_i32 : i32, i32
  }
  func.func @transform_6(%arg0: i32) -> (i32, i32) {
    %c0_i32 = arith.constant 0 : i32
    %c0_i32_0 = arith.constant 0 : i32
    %c0_i32_1 = arith.constant 0 : i32
    return %c0_i32, %c0_i32_0 : i32, i32
  }
  func.func @transform_7(%arg0: i32) -> (i32, i32) {
    %c0_i32 = arith.constant 0 : i32
    %c0_i32_0 = arith.constant 0 : i32
    %c0_i32_1 = arith.constant 0 : i32
    return %c0_i32, %c0_i32_0 : i32, i32
  }
  func.func @transform_8(%arg0: i32) -> (i32, i32) {
    %c0_i32 = arith.constant 0 : i32
    %c0_i32_0 = arith.constant 0 : i32
    %c0_i32_1 = arith.constant 0 : i32
    return %c0_i32, %c0_i32_0 : i32, i32
  }
  func.func @transform_9(%arg0: i32) -> (i32, i32) {
    %c0_i32 = arith.constant 0 : i32
    %c0_i32_0 = arith.constant 0 : i32
    %c0_i32_1 = arith.constant 0 : i32
    return %c0_i32, %c0_i32_0 : i32, i32
  }
  func.func @transform_10(%arg0: i32) -> (i32, i32) {
    %c0_i32 = arith.constant 0 : i32
    %c0_i32_0 = arith.constant 0 : i32
    %c0_i32_1 = arith.constant 0 : i32
    return %c0_i32, %c0_i32_0 : i32, i32
  }
  func.func @transform_11(%arg0: i32) -> (i32, i32) {
    %c0_i32 = arith.constant 0 : i32
    %c0_i32_0 = arith.constant 0 : i32
    %c0_i32_1 = arith.constant 0 : i32
    return %c0_i32, %c0_i32_0 : i32, i32
  }
  func.func @transform_12(%arg0: i32) -> (i32, i32) {
    %c0_i32 = arith.constant 0 : i32
    %c0_i32_0 = arith.constant 0 : i32
    %c0_i32_1 = arith.constant 0 : i32
    return %c0_i32, %c0_i32_0 : i32, i32
  }
  func.func @transform_13(%arg0: i32) -> (i32, i32) {
    %c0_i32 = arith.constant 0 : i32
    %c0_i32_0 = arith.constant 0 : i32
    return %arg0, %c0_i32 : i32, i32
  }
  func.func @transform_14(%arg0: i32) -> (i32, i32) {
    %c0_i32 = arith.constant 0 : i32
    %c0_i32_0 = arith.constant 0 : i32
    return %arg0, %c0_i32 : i32, i32
  }
  func.func @transform_15(%arg0: i32) -> (i32, i32) {
    %c0_i32 = arith.constant 0 : i32
    %c0_i32_0 = arith.constant 0 : i32
    return %arg0, %c0_i32 : i32, i32
  }
}

module attributes {stable_mosaic.version = 14 : i64} {
  func.func @_fin0_body(%arg0: i32, %arg1: memref<784x128xf32, #tpu.memory_space<vmem>>, %arg2: memref<784x128xf32, #tpu.memory_space<vmem>>, %arg3: memref<784x16xf32, #tpu.memory_space<vmem>>, %arg4: memref<784x16xf32, #tpu.memory_space<vmem>>, %arg5: memref<784x128xf32, #tpu.memory_space<vmem>>, %arg6: memref<128x128xf32, #tpu.memory_space<vmem>>, %arg7: memref<128x128xf32, #tpu.memory_space<vmem>>, %arg8: memref<128x128xf32, #tpu.memory_space<vmem>>, %arg9: memref<128x128xf32, #tpu.memory_space<vmem>>, %arg10: memref<1x128xf32, #tpu.memory_space<vmem>>, %arg11: memref<16x128xf32, #tpu.memory_space<vmem>>, %arg12: memref<784x128xf32, #tpu.memory_space<vmem>>, %arg13: memref<784x128xf32, #tpu.memory_space<vmem>>, %arg14: memref<784x128xf32, #tpu.memory_space<vmem>>, %arg15: memref<784x128xf32, #tpu.memory_space<vmem>>) attributes {dimension_semantics = [#tpu.dimension_semantics<arbitrary>], iteration_bounds = array<i64: 16>, scalar_prefetch = 0 : i64, scratch_operands = 0 : i64, tpu.core_type = #tpu.core_type<tc>, window_params = [{transform_indices = @transform_0, window_bounds = array<i64: 784, 128>}, {transform_indices = @transform_1, window_bounds = array<i64: 784, 128>}, {transform_indices = @transform_2, window_bounds = array<i64: 784, 16>}, {transform_indices = @transform_3, window_bounds = array<i64: 784, 16>}, {transform_indices = @transform_4, window_bounds = array<i64: 784, 128>}, {pipeline_mode = #tpu.pipeline_mode<synchronous>, transform_indices = @transform_5, window_bounds = array<i64: 128, 128>}, {pipeline_mode = #tpu.pipeline_mode<synchronous>, transform_indices = @transform_6, window_bounds = array<i64: 128, 128>}, {pipeline_mode = #tpu.pipeline_mode<synchronous>, transform_indices = @transform_7, window_bounds = array<i64: 128, 128>}, {pipeline_mode = #tpu.pipeline_mode<synchronous>, transform_indices = @transform_8, window_bounds = array<i64: 128, 128>}, {pipeline_mode = #tpu.pipeline_mode<synchronous>, transform_indices = @transform_9, window_bounds = array<i64: 1, 128>}, {pipeline_mode = #tpu.pipeline_mode<synchronous>, transform_indices = @transform_10, window_bounds = array<i64: 16, 128>}, {transform_indices = @transform_11, window_bounds = array<i64: 784, 128>}, {transform_indices = @transform_12, window_bounds = array<i64: 784, 128>}, {transform_indices = @transform_13, window_bounds = array<i64: 784, 128>}, {transform_indices = @transform_14, window_bounds = array<i64: 784, 128>}]} {
    %get3A = arith.constant 0 : index
    %get3A_0 = arith.constant 0 : index
    %get3A_1 = vector.load %arg3[%get3A, %get3A_0] : memref<784x16xf32, #tpu.memory_space<vmem>>, vector<784x16xf32>
    %get3A_2 = arith.constant 0 : index
    %get3A_3 = arith.constant 0 : index
    %get3A_4 = vector.load %arg4[%get3A_2, %get3A_3] : memref<784x16xf32, #tpu.memory_space<vmem>>, vector<784x16xf32>
    %add3A = arith.addf %get3A_1, %get3A_4 : vector<784x16xf32>
    %get3A_5 = arith.constant 0 : index
    %get3A_6 = arith.constant 0 : index
    %get3A_7 = vector.load %arg11[%get3A_5, %get3A_6] : memref<16x128xf32, #tpu.memory_space<vmem>>, vector<16x128xf32>
    %dot_general3A = arith.constant dense<0.000000e+00> : vector<784x128xf32>
    %dot_general3A_8 = tpu.matmul %add3A, %get3A_7, %dot_general3A {dimension_numbers = #tpu.dot_dimension_numbers<[1], [0], [0], [1], [0, 0, 1, 1], [], []>, transpose_lhs_hint = false} : vector<784x16xf32>, vector<16x128xf32>, vector<784x128xf32> -> vector<784x128xf32>
    %add3A_9 = arith.constant 9.99999971E-10 : f32
    %add3A_10 = vector.broadcast %add3A_9 : f32 to vector<784x128xf32>
    %add3A_11 = arith.addf %dot_general3A_8, %add3A_10 : vector<784x128xf32>
    %get3A_12 = arith.constant 0 : index
    %get3A_13 = arith.constant 0 : index
    %get3A_14 = vector.load %arg1[%get3A_12, %get3A_13] : memref<784x128xf32, #tpu.memory_space<vmem>>, vector<784x128xf32>
    %get3A_15 = arith.constant 0 : index
    %get3A_16 = arith.constant 0 : index
    %get3A_17 = vector.load %arg2[%get3A_15, %get3A_16] : memref<784x128xf32, #tpu.memory_space<vmem>>, vector<784x128xf32>
    %add3A_18 = arith.addf %get3A_14, %get3A_17 : vector<784x128xf32>
    %div3A = arith.divf %add3A_18, %add3A_11 : vector<784x128xf32>
    %get3A_19 = arith.constant 0 : index
    %get3A_20 = arith.constant 0 : index
    %get3A_21 = vector.load %arg5[%get3A_19, %get3A_20] : memref<784x128xf32, #tpu.memory_space<vmem>>, vector<784x128xf32>
    %add3A_22 = arith.addf %div3A, %get3A_21 : vector<784x128xf32>
    %get3A_23 = arith.constant 0 : index
    %get3A_24 = arith.constant 0 : index
    %get3A_25 = vector.load %arg7[%get3A_23, %get3A_24] : memref<128x128xf32, #tpu.memory_space<vmem>>, vector<128x128xf32>
    %dot_general3A_26 = arith.constant dense<0.000000e+00> : vector<784x128xf32>
    %dot_general3A_27 = tpu.matmul %add3A_22, %get3A_25, %dot_general3A_26 {dimension_numbers = #tpu.dot_dimension_numbers<[1], [0], [0], [1], [0, 0, 1, 1], [], []>, transpose_lhs_hint = false} : vector<784x128xf32>, vector<128x128xf32>, vector<784x128xf32> -> vector<784x128xf32>
    %swap3A = arith.constant 0 : index
    %swap3A_28 = arith.constant 0 : index
    %swap3A_29 = vector.load %arg12[%swap3A, %swap3A_28] : memref<784x128xf32, #tpu.memory_space<vmem>>, vector<784x128xf32>
    tpu.vector_store %arg12[%swap3A, %swap3A_28], %dot_general3A_27 {strides = array<i32>} : memref<784x128xf32, #tpu.memory_space<vmem>>, vector<784x128xf32>,
    %get3A_30 = arith.constant 0 : index
    %get3A_31 = arith.constant 0 : index
    %get3A_32 = vector.load %arg8[%get3A_30, %get3A_31] : memref<128x128xf32, #tpu.memory_space<vmem>>, vector<128x128xf32>
    %dot_general3A_33 = arith.constant dense<0.000000e+00> : vector<784x128xf32>
    %dot_general3A_34 = tpu.matmul %add3A_22, %get3A_32, %dot_general3A_33 {dimension_numbers = #tpu.dot_dimension_numbers<[1], [0], [0], [1], [0, 0, 1, 1], [], []>, transpose_lhs_hint = false} : vector<784x128xf32>, vector<128x128xf32>, vector<784x128xf32> -> vector<784x128xf32>
    %swap3A_35 = arith.constant 0 : index
    %swap3A_36 = arith.constant 0 : index
    %swap3A_37 = vector.load %arg13[%swap3A_35, %swap3A_36] : memref<784x128xf32, #tpu.memory_space<vmem>>, vector<784x128xf32>
    tpu.vector_store %arg13[%swap3A_35, %swap3A_36], %dot_general3A_34 {strides = array<i32>} : memref<784x128xf32, #tpu.memory_space<vmem>>, vector<784x128xf32>,
    %get3A_38 = arith.constant 0 : index
    %get3A_39 = arith.constant 0 : index
    %get3A_40 = vector.load %arg6[%get3A_38, %get3A_39] : memref<128x128xf32, #tpu.memory_space<vmem>>, vector<128x128xf32>
    %dot_general3A_41 = arith.constant dense<0.000000e+00> : vector<784x128xf32>
    %dot_general3A_42 = tpu.matmul %add3A_22, %get3A_40, %dot_general3A_41 {dimension_numbers = #tpu.dot_dimension_numbers<[1], [0], [0], [1], [0, 0, 1, 1], [], []>, transpose_lhs_hint = false} : vector<784x128xf32>, vector<128x128xf32>, vector<784x128xf32> -> vector<784x128xf32>
    %swap3A_43 = arith.constant 0 : index
    %swap3A_44 = arith.constant 0 : index
    %swap3A_45 = vector.load %arg14[%swap3A_43, %swap3A_44] : memref<784x128xf32, #tpu.memory_space<vmem>>, vector<784x128xf32>
    tpu.vector_store %arg14[%swap3A_43, %swap3A_44], %dot_general3A_42 {strides = array<i32>} : memref<784x128xf32, #tpu.memory_space<vmem>>, vector<784x128xf32>,
    %get3A_46 = arith.constant 0 : index
    %get3A_47 = arith.constant 0 : index
    %get3A_48 = vector.load %arg9[%get3A_46, %get3A_47] : memref<128x128xf32, #tpu.memory_space<vmem>>, vector<128x128xf32>
    %dot_general3A_49 = arith.constant dense<0.000000e+00> : vector<784x128xf32>
    %dot_general3A_50 = tpu.matmul %add3A_22, %get3A_48, %dot_general3A_49 {dimension_numbers = #tpu.dot_dimension_numbers<[1], [0], [0], [1], [0, 0, 1, 1], [], []>, transpose_lhs_hint = false} : vector<784x128xf32>, vector<128x128xf32>, vector<784x128xf32> -> vector<784x128xf32>
    %get3A_51 = arith.constant 0 : index
    %get3A_52 = arith.constant 0 : index
    %get3A_53 = vector.load %arg10[%get3A_51, %get3A_52] : memref<1x128xf32, #tpu.memory_space<vmem>>, vector<1x128xf32>
    %add3A_54 = vector.broadcast %get3A_53 : vector<1x128xf32> to vector<784x128xf32>
    %add3A_55 = arith.addf %dot_general3A_50, %add3A_54 : vector<784x128xf32>
    %swap3A_56 = arith.constant 0 : index
    %swap3A_57 = arith.constant 0 : index
    %swap3A_58 = vector.load %arg15[%swap3A_56, %swap3A_57] : memref<784x128xf32, #tpu.memory_space<vmem>>, vector<784x128xf32>
    tpu.vector_store %arg15[%swap3A_56, %swap3A_57], %add3A_55 {strides = array<i32>} : memref<784x128xf32, #tpu.memory_space<vmem>>, vector<784x128xf32>,
    return
  }
  func.func @transform_0(%arg0: i32) -> (i32, i32) {
    %c0_i32 = arith.constant 0 : i32
    %c0_i32_0 = arith.constant 0 : i32
    return %arg0, %c0_i32 : i32, i32
  }
  func.func @transform_1(%arg0: i32) -> (i32, i32) {
    %c0_i32 = arith.constant 0 : i32
    %c0_i32_0 = arith.constant 0 : i32
    return %arg0, %c0_i32 : i32, i32
  }
  func.func @transform_2(%arg0: i32) -> (i32, i32) {
    %c0_i32 = arith.constant 0 : i32
    %c0_i32_0 = arith.constant 0 : i32
    return %arg0, %c0_i32 : i32, i32
  }
  func.func @transform_3(%arg0: i32) -> (i32, i32) {
    %c0_i32 = arith.constant 0 : i32
    %c0_i32_0 = arith.constant 0 : i32
    return %arg0, %c0_i32 : i32, i32
  }
  func.func @transform_4(%arg0: i32) -> (i32, i32) {
    %c0_i32 = arith.constant 0 : i32
    %c0_i32_0 = arith.constant 0 : i32
    return %arg0, %c0_i32 : i32, i32
  }
  func.func @transform_5(%arg0: i32) -> (i32, i32) {
    %c0_i32 = arith.constant 0 : i32
    %c0_i32_0 = arith.constant 0 : i32
    %c0_i32_1 = arith.constant 0 : i32
    return %c0_i32, %c0_i32_0 : i32, i32
  }
  func.func @transform_6(%arg0: i32) -> (i32, i32) {
    %c0_i32 = arith.constant 0 : i32
    %c0_i32_0 = arith.constant 0 : i32
    %c0_i32_1 = arith.constant 0 : i32
    return %c0_i32, %c0_i32_0 : i32, i32
  }
  func.func @transform_7(%arg0: i32) -> (i32, i32) {
    %c0_i32 = arith.constant 0 : i32
    %c0_i32_0 = arith.constant 0 : i32
    %c0_i32_1 = arith.constant 0 : i32
    return %c0_i32, %c0_i32_0 : i32, i32
  }
  func.func @transform_8(%arg0: i32) -> (i32, i32) {
    %c0_i32 = arith.constant 0 : i32
    %c0_i32_0 = arith.constant 0 : i32
    %c0_i32_1 = arith.constant 0 : i32
    return %c0_i32, %c0_i32_0 : i32, i32
  }
  func.func @transform_9(%arg0: i32) -> (i32, i32) {
    %c0_i32 = arith.constant 0 : i32
    %c0_i32_0 = arith.constant 0 : i32
    %c0_i32_1 = arith.constant 0 : i32
    return %c0_i32, %c0_i32_0 : i32, i32
  }
  func.func @transform_10(%arg0: i32) -> (i32, i32) {
    %c0_i32 = arith.constant 0 : i32
    %c0_i32_0 = arith.constant 0 : i32
    %c0_i32_1 = arith.constant 0 : i32
    return %c0_i32, %c0_i32_0 : i32, i32
  }
  func.func @transform_11(%arg0: i32) -> (i32, i32) {
    %c0_i32 = arith.constant 0 : i32
    %c0_i32_0 = arith.constant 0 : i32
    return %arg0, %c0_i32 : i32, i32
  }
  func.func @transform_12(%arg0: i32) -> (i32, i32) {
    %c0_i32 = arith.constant 0 : i32
    %c0_i32_0 = arith.constant 0 : i32
    return %arg0, %c0_i32 : i32, i32
  }
  func.func @transform_13(%arg0: i32) -> (i32, i32) {
    %c0_i32 = arith.constant 0 : i32
    %c0_i32_0 = arith.constant 0 : i32
    return %arg0, %c0_i32 : i32, i32
  }
  func.func @transform_14(%arg0: i32) -> (i32, i32) {
    %c0_i32 = arith.constant 0 : i32
    %c0_i32_0 = arith.constant 0 : i32
    return %arg0, %c0_i32 : i32, i32
  }
}

module attributes {stable_mosaic.version = 14 : i64} {
  func.func @_edge1_body(%arg0: i32, %arg1: memref<2000x128xf32, #tpu.memory_space<vmem>>, %arg2: memref<2000x128xf32, #tpu.memory_space<vmem>>, %arg3: memref<2000x128xf32, #tpu.memory_space<vmem>>, %arg4: memref<2000x128xf32, #tpu.memory_space<vmem>>, %arg5: memref<2000x32xf32, #tpu.memory_space<vmem>>, %arg6: memref<32x128xf32, #tpu.memory_space<vmem>>, %arg7: memref<1x128xf32, #tpu.memory_space<vmem>>, %arg8: memref<128x128xf32, #tpu.memory_space<vmem>>, %arg9: memref<128x16xf32, #tpu.memory_space<vmem>>, %arg10: memref<16x128xf32, #tpu.memory_space<vmem>>, %arg11: memref<128x32xf32, #tpu.memory_space<vmem>>, %arg12: memref<2000x128xf32, #tpu.memory_space<vmem>>, %arg13: memref<2000x16xf32, #tpu.memory_space<vmem>>) attributes {dimension_semantics = [#tpu.dimension_semantics<arbitrary>], iteration_bounds = array<i64: 100>, scalar_prefetch = 0 : i64, scratch_operands = 0 : i64, tpu.core_type = #tpu.core_type<tc>, window_params = [{transform_indices = @transform_0, window_bounds = array<i64: 2000, 128>}, {transform_indices = @transform_1, window_bounds = array<i64: 2000, 128>}, {transform_indices = @transform_2, window_bounds = array<i64: 2000, 128>}, {transform_indices = @transform_3, window_bounds = array<i64: 2000, 128>}, {transform_indices = @transform_4, window_bounds = array<i64: 2000, 32>}, {pipeline_mode = #tpu.pipeline_mode<synchronous>, transform_indices = @transform_5, window_bounds = array<i64: 32, 128>}, {pipeline_mode = #tpu.pipeline_mode<synchronous>, transform_indices = @transform_6, window_bounds = array<i64: 1, 128>}, {pipeline_mode = #tpu.pipeline_mode<synchronous>, transform_indices = @transform_7, window_bounds = array<i64: 128, 128>}, {pipeline_mode = #tpu.pipeline_mode<synchronous>, transform_indices = @transform_8, window_bounds = array<i64: 128, 16>}, {pipeline_mode = #tpu.pipeline_mode<synchronous>, transform_indices = @transform_9, window_bounds = array<i64: 16, 128>}, {pipeline_mode = #tpu.pipeline_mode<synchronous>, transform_indices = @transform_10, window_bounds = array<i64: 128, 32>}, {transform_indices = @transform_11, window_bounds = array<i64: 2000, 128>}, {transform_indices = @transform_12, window_bounds = array<i64: 2000, 16>}]} {
    %get3A = arith.constant 0 : index
    %get3A_0 = arith.constant 0 : index
    %get3A_1 = vector.load %arg5[%get3A, %get3A_0] : memref<2000x32xf32, #tpu.memory_space<vmem>>, vector<2000x32xf32>
    %get3A_2 = arith.constant 0 : index
    %get3A_3 = arith.constant 0 : index
    %get3A_4 = vector.load %arg4[%get3A_2, %get3A_3] : memref<2000x128xf32, #tpu.memory_space<vmem>>, vector<2000x128xf32>
    %get3A_5 = arith.constant 0 : index
    %get3A_6 = arith.constant 0 : index
    %get3A_7 = vector.load %arg11[%get3A_5, %get3A_6] : memref<128x32xf32, #tpu.memory_space<vmem>>, vector<128x32xf32>
    %dot_general3A = arith.constant dense<0.000000e+00> : vector<2000x32xf32>
    %dot_general3A_8 = tpu.matmul %get3A_4, %get3A_7, %dot_general3A {dimension_numbers = #tpu.dot_dimension_numbers<[1], [0], [0], [1], [0, 0, 1, 1], [], []>, transpose_lhs_hint = false} : vector<2000x128xf32>, vector<128x32xf32>, vector<2000x32xf32> -> vector<2000x32xf32>
    %add3A = arith.addf %get3A_1, %dot_general3A_8 : vector<2000x32xf32>
    %get3A_9 = arith.constant 0 : index
    %get3A_10 = arith.constant 0 : index
    %get3A_11 = vector.load %arg1[%get3A_9, %get3A_10] : memref<2000x128xf32, #tpu.memory_space<vmem>>, vector<2000x128xf32>
    %get3A_12 = arith.constant 0 : index
    %get3A_13 = arith.constant 0 : index
    %get3A_14 = vector.load %arg2[%get3A_12, %get3A_13] : memref<2000x128xf32, #tpu.memory_space<vmem>>, vector<2000x128xf32>
    %get3A_15 = arith.constant 0 : index
    %get3A_16 = arith.constant 0 : index
    %get3A_17 = vector.load %arg3[%get3A_15, %get3A_16] : memref<2000x128xf32, #tpu.memory_space<vmem>>, vector<2000x128xf32>
    %get3A_18 = arith.constant 0 : index
    %get3A_19 = arith.constant 0 : index
    %get3A_20 = vector.load %arg6[%get3A_18, %get3A_19] : memref<32x128xf32, #tpu.memory_space<vmem>>, vector<32x128xf32>
    %get3A_21 = arith.constant 0 : index
    %get3A_22 = arith.constant 0 : index
    %get3A_23 = vector.load %arg7[%get3A_21, %get3A_22] : memref<1x128xf32, #tpu.memory_space<vmem>>, vector<1x128xf32>
    %get3A_24 = arith.constant 0 : index
    %get3A_25 = arith.constant 0 : index
    %get3A_26 = vector.load %arg8[%get3A_24, %get3A_25] : memref<128x128xf32, #tpu.memory_space<vmem>>, vector<128x128xf32>
    %get3A_27 = arith.constant 0 : index
    %get3A_28 = arith.constant 0 : index
    %get3A_29 = vector.load %arg9[%get3A_27, %get3A_28] : memref<128x16xf32, #tpu.memory_space<vmem>>, vector<128x16xf32>
    %get3A_30 = arith.constant 0 : index
    %get3A_31 = arith.constant 0 : index
    %get3A_32 = vector.load %arg10[%get3A_30, %get3A_31] : memref<16x128xf32, #tpu.memory_space<vmem>>, vector<16x128xf32>
    %dot_general3A_33 = arith.constant dense<0.000000e+00> : vector<2000x128xf32>
    %dot_general3A_34 = tpu.matmul %add3A, %get3A_20, %dot_general3A_33 {dimension_numbers = #tpu.dot_dimension_numbers<[1], [0], [0], [1], [0, 0, 1, 1], [], []>, transpose_lhs_hint = false} : vector<2000x32xf32>, vector<32x128xf32>, vector<2000x128xf32> -> vector<2000x128xf32>
    %add3A_35 = vector.broadcast %get3A_23 : vector<1x128xf32> to vector<2000x128xf32>
    %add3A_36 = arith.addf %dot_general3A_34, %add3A_35 : vector<2000x128xf32>
    %max3A = arith.constant 0.000000e+00 : f32
    %max3A_37 = vector.broadcast %max3A : f32 to vector<2000x128xf32>
    %max3A_38 = arith.maximumf %add3A_36, %max3A_37 : vector<2000x128xf32>
    %dot_general3A_39 = arith.constant dense<0.000000e+00> : vector<2000x128xf32>
    %dot_general3A_40 = tpu.matmul %max3A_38, %get3A_26, %dot_general3A_39 {dimension_numbers = #tpu.dot_dimension_numbers<[1], [0], [0], [1], [0, 0, 1, 1], [], []>, transpose_lhs_hint = false} : vector<2000x128xf32>, vector<128x128xf32>, vector<2000x128xf32> -> vector<2000x128xf32>
    %mul3A = arith.mulf %get3A_11, %dot_general3A_40 : vector<2000x128xf32>
    %mul3A_41 = arith.mulf %get3A_14, %dot_general3A_40 : vector<2000x128xf32>
    %mul3A_42 = arith.mulf %get3A_17, %mul3A : vector<2000x128xf32>
    %dot_general3A_43 = arith.constant dense<0.000000e+00> : vector<2000x16xf32>
    %dot_general3A_44 = tpu.matmul %mul3A_42, %get3A_29, %dot_general3A_43 {dimension_numbers = #tpu.dot_dimension_numbers<[1], [0], [0], [1], [0, 0, 1, 1], [], []>, transpose_lhs_hint = false} : vector<2000x128xf32>, vector<128x16xf32>, vector<2000x16xf32> -> vector<2000x16xf32>
    %mul3A_45 = arith.constant 0.353553385 : f32
    %mul3A_46 = vector.broadcast %mul3A_45 : f32 to vector<2000x16xf32>
    %mul3A_47 = arith.mulf %dot_general3A_44, %mul3A_46 : vector<2000x16xf32>
    %exp3A = math.exp %mul3A_47 : vector<2000x16xf32>
    %dot_general3A_48 = arith.constant dense<0.000000e+00> : vector<2000x128xf32>
    %dot_general3A_49 = tpu.matmul %exp3A, %get3A_32, %dot_general3A_48 {dimension_numbers = #tpu.dot_dimension_numbers<[1], [0], [0], [1], [0, 0, 1, 1], [], []>, transpose_lhs_hint = false} : vector<2000x16xf32>, vector<16x128xf32>, vector<2000x128xf32> -> vector<2000x128xf32>
    %mul3A_50 = arith.mulf %dot_general3A_49, %mul3A_41 : vector<2000x128xf32>
    %swap3A = arith.constant 0 : index
    %swap3A_51 = arith.constant 0 : index
    %swap3A_52 = vector.load %arg12[%swap3A, %swap3A_51] : memref<2000x128xf32, #tpu.memory_space<vmem>>, vector<2000x128xf32>
    tpu.vector_store %arg12[%swap3A, %swap3A_51], %mul3A_50 {strides = array<i32>} : memref<2000x128xf32, #tpu.memory_space<vmem>>, vector<2000x128xf32>,
    %swap3A_53 = arith.constant 0 : index
    %swap3A_54 = arith.constant 0 : index
    %swap3A_55 = vector.load %arg13[%swap3A_53, %swap3A_54] : memref<2000x16xf32, #tpu.memory_space<vmem>>, vector<2000x16xf32>
    tpu.vector_store %arg13[%swap3A_53, %swap3A_54], %exp3A {strides = array<i32>} : memref<2000x16xf32, #tpu.memory_space<vmem>>, vector<2000x16xf32>,
    return
  }
  func.func @transform_0(%arg0: i32) -> (i32, i32) {
    %c0_i32 = arith.constant 0 : i32
    %c0_i32_0 = arith.constant 0 : i32
    return %arg0, %c0_i32 : i32, i32
  }
  func.func @transform_1(%arg0: i32) -> (i32, i32) {
    %c0_i32 = arith.constant 0 : i32
    %c0_i32_0 = arith.constant 0 : i32
    return %arg0, %c0_i32 : i32, i32
  }
  func.func @transform_2(%arg0: i32) -> (i32, i32) {
    %c0_i32 = arith.constant 0 : i32
    %c0_i32_0 = arith.constant 0 : i32
    return %arg0, %c0_i32 : i32, i32
  }
  func.func @transform_3(%arg0: i32) -> (i32, i32) {
    %c0_i32 = arith.constant 0 : i32
    %c0_i32_0 = arith.constant 0 : i32
    return %arg0, %c0_i32 : i32, i32
  }
  func.func @transform_4(%arg0: i32) -> (i32, i32) {
    %c0_i32 = arith.constant 0 : i32
    %c0_i32_0 = arith.constant 0 : i32
    return %arg0, %c0_i32 : i32, i32
  }
  func.func @transform_5(%arg0: i32) -> (i32, i32) {
    %c0_i32 = arith.constant 0 : i32
    %c0_i32_0 = arith.constant 0 : i32
    %c0_i32_1 = arith.constant 0 : i32
    return %c0_i32, %c0_i32_0 : i32, i32
  }
  func.func @transform_6(%arg0: i32) -> (i32, i32) {
    %c0_i32 = arith.constant 0 : i32
    %c0_i32_0 = arith.constant 0 : i32
    %c0_i32_1 = arith.constant 0 : i32
    return %c0_i32, %c0_i32_0 : i32, i32
  }
  func.func @transform_7(%arg0: i32) -> (i32, i32) {
    %c0_i32 = arith.constant 0 : i32
    %c0_i32_0 = arith.constant 0 : i32
    %c0_i32_1 = arith.constant 0 : i32
    return %c0_i32, %c0_i32_0 : i32, i32
  }
  func.func @transform_8(%arg0: i32) -> (i32, i32) {
    %c0_i32 = arith.constant 0 : i32
    %c0_i32_0 = arith.constant 0 : i32
    %c0_i32_1 = arith.constant 0 : i32
    return %c0_i32, %c0_i32_0 : i32, i32
  }
  func.func @transform_9(%arg0: i32) -> (i32, i32) {
    %c0_i32 = arith.constant 0 : i32
    %c0_i32_0 = arith.constant 0 : i32
    %c0_i32_1 = arith.constant 0 : i32
    return %c0_i32, %c0_i32_0 : i32, i32
  }
  func.func @transform_10(%arg0: i32) -> (i32, i32) {
    %c0_i32 = arith.constant 0 : i32
    %c0_i32_0 = arith.constant 0 : i32
    %c0_i32_1 = arith.constant 0 : i32
    return %c0_i32, %c0_i32_0 : i32, i32
  }
  func.func @transform_11(%arg0: i32) -> (i32, i32) {
    %c0_i32 = arith.constant 0 : i32
    %c0_i32_0 = arith.constant 0 : i32
    return %arg0, %c0_i32 : i32, i32
  }
  func.func @transform_12(%arg0: i32) -> (i32, i32) {
    %c0_i32 = arith.constant 0 : i32
    %c0_i32_0 = arith.constant 0 : i32
    return %arg0, %c0_i32 : i32, i32
  }
}

module attributes {stable_mosaic.version = 14 : i64} {
  func.func @_fin1_body(%arg0: i32, %arg1: memref<784x128xf32, #tpu.memory_space<vmem>>, %arg2: memref<784x128xf32, #tpu.memory_space<vmem>>, %arg3: memref<784x16xf32, #tpu.memory_space<vmem>>, %arg4: memref<784x16xf32, #tpu.memory_space<vmem>>, %arg5: memref<784x128xf32, #tpu.memory_space<vmem>>, %arg6: memref<128x128xf32, #tpu.memory_space<vmem>>, %arg7: memref<1x128xf32, #tpu.memory_space<vmem>>, %arg8: memref<16x128xf32, #tpu.memory_space<vmem>>, %arg9: memref<784x128xf32, #tpu.memory_space<vmem>>) attributes {dimension_semantics = [#tpu.dimension_semantics<arbitrary>], iteration_bounds = array<i64: 16>, scalar_prefetch = 0 : i64, scratch_operands = 0 : i64, tpu.core_type = #tpu.core_type<tc>, window_params = [{transform_indices = @transform_0, window_bounds = array<i64: 784, 128>}, {transform_indices = @transform_1, window_bounds = array<i64: 784, 128>}, {transform_indices = @transform_2, window_bounds = array<i64: 784, 16>}, {transform_indices = @transform_3, window_bounds = array<i64: 784, 16>}, {transform_indices = @transform_4, window_bounds = array<i64: 784, 128>}, {pipeline_mode = #tpu.pipeline_mode<synchronous>, transform_indices = @transform_5, window_bounds = array<i64: 128, 128>}, {pipeline_mode = #tpu.pipeline_mode<synchronous>, transform_indices = @transform_6, window_bounds = array<i64: 1, 128>}, {pipeline_mode = #tpu.pipeline_mode<synchronous>, transform_indices = @transform_7, window_bounds = array<i64: 16, 128>}, {transform_indices = @transform_8, window_bounds = array<i64: 784, 128>}]} {
    %get3A = arith.constant 0 : index
    %get3A_0 = arith.constant 0 : index
    %get3A_1 = vector.load %arg3[%get3A, %get3A_0] : memref<784x16xf32, #tpu.memory_space<vmem>>, vector<784x16xf32>
    %get3A_2 = arith.constant 0 : index
    %get3A_3 = arith.constant 0 : index
    %get3A_4 = vector.load %arg4[%get3A_2, %get3A_3] : memref<784x16xf32, #tpu.memory_space<vmem>>, vector<784x16xf32>
    %add3A = arith.addf %get3A_1, %get3A_4 : vector<784x16xf32>
    %get3A_5 = arith.constant 0 : index
    %get3A_6 = arith.constant 0 : index
    %get3A_7 = vector.load %arg8[%get3A_5, %get3A_6] : memref<16x128xf32, #tpu.memory_space<vmem>>, vector<16x128xf32>
    %dot_general3A = arith.constant dense<0.000000e+00> : vector<784x128xf32>
    %dot_general3A_8 = tpu.matmul %add3A, %get3A_7, %dot_general3A {dimension_numbers = #tpu.dot_dimension_numbers<[1], [0], [0], [1], [0, 0, 1, 1], [], []>, transpose_lhs_hint = false} : vector<784x16xf32>, vector<16x128xf32>, vector<784x128xf32> -> vector<784x128xf32>
    %add3A_9 = arith.constant 9.99999971E-10 : f32
    %add3A_10 = vector.broadcast %add3A_9 : f32 to vector<784x128xf32>
    %add3A_11 = arith.addf %dot_general3A_8, %add3A_10 : vector<784x128xf32>
    %get3A_12 = arith.constant 0 : index
    %get3A_13 = arith.constant 0 : index
    %get3A_14 = vector.load %arg1[%get3A_12, %get3A_13] : memref<784x128xf32, #tpu.memory_space<vmem>>, vector<784x128xf32>
    %get3A_15 = arith.constant 0 : index
    %get3A_16 = arith.constant 0 : index
    %get3A_17 = vector.load %arg2[%get3A_15, %get3A_16] : memref<784x128xf32, #tpu.memory_space<vmem>>, vector<784x128xf32>
    %add3A_18 = arith.addf %get3A_14, %get3A_17 : vector<784x128xf32>
    %div3A = arith.divf %add3A_18, %add3A_11 : vector<784x128xf32>
    %get3A_19 = arith.constant 0 : index
    %get3A_20 = arith.constant 0 : index
    %get3A_21 = vector.load %arg5[%get3A_19, %get3A_20] : memref<784x128xf32, #tpu.memory_space<vmem>>, vector<784x128xf32>
    %add3A_22 = arith.addf %div3A, %get3A_21 : vector<784x128xf32>
    %get3A_23 = arith.constant 0 : index
    %get3A_24 = arith.constant 0 : index
    %get3A_25 = vector.load %arg6[%get3A_23, %get3A_24] : memref<128x128xf32, #tpu.memory_space<vmem>>, vector<128x128xf32>
    %dot_general3A_26 = arith.constant dense<0.000000e+00> : vector<784x128xf32>
    %dot_general3A_27 = tpu.matmul %add3A_22, %get3A_25, %dot_general3A_26 {dimension_numbers = #tpu.dot_dimension_numbers<[1], [0], [0], [1], [0, 0, 1, 1], [], []>, transpose_lhs_hint = false} : vector<784x128xf32>, vector<128x128xf32>, vector<784x128xf32> -> vector<784x128xf32>
    %get3A_28 = arith.constant 0 : index
    %get3A_29 = arith.constant 0 : index
    %get3A_30 = vector.load %arg7[%get3A_28, %get3A_29] : memref<1x128xf32, #tpu.memory_space<vmem>>, vector<1x128xf32>
    %add3A_31 = vector.broadcast %get3A_30 : vector<1x128xf32> to vector<784x128xf32>
    %add3A_32 = arith.addf %dot_general3A_27, %add3A_31 : vector<784x128xf32>
    %swap3A = arith.constant 0 : index
    %swap3A_33 = arith.constant 0 : index
    %swap3A_34 = vector.load %arg9[%swap3A, %swap3A_33] : memref<784x128xf32, #tpu.memory_space<vmem>>, vector<784x128xf32>
    tpu.vector_store %arg9[%swap3A, %swap3A_33], %add3A_32 {strides = array<i32>} : memref<784x128xf32, #tpu.memory_space<vmem>>, vector<784x128xf32>,
    return
  }
  func.func @transform_0(%arg0: i32) -> (i32, i32) {
    %c0_i32 = arith.constant 0 : i32
    %c0_i32_0 = arith.constant 0 : i32
    return %arg0, %c0_i32 : i32, i32
  }
  func.func @transform_1(%arg0: i32) -> (i32, i32) {
    %c0_i32 = arith.constant 0 : i32
    %c0_i32_0 = arith.constant 0 : i32
    return %arg0, %c0_i32 : i32, i32
  }
  func.func @transform_2(%arg0: i32) -> (i32, i32) {
    %c0_i32 = arith.constant 0 : i32
    %c0_i32_0 = arith.constant 0 : i32
    return %arg0, %c0_i32 : i32, i32
  }
  func.func @transform_3(%arg0: i32) -> (i32, i32) {
    %c0_i32 = arith.constant 0 : i32
    %c0_i32_0 = arith.constant 0 : i32
    return %arg0, %c0_i32 : i32, i32
  }
  func.func @transform_4(%arg0: i32) -> (i32, i32) {
    %c0_i32 = arith.constant 0 : i32
    %c0_i32_0 = arith.constant 0 : i32
    return %arg0, %c0_i32 : i32, i32
  }
  func.func @transform_5(%arg0: i32) -> (i32, i32) {
    %c0_i32 = arith.constant 0 : i32
    %c0_i32_0 = arith.constant 0 : i32
    %c0_i32_1 = arith.constant 0 : i32
    return %c0_i32, %c0_i32_0 : i32, i32
  }
  func.func @transform_6(%arg0: i32) -> (i32, i32) {
    %c0_i32 = arith.constant 0 : i32
    %c0_i32_0 = arith.constant 0 : i32
    %c0_i32_1 = arith.constant 0 : i32
    return %c0_i32, %c0_i32_0 : i32, i32
  }
  func.func @transform_7(%arg0: i32) -> (i32, i32) {
    %c0_i32 = arith.constant 0 : i32
    %c0_i32_0 = arith.constant 0 : i32
    %c0_i32_1 = arith.constant 0 : i32
    return %c0_i32, %c0_i32_0 : i32, i32
  }
  func.func @transform_8(%arg0: i32) -> (i32, i32) {
    %c0_i32 = arith.constant 0 : i32
    %c0_i32_0 = arith.constant 0 : i32
    return %arg0, %c0_i32 : i32, i32
  }
}

</mosaic_0001>

<sc_bundles>
// kernel: kernel.11.cloned.1.call-start
scs
__scs_entry_jumppad:
0x0: {  	(pc) =	sbr.rel $0x88, $3  }
0x1: {  	(tag) =	ssettag $0x0;
	lr =	simm.s32 $0x1  }
0x2: {  	[smem:$0x3F8B] =	sst lr;
	_ =	strace $0xD0000000  }
0x3: {  	_ = 	snop  }
0x4: {  	_ = 	snop  }
0x5: {  	_ = 	snop  }
0x6: {  	_ = 	snop  }
0x7: {  	_ = 	snop  }
__scs_overlays_trampoline_lowered:
0x8: {  	[smem:$0x3F9A] =	sst s0  }
0x9: {  	[smem:$0x3F9B] =	sst s1  }
0xa: {  	[smem:$0x3F9C] =	sst s2  }
0xb: {  	[smem:$0x3F9D] =	sst s3  }
0xc: {  	[smem:$0x3F9E] =	sst s4  }
0xd: {  	[smem:$0x3F9F] =	sst s5  }
0xe: {  	[smem:$0x3FA0] =	sst s6  }
0xf: {  	[smem:$0x3FA1] =	sst s7  }
0x10: {  	[smem:$0x3FA2] =	sst s8  }
0x11: {  	[smem:$0x3FA3] =	sst s9;
	s0 =	simm.s32 @!p0 $0x0  }
0x12: {  	s1 =	sld [smem:$0x3F89];
	s0 =	simm.s32 @p0 $0x1  }
0x13: {  	[smem:$0x3FA4] =	sst s0;
	s0 =	simm.s32 @!p1 $0x0  }
0x14: {  	s2 =	sld [smem:$0x3F88];
	s0 =	simm.s32 @p1 $0x1  }
0x15: {  	[smem:$0x3FA5] =	sst s0;
	s0 =	simm.s32 @!p2 $0x0  }
0x16: {  	s3 =	sld [smem:$0x3FDB];
	s0 =	simm.s32 @p2 $0x1  }
0x17: {  	s4 =	simm.s32 $0x1BF5;
	[smem:$0x3FA7] =	sst s0  }
0x18: {  	s0 =	sld [smem:$0x3F8A];
	_ =	swait.ge [sflag:s4], $0x0  }
0x19: {  	s7 =	sld [smem:$0x3F8B]  }
0x1a: {  	s8 =	sadd.s32 $0xFFFFE003, lr  }
0x1b: {  	s9 =	sadd.s32 $0xFFFFFEF7, lr;
	s5 =	simm.s32 $0xFFFFFFFF;
	p2 =	slt.u32 s8, $0xFFFFF086  }
0x1c: {  	p1 =	slt.u32 s9, $0xF7A;
	s5 =	simm.s32 @!p2 $0x0  }
0x1d: {  	s5 =	simm.s32 @p1 $0x1;
	p0 =	seq.s32 s7, s2  }
0x1e: {  	s7 =	smul.u32 @!p0 $0xF7A, s2;
	p2 =	seq.s32 @!p0 s5, $0x0  }
0x1f: {  	s9 =	smul.u32 $0xF7A, s1;
	s8 =	simm.s32 @!p0 $0x1BF5;
	p2 =	por !p2, p0  }
0x20: {  	[sflag:s8] =	ssyncset.s32 @!p0 $0xFFFFF086;
	s6 =	sadd.s32 @!p0 s3, s7;
	s7 =	simm.s32 @!p0 $0x108  }
0x21: {  	s3 =	sadd.s32 s3, s9;
	s6 =	sadd.s32 @!p0 $0x88, s6;
	s7 =	simm.s32 @p2 $0x1082  }
0x22: {  	[simem:s7], [sflag:s8] =	dma.local @!p0 [hbm:s6], $0xF7A  }
0x23: {  	s9 =	sor.u32 $0xD0000000, s2;
	s6 =	simm.s32 $0x108;
	_ =	swait.ge @!p0 [sflag:s8], $0x0  }
0x24: {  	s3 =	sadd.s32 $0x88, s3;
	s6 =	simm.s32 @!p1 $0x1082;
	[sflag:s4] =	ssyncset.s32 $0xFFFFF086  }
0x25: {  	[simem:s6], [sflag:s4] =	dma.local [hbm:s3], $0xF7A  }
0x26: {  	[smem:$0x3F8B] =	sst s1;
	(tag) =	ssettag s2;
	_ =	strace s9  }
0x27: {  	s1 =	sld [smem:$0x3F9B]  }
0x28: {  	s2 =	sld [smem:$0x3F9C]  }
0x29: {  	s4 =	sld [smem:$0x3F9E]  }
0x2a: {  	p0 =	seq.s32 s5, $0x0;
	s5 =	sld [smem:$0x3F9F]  }
0x2b: {  	s6 =	sld [smem:$0x3FA0]  }
0x2c: {  	s7 =	sld [smem:$0x3FA1]  }
0x2d: {  	s3 =	simm.s32 $0x108;
	s8 =	sld [smem:$0x3FA2]  }
0x2e: {  	s3 =	simm.s32 @!p0 $0x1082;
	s9 =	sld [smem:$0x3FA3]  }
0x2f: {  	lr =	sadd.s32 s0, s3;
	s0 =	sld [smem:$0x3F9A]  }
0x30: {  	s3 =	sld [smem:$0x3F9D]  }
0x31: {  	[smem:$0x3FA6] =	sst s10  }
0x32: {  	s10 =	sld [smem:$0x3FA4];
	_ =	sdelay $0x3  }
0x33: {  	p0 =	seq.s32 s10, $0x1;
	s10 =	sld [smem:$0x3FA6];
	_ =	sdelay $0x3  }
0x34: {  	[smem:$0x3FA6] =	sst s10  }
0x35: {  	s10 =	sld [smem:$0x3FA5];
	_ =	sdelay $0x3  }
0x36: {  	p1 =	seq.s32 s10, $0x1;
	s10 =	sld [smem:$0x3FA6];
	_ =	sdelay $0x3  }
0x37: {  	[smem:$0x3FA6] =	sst s10  }
0x38: {  	s10 =	sld [smem:$0x3FA7]  }
0x39: {  	_ = 	snop;
	(pc) =	sbr.ind lr, $3  }
0x3a: {  	_ = 	snop  }
0x3b: {  	_ = 	snop  }
0x3c: {  	p2 =	seq.s32 s10, $0x1;
	s10 =	sld [smem:$0x3FA6]  }
0x3d: {  	_ =	shalt  }
0x3e: {  	_ =	shalt  }
0x3f: {  	_ =	shalt  }
0x40: {  	_ =	shalt  }
0x41: {  	_ =	shalt  }
0x42: {  	_ =	shalt  }
0x43: {  	_ =	shalt  }
0x44: {  	_ =	shalt  }
0x45: {  	_ =	shalt  }
0x46: {  	_ =	shalt  }
0x47: {  	_ =	shalt  }
0x48: {  	_ =	shalt  }
0x49: {  	_ =	shalt  }
0x4a: {  	_ =	shalt  }
0x4b: {  	_ =	shalt  }
0x4c: {  	_ =	shalt  }
0x4d: {  	_ =	shalt  }
0x4e: {  	_ =	shalt  }
0x4f: {  	_ =	shalt  }
0x50: {  	_ =	shalt  }
0x51: {  	_ =	shalt  }
0x52: {  	_ =	shalt  }
0x53: {  	_ =	shalt  }
0x54: {  	_ =	shalt  }
0x55: {  	_ =	shalt  }
0x56: {  	_ =	shalt  }
0x57: {  	_ =	shalt  }
0x58: {  	_ =	shalt  }
0x59: {  	_ =	shalt  }
0x5a: {  	_ =	shalt  }
0x5b: {  	_ =	shalt  }
0x5c: {  	_ =	shalt  }
0x5d: {  	_ =	shalt  }
0x5e: {  	_ =	shalt  }
0x5f: {  	_ =	shalt  }
0x60: {  	_ =	shalt  }
0x61: {  	_ =	shalt  }
0x62: {  	_ =	shalt  }
0x63: {  	_ =	shalt  }
0x64: {  	_ =	shalt  }
0x65: {  	_ =	shalt  }
0x66: {  	_ =	shalt  }
0x67: {  	_ =	shalt  }
0x68: {  	_ =	shalt  }
0x69: {  	_ =	shalt  }
0x6a: {  	_ =	shalt  }
0x6b: {  	_ =	shalt  }
0x6c: {  	_ =	shalt  }
0x6d: {  	_ =	shalt  }
0x6e: {  	_ =	shalt  }
0x6f: {  	_ =	shalt  }
0x70: {  	_ =	shalt  }
0x71: {  	_ =	shalt  }
0x72: {  	_ =	shalt  }
0x73: {  	_ =	shalt  }
0x74: {  	_ =	shalt  }
0x75: {  	_ =	shalt  }
0x76: {  	_ =	shalt  }
0x77: {  	_ =	shalt  }
0x78: {  	_ =	shalt  }
0x79: {  	_ =	shalt  }
0x7a: {  	_ =	shalt  }
0x7b: {  	_ =	shalt  }
0x7c: {  	_ =	shalt  }
0x7d: {  	_ =	shalt  }
0x7e: {  	_ =	shalt  }
0x7f: {  	_ =	shalt  }
0x80: {  	_ =	shalt  }
0x81: {  	_ =	shalt  }
0x82: {  	_ =	shalt  }
0x83: {  	_ =	shalt  }
0x84: {  	_ =	shalt  }
0x85: {  	_ =	shalt  }
0x86: {  	_ =	shalt  }
0x87: {  	_ =	shalt  }
.Lfunc_end0:
.L_simem_size_0:
called_computation_lowered:
.L_overlay_start_0:
0x88: {  	s2 =	sld [smem:$0x3FD9]  }
0x89: {  	s3 =	sld [smem:$0x3FFE];
	_ =	sdelay $0x1  }
0x8a: {  	s1 =	srdreg.scid  }
0x8b: {  	s0 =	sand.u32 $0x1, s1  }
0x8c: {  	s17 =	sshll.u32 s0, $0xA;
	s2 =	sadd.s32 s3, s2  }
0x8d: {  	s2 =	sadd.s32 s2, s17  }
0x8e: {  	[smem:$0x3FB2] =	sst s2  }
0x8f: {  	_ = 	snop  }
0x90: {  	s2 =	sld [smem:$0x3FD0];
	(tm) =	ssettm $0x1  }
0x91: {  	s18 =	sld [smem:$0x3FFB];
	_ =	sdelay $0x3  }
0x92: {  	_ =	strace s18  }
0x93: {  	s3 =	sld [smem:$0x3FFC];
	_ =	sdelay $0x3  }
0x94: {  	_ =	strace s3  }
0x95: {  	s3 =	sld [smem:$0x3FFD];
	_ =	sdelay $0x3  }
0x96: {  	_ =	strace s3  }
0x97: {  	_ =	strace $0x8FFFFFFF  }
0x98: {  	s19 =	sld [smem:$0x3FDB];
	_ =	sdelay $0x1  }
0x99: {  	s4 =	simm.s32 $_scs_section_size  }
0x9a: {  	s5 =	simm.s32 $_size__tile_overlayer_lowered;
	s6 =	simm.s32 $_tile_overlayer_lowered  }
0x9b: {  	s22 =	simm.s32 $0x1BFF;
	s21 =	sshll.u32 s6, $0x1;
	s3 =	sadd.s32 s4, s19  }
0x9c: {  	s7 =	simm.s32 $0x0;
	s20 =	sshll.u32 s5, $0x1;
	s5 =	sadd.s32 s21, s3  }
0x9d: {  	[timem:s7], [sflag:s22] =	dma.local [hbm:s5], s20  }
0x9e: {  	_ =	swait.ge [sflag:s22], s20  }
0x9f: {  	s4 =	ssub.s32 $0x0, s20;
	[sflag:s22] =	ssyncset.done $0x0  }
0xa0: {  	[sflag:s22] =	ssyncadd.s32 s4;
	_ =	sdelay $0x1  }
0xa1: {  	s23 =	simm.s32 $0x1B8B  }
0xa2: {  	_ =	swait.ge [sflag:s23], $0x1  }
0xa3: {  	[sflag:s23] =	ssyncset.done $0x0  }
0xa4: {  	s25 =	simm.s32 $0x1B8E;
	s24 =	sld [smem:$0x3FFE];
	[sflag:s23] =	ssyncadd.s32 $0xFFFFFFFF  }
0xa5: {  	s26 =	simm.s32 $execute0_lowered;
	[smem:$0x3FD2] =	sst s25  }
0xa6: {  	s5 =	sshll.u32 s26, $0x1;
	_ =	strace $0x80000046;
	[dreg:$0x1] =	wrdreg $0xFFFFFFFF  }
0xa7: {  	s28 =	simm.s32 $_size_execute0_lowered;
	s3 =	sadd.s32 s3, s5;
	[dreg:$0x0] =	wrdreg $0x0  }
0xa8: {  	s5 =	sshll.u32 s28, $0x1;
	[dreg:$0x2] =	wrdreg s3  }
0xa9: {  	[dreg:$0x3] =	wrdreg s5  }
0xaa: {  	[dreg:$0x4] =	wrdreg $0xC0  }
0xab: {  	_ =	task [dreg:s7], $0x5FFFF  }
0xac: {  	[dreg:$0x1] =	wrdreg $0xFFFFFFFF  }
0xad: {  	[dreg:$0x0] =	wrdreg $0x60  }
0xae: {  	[dreg:$0x2] =	wrdreg s24  }
0xaf: {  	[dreg:$0x3] =	wrdreg s2  }
0xb0: {  	[dreg:$0x4] =	wrdreg $0x9  }
0xb1: {  	_ =	task.clear_ibuf [dreg:s7], $0x5FFFF;
	_ =	strace $0x90000046  }
0xb2: {  	s29 =	simm.s32 $0x9;
	_ =	strace $0x80000048  }
0xb3: {  	_ =	swait.ge [sflag:s29], $0x1  }
0xb4: {  	[sflag:s29] =	ssyncadd.s32 $0xFFFFFFFF  }
0xb5: {  	_ =	strace $0x90000048  }
0xb6: {  	_ =	sfence  }
0xb7: {  	s30 =	sld [smem:$0x0];
	_ =	sdelay $0x2  }
0xb8: {  	s31 =	sshll.u32 s1, $0xD;
	s1 =	sshrl.u32 s1, $0x2  }
0xb9: {  	s3 =	sand.u32 $0x4000, s31;
	s1 =	sadd.s32 s1, s30  }
0xba: {  	s0 =	sor.u32 s3, s0;
	s1 =	sshll.u32 s1, $0x11  }
0xbb: {  	s0 =	sor.u32 s1, s0  }
0xbc: {  	s0 =	sadd.s32 $0x8F2B, s0  }
0xbd: {  	[sflag:s0] =	ssyncadd.remote.s32 $0x1  }
0xbe: {  	_ =	sfence.sel $0xFFFF  }
0xbf: {  	[dreg:$0x0] =	wrdreg $0xFFFFFFFF;
	(pc) =	sbr.abs _section_cstart, $3  }
0xc0: {  	[dreg:$0x1] =	wrdreg $0xFFFFFFFF  }
0xc1: {  	_ =	task.clear_ibuf [dreg:s7], $0x2FFFF;
	_ =	strace $0x9FFFFFFF  }
0xc2: {  	(tm) =	ssettm $0x7FFFFFFF  }
0xc3: {  	_ =	shalt  }
tec
execute0_lowered:
.L_overlay_start_1:
0x0: {  	(tag) =	ssettag $0x1  }
0x1: {  	s7 =	rddreg [dreg:$0x0]  }
0x2: {  	s2 =	rddreg [dreg:$0x1]  }
0x3: {  	s0 =	rddreg [dreg:$0x2];
	s3 =	simm.s32 $0x0;
	s1 =	stileid.u32  }
0x4: {  	s6 =	srdreg.scid;
	[smem:$0x7FF] =	sst s3;
	s4 =	sshll.u32 s1, $0x5  }
0x5: {  	s5 =	sadd.s32 $0x9AE00, s7;
	s9 =	sshll.u32 s1, $0xA;
	s10 =	sand.u32 $0x1, s6  }
0x6: {  	s6 =	sadd.s32 $0xCBE00, s7;
	_ =	strace $0x80000047;
	s8 =	sadd.s32 s4, s7  }
0x7: {  	s4 =	sadd.s32 $0x38E00, s7;
	s7 =	sadd.s32 s9, s7;
	s31 =	ssub.s32 $0x2, s10  }
0x8: {  	s12 =	sshll.u32 s10, $0x4;
	s10 =	sshll.u32 s10, $0x9;
	s11 =	sshrl.u32 s31, $0x1  }
0x9: {  	s13 =	sadd.s32 s12, s8;
	s15 =	sadd.s32 s10, s7;
	s7 =	sshll.u32 s1, $0x1  }
0xa: {  	s11 =	ssub.s32 s31, s11;
	s9 =	sadd.s32 $0xD31E00, s15;
	s12 =	sadd.s32 $0x717600, s15  }
0xb: {  	s8 =	sadd.s32 $0x20600, s13;
	s13 =	sadd.s32 $0x7E00, s13;
	s14 =	sadd.s32 $0x40A200, s15  }
0xc: {  	s10 =	smax.u32 s11, $0x1;
	s11 =	sadd.s32 $0xA24A00, s15;
	s15 =	sadd.s32 $0xFCE00, s15  }
.LBB2_1:
0xd: {  	p0 =	sgt.u32 s7, $0x1869  }
0xe: {  	s16 =	simm.s32 @!p0 $0x0;
	s17 =	simm.s32 @!p0 $0x3  }
0xf: {  	[tilespmem:s16], [sflag:$0x3] =	stream.linear.gather @!p0 [hbm4b:s13+s16], $0x80, $0x38;
	[tilespmem:$0x5100] =	vst v63  }
0x10: {  	_ =	swait.ge @!p0 [sflag:s17], $0x80  }
0x11: {  	[sflag:s17] =	ssyncset.done @!p0 $0x0;
	p0 =	por p0, p0  }
0x12: {  	[sflag:s17] =	ssyncadd.s32 @!p0 $0xFFFFFF80;
	s18 =	simm.s32 @!p0 $0x80  }
0x13: {  	[tilespmem:s18], [sflag:$0x3] =	stream.linear.gather @!p0 [hbm4b:s8+s16], $0x80, $0x38;
	[tilespmem:$0x5100] =	vst v63  }
0x14: {  	_ =	swait.ge @!p0 [sflag:s17], $0x80  }
0x15: {  	[sflag:s17] =	ssyncset.done @!p0 $0x0  }
0x16: {  	[sflag:s17] =	ssyncadd.s32 @!p0 $0xFFFFFF80;
	s17 =	simm.s32 @!p0 $0x100  }
0x17: {  	[tilespmem:s17], [sflag:$0x1] =	stream.indirect.gather @!p0 [hbm4b:s4+s18], $0x20, s16, s18, $0xb8;
	[tilespmem:$0x5100] =	vst v63  }
0x18: {  	s19 =	simm.s32 @!p0 $0x1100  }
0x19: {  	[tilespmem:s19], [sflag:$0x1] =	stream.indirect.gather @!p0 [hbm4b:s5+s18], $0x20, s16, s18, $0xb8;
	[tilespmem:$0x5100] =	vst v63  }
0x1a: {  	s20 =	simm.s32 @!p0 $0x2100  }
0x1b: {  	[tilespmem:s20], [sflag:$0x1] =	stream.indirect.gather @!p0 [hbm4b:s6+s18], $0x20, s18, s18, $0xb8;
	[tilespmem:$0x5100] =	vst v63  }
0x1c: {  	s21 =	simm.s32 @!p0 $0x3100  }
0x1d: {  	[tilespmem:s21], [sflag:$0x1] =	stream.indirect.gather @!p0 [hbm4b:s2+s18], $0x20, s16, s18, $0xb8;
	[tilespmem:$0x5100] =	vst v63  }
0x1e: {  	s22 =	simm.s32 @!p0 $0x4100;
	s23 =	simm.s32 @!p0 $0x1  }
0x1f: {  	[tilespmem:s22], [sflag:$0x1] =	stream.indirect.gather @!p0 [hbm4b:s2+s18], $0x20, s18, s18, $0xb8;
	[tilespmem:$0x5100] =	vst v63  }
0x20: {  	_ =	swait.ge @!p0 [sflag:s23], $0x1000  }
0x21: {  	[sflag:s23] =	ssyncset.done @!p0 $0x0  }
0x22: {  	[sflag:s23] =	ssyncadd.s32 @!p0 $0xFFFFF000  }
0x23: {  	_ =	swait.ge @!p0 [sflag:s23], $0x1000  }
0x24: {  	[sflag:s23] =	ssyncset.done @!p0 $0x0  }
0x25: {  	[sflag:s23] =	ssyncadd.s32 @!p0 $0xFFFFF000  }
0x26: {  	_ =	swait.ge @!p0 [sflag:s23], $0x1000  }
0x27: {  	[sflag:s23] =	ssyncset.done @!p0 $0x0  }
0x28: {  	[sflag:s23] =	ssyncadd.s32 @!p0 $0xFFFFF000  }
0x29: {  	_ =	swait.ge @!p0 [sflag:s23], $0x1000  }
0x2a: {  	[sflag:s23] =	ssyncset.done @!p0 $0x0  }
0x2b: {  	[sflag:s23] =	ssyncadd.s32 @!p0 $0xFFFFF000  }
0x2c: {  	_ =	swait.ge @!p0 [sflag:s23], $0x1000  }
0x2d: {  	[sflag:s23] =	ssyncset.done @!p0 $0x0  }
0x2e: {  	s18 =	sadd.s32 @!p0 $0x0, s15;
	[sflag:s23] =	ssyncadd.s32 @!p0 $0xFFFFF000  }
0x2f: {  	[hbm4b:s18+s16] =	stream.linear.scatter @!p0 [tilespmem:s17], [sflag:$0x2], $0x1000, $0x38;
	[tilespmem:$0x5100] =	vst v63  }
0x30: {  	s17 =	sadd.s32 @!p0 $0x0, s14  }
0x31: {  	[hbm4b:s17+s16] =	stream.linear.scatter @!p0 [tilespmem:s19], [sflag:$0x2], $0x1000, $0x38;
	[tilespmem:$0x5100] =	vst v63  }
0x32: {  	s17 =	sadd.s32 @!p0 $0x0, s12  }
0x33: {  	[hbm4b:s17+s16] =	stream.linear.scatter @!p0 [tilespmem:s20], [sflag:$0x2], $0x1000, $0x38;
	[tilespmem:$0x5100] =	vst v63  }
0x34: {  	s17 =	sadd.s32 @!p0 $0x0, s11  }
0x35: {  	[hbm4b:s17+s16] =	stream.linear.scatter @!p0 [tilespmem:s21], [sflag:$0x2], $0x1000, $0x38;
	[tilespmem:$0x5100] =	vst v63  }
0x36: {  	s23 =	simm.s32 @!p0 $0x2;
	s17 =	sadd.s32 @!p0 $0x0, s9  }
0x37: {  	[hbm4b:s17+s16] =	stream.linear.scatter @!p0 [tilespmem:s22], [sflag:$0x2], $0x1000, $0x38;
	[tilespmem:$0x5100] =	vst v63  }
0x38: {  	_ =	swait.ge @!p0 [sflag:s23], $0x1000  }
0x39: {  	[sflag:s23] =	ssyncset.done @!p0 $0x0  }
0x3a: {  	[sflag:s23] =	ssyncadd.s32 @!p0 $0xFFFFF000  }
0x3b: {  	_ =	swait.ge @!p0 [sflag:s23], $0x1000  }
0x3c: {  	[sflag:s23] =	ssyncset.done @!p0 $0x0  }
0x3d: {  	[sflag:s23] =	ssyncadd.s32 @!p0 $0xFFFFF000  }
0x3e: {  	_ =	swait.ge @!p0 [sflag:s23], $0x1000  }
0x3f: {  	[sflag:s23] =	ssyncset.done @!p0 $0x0  }
0x40: {  	[sflag:s23] =	ssyncadd.s32 @!p0 $0xFFFFF000  }
0x41: {  	_ =	swait.ge @!p0 [sflag:s23], $0x1000  }
0x42: {  	[sflag:s23] =	ssyncset.done @!p0 $0x0  }
0x43: {  	s18 =	sadd.s32 $0x200, s13;
	s20 =	sadd.s32 $0x20, s7;
	[sflag:s23] =	ssyncadd.s32 @!p0 $0xFFFFF000  }
0x44: {  	s19 =	simm.s32 $0x8000;
	p2 =	sgt.u32 s20, $0x1869;
	_ =	swait.ge @!p0 [sflag:s23], $0x1000  }
0x45: {  	s16 =	simm.s32 $0x4000;
	s17 =	sadd.s32 $0x200, s8;
	[sflag:s23] =	ssyncset.done @!p0 $0x0  }
.LBB2_2:
0x46: {  	s21 =	simm.s32 @!p2 $0x0;
	s24 =	simm.s32 @!p2 $0x3;
	[sflag:s23] =	ssyncadd.s32 @!p0 $0xFFFFF000  }
0x47: {  	[tilespmem:s21], [sflag:$0x3] =	stream.linear.gather @!p2 [hbm4b:s18+s21], $0x80, $0x38;
	[tilespmem:$0x5100] =	vst v63  }
0x48: {  	s22 =	smov.u32 s19;
	s19 =	sadd.s32 $0x4000, s19;
	_ =	swait.ge @!p2 [sflag:s24], $0x80  }
0x49: {  	p0 =	por p2, p2;
	p1 =	sne.s32 s19, $0x310000;
	[sflag:s24] =	ssyncset.done @!p2 $0x0  }
0x4a: {  	s23 =	simm.s32 @!p0 $0x80;
	[sflag:s24] =	ssyncadd.s32 @!p0 $0xFFFFFF80  }
0x4b: {  	[tilespmem:s23], [sflag:$0x3] =	stream.linear.gather @!p0 [hbm4b:s17+s21], $0x80, $0x38;
	[tilespmem:$0x5100] =	vst v63  }
0x4c: {  	_ =	swait.ge @!p0 [sflag:s24], $0x80  }
0x4d: {  	[sflag:s24] =	ssyncset.done @!p0 $0x0  }
0x4e: {  	[sflag:s24] =	ssyncadd.s32 @!p0 $0xFFFFFF80;
	s24 =	simm.s32 @!p0 $0x100  }
0x4f: {  	[tilespmem:s24], [sflag:$0x1] =	stream.indirect.gather @!p0 [hbm4b:s4+s23], $0x20, s21, s23, $0xb8;
	[tilespmem:$0x5100] =	vst v63  }
0x50: {  	s25 =	simm.s32 @!p0 $0x1100  }
0x51: {  	[tilespmem:s25], [sflag:$0x1] =	stream.indirect.gather @!p0 [hbm4b:s5+s23], $0x20, s21, s23, $0xb8;
	[tilespmem:$0x5100] =	vst v63  }
0x52: {  	s26 =	simm.s32 @!p0 $0x2100  }
0x53: {  	[tilespmem:s26], [sflag:$0x1] =	stream.indirect.gather @!p0 [hbm4b:s6+s23], $0x20, s23, s23, $0xb8;
	[tilespmem:$0x5100] =	vst v63  }
0x54: {  	s28 =	simm.s32 @!p0 $0x3100  }
0x55: {  	[tilespmem:s28], [sflag:$0x1] =	stream.indirect.gather @!p0 [hbm4b:s2+s23], $0x20, s21, s23, $0xb8;
	[tilespmem:$0x5100] =	vst v63  }
0x56: {  	s29 =	simm.s32 @!p0 $0x4100;
	s30 =	simm.s32 @!p0 $0x1  }
0x57: {  	[tilespmem:s29], [sflag:$0x1] =	stream.indirect.gather @!p0 [hbm4b:s2+s23], $0x20, s23, s23, $0xb8;
	[tilespmem:$0x5100] =	vst v63  }
0x58: {  	_ =	swait.ge @!p0 [sflag:s30], $0x1000  }
0x59: {  	[sflag:s30] =	ssyncset.done @!p0 $0x0  }
0x5a: {  	[sflag:s30] =	ssyncadd.s32 @!p0 $0xFFFFF000  }
0x5b: {  	_ =	swait.ge @!p0 [sflag:s30], $0x1000  }
0x5c: {  	[sflag:s30] =	ssyncset.done @!p0 $0x0  }
0x5d: {  	[sflag:s30] =	ssyncadd.s32 @!p0 $0xFFFFF000  }
0x5e: {  	_ =	swait.ge @!p0 [sflag:s30], $0x1000  }
0x5f: {  	[sflag:s30] =	ssyncset.done @!p0 $0x0  }
0x60: {  	[sflag:s30] =	ssyncadd.s32 @!p0 $0xFFFFF000  }
0x61: {  	_ =	swait.ge @!p0 [sflag:s30], $0x1000  }
0x62: {  	[sflag:s30] =	ssyncset.done @!p0 $0x0  }
0x63: {  	[sflag:s30] =	ssyncadd.s32 @!p0 $0xFFFFF000  }
0x64: {  	_ =	swait.ge @!p0 [sflag:s30], $0x1000  }
0x65: {  	[sflag:s30] =	ssyncset.done @!p0 $0x0  }
0x66: {  	s23 =	sadd.s32 @!p0 s16, s15;
	[sflag:s30] =	ssyncadd.s32 @!p0 $0xFFFFF000  }
0x67: {  	[hbm4b:s23+s21] =	stream.linear.scatter @!p0 [tilespmem:s24], [sflag:$0x2], $0x1000, $0x38;
	[tilespmem:$0x5100] =	vst v63  }
0x68: {  	s23 =	sadd.s32 @!p0 s16, s14  }
0x69: {  	[hbm4b:s23+s21] =	stream.linear.scatter @!p0 [tilespmem:s25], [sflag:$0x2], $0x1000, $0x38;
	[tilespmem:$0x5100] =	vst v63  }
0x6a: {  	s23 =	sadd.s32 @!p0 s16, s12  }
0x6b: {  	[hbm4b:s23+s21] =	stream.linear.scatter @!p0 [tilespmem:s26], [sflag:$0x2], $0x1000, $0x38;
	[tilespmem:$0x5100] =	vst v63  }
0x6c: {  	s23 =	sadd.s32 @!p0 s16, s11  }
0x6d: {  	[hbm4b:s23+s21] =	stream.linear.scatter @!p0 [tilespmem:s28], [sflag:$0x2], $0x1000, $0x38;
	[tilespmem:$0x5100] =	vst v63  }
0x6e: {  	s24 =	sadd.s32 @!p0 s16, s9;
	s16 =	smov.u32 s22;
	s23 =	simm.s32 @!p0 $0x2  }
0x6f: {  	[hbm4b:s24+s21] =	stream.linear.scatter @!p0 [tilespmem:s29], [sflag:$0x2], $0x1000, $0x38;
	[tilespmem:$0x5100] =	vst v63  }
0x70: {  	_ =	swait.ge @!p0 [sflag:s23], $0x1000  }
0x71: {  	[sflag:s23] =	ssyncset.done @!p0 $0x0  }
0x72: {  	[sflag:s23] =	ssyncadd.s32 @!p0 $0xFFFFF000  }
0x73: {  	_ =	swait.ge @!p0 [sflag:s23], $0x1000  }
0x74: {  	[sflag:s23] =	ssyncset.done @!p0 $0x0  }
0x75: {  	[sflag:s23] =	ssyncadd.s32 @!p0 $0xFFFFF000  }
0x76: {  	_ =	swait.ge @!p0 [sflag:s23], $0x1000  }
0x77: {  	[sflag:s23] =	ssyncset.done @!p0 $0x0  }
0x78: {  	[sflag:s23] =	ssyncadd.s32 @!p0 $0xFFFFF000  }
.Ltmp0:
0x79: {  	_ =	swait.ge @!p0 [sflag:s23], $0x1000;
	(pc) =	sbr.rel @p1 .LBB2_2-.Ltmp0, $4  }
0x7a: {  	[sflag:s23] =	ssyncset.done @!p0 $0x0  }
0x7b: {  	[sflag:s23] =	ssyncadd.s32 @!p0 $0xFFFFF000  }
0x7c: {  	s20 =	sadd.s32 $0x20, s20;
	s18 =	sadd.s32 $0x200, s18;
	_ =	swait.ge @!p0 [sflag:s23], $0x1000  }
0x7d: {  	p2 =	sgt.u32 s20, $0x1869;
	s17 =	sadd.s32 $0x200, s17;
	[sflag:s23] =	ssyncset.done @!p0 $0x0  }
0x7e: {  	s19 =	simm.s32 @!p2 $0x0;
	s20 =	simm.s32 @!p2 $0x3;
	[sflag:s23] =	ssyncadd.s32 @!p0 $0xFFFFF000  }
0x7f: {  	[tilespmem:s19], [sflag:$0x3] =	stream.linear.gather @!p2 [hbm4b:s18+s19], $0x80, $0x38;
	[tilespmem:$0x5100] =	vst v63  }
0x80: {  	_ =	swait.ge @!p2 [sflag:s20], $0x80  }
0x81: {  	p0 =	por p2, p2;
	[sflag:s20] =	ssyncset.done @!p2 $0x0  }
0x82: {  	s18 =	simm.s32 @!p0 $0x80;
	[sflag:s20] =	ssyncadd.s32 @!p0 $0xFFFFFF80  }
0x83: {  	[tilespmem:s18], [sflag:$0x3] =	stream.linear.gather @!p0 [hbm4b:s17+s19], $0x80, $0x38;
	[tilespmem:$0x5100] =	vst v63  }
0x84: {  	_ =	swait.ge @!p0 [sflag:s20], $0x80  }
0x85: {  	[sflag:s20] =	ssyncset.done @!p0 $0x0  }
0x86: {  	s17 =	simm.s32 @!p0 $0x100;
	[sflag:s20] =	ssyncadd.s32 @!p0 $0xFFFFFF80  }
0x87: {  	[tilespmem:s17], [sflag:$0x1] =	stream.indirect.gather @!p0 [hbm4b:s4+s18], $0x20, s19, s18, $0xb8;
	[tilespmem:$0x5100] =	vst v63  }
0x88: {  	s20 =	simm.s32 @!p0 $0x1100  }
0x89: {  	[tilespmem:s20], [sflag:$0x1] =	stream.indirect.gather @!p0 [hbm4b:s5+s18], $0x20, s19, s18, $0xb8;
	[tilespmem:$0x5100] =	vst v63  }
0x8a: {  	s21 =	simm.s32 @!p0 $0x2100  }
0x8b: {  	[tilespmem:s21], [sflag:$0x1] =	stream.indirect.gather @!p0 [hbm4b:s6+s18], $0x20, s18, s18, $0xb8;
	[tilespmem:$0x5100] =	vst v63  }
0x8c: {  	s22 =	simm.s32 @!p0 $0x3100  }
0x8d: {  	[tilespmem:s22], [sflag:$0x1] =	stream.indirect.gather @!p0 [hbm4b:s2+s18], $0x20, s19, s18, $0xb8;
	[tilespmem:$0x5100] =	vst v63  }
0x8e: {  	s23 =	simm.s32 @!p0 $0x4100;
	s24 =	simm.s32 @!p0 $0x1  }
0x8f: {  	[tilespmem:s23], [sflag:$0x1] =	stream.indirect.gather @!p0 [hbm4b:s2+s18], $0x20, s18, s18, $0xb8;
	[tilespmem:$0x5100] =	vst v63  }
0x90: {  	_ =	swait.ge @!p0 [sflag:s24], $0x1000  }
0x91: {  	[sflag:s24] =	ssyncset.done @!p0 $0x0  }
0x92: {  	[sflag:s24] =	ssyncadd.s32 @!p0 $0xFFFFF000  }
0x93: {  	_ =	swait.ge @!p0 [sflag:s24], $0x1000  }
0x94: {  	[sflag:s24] =	ssyncset.done @!p0 $0x0  }
0x95: {  	[sflag:s24] =	ssyncadd.s32 @!p0 $0xFFFFF000  }
0x96: {  	_ =	swait.ge @!p0 [sflag:s24], $0x1000  }
0x97: {  	[sflag:s24] =	ssyncset.done @!p0 $0x0  }
0x98: {  	[sflag:s24] =	ssyncadd.s32 @!p0 $0xFFFFF000  }
0x99: {  	_ =	swait.ge @!p0 [sflag:s24], $0x1000  }
0x9a: {  	[sflag:s24] =	ssyncset.done @!p0 $0x0  }
0x9b: {  	[sflag:s24] =	ssyncadd.s32 @!p0 $0xFFFFF000  }
0x9c: {  	_ =	swait.ge @!p0 [sflag:s24], $0x1000  }
0x9d: {  	[sflag:s24] =	ssyncset.done @!p0 $0x0  }
0x9e: {  	s18 =	sadd.s32 @!p0 s16, s15;
	[sflag:s24] =	ssyncadd.s32 @!p0 $0xFFFFF000  }
0x9f: {  	[hbm4b:s18+s19] =	stream.linear.scatter @!p0 [tilespmem:s17], [sflag:$0x2], $0x1000, $0x38;
	[tilespmem:$0x5100] =	vst v63  }
0xa0: {  	s17 =	sadd.s32 @!p0 s16, s14  }
0xa1: {  	[hbm4b:s17+s19] =	stream.linear.scatter @!p0 [tilespmem:s20], [sflag:$0x2], $0x1000, $0x38;
	[tilespmem:$0x5100] =	vst v63  }
0xa2: {  	s17 =	sadd.s32 @!p0 s16, s12  }
0xa3: {  	[hbm4b:s17+s19] =	stream.linear.scatter @!p0 [tilespmem:s21], [sflag:$0x2], $0x1000, $0x38;
	[tilespmem:$0x5100] =	vst v63  }
0xa4: {  	s17 =	sadd.s32 @!p0 s16, s11  }
0xa5: {  	[hbm4b:s17+s19] =	stream.linear.scatter @!p0 [tilespmem:s22], [sflag:$0x2], $0x1000, $0x38;
	[tilespmem:$0x5100] =	vst v63  }
0xa6: {  	s16 =	sadd.s32 @!p0 s16, s9;
	s17 =	simm.s32 @!p0 $0x2  }
0xa7: {  	[hbm4b:s16+s19] =	stream.linear.scatter @!p0 [tilespmem:s23], [sflag:$0x2], $0x1000, $0x38;
	[tilespmem:$0x5100] =	vst v63  }
0xa8: {  	_ =	swait.ge @!p0 [sflag:s17], $0x1000  }
0xa9: {  	[sflag:s17] =	ssyncset.done @!p0 $0x0  }
0xaa: {  	[sflag:s17] =	ssyncadd.s32 @!p0 $0xFFFFF000  }
0xab: {  	_ =	swait.ge @!p0 [sflag:s17], $0x1000  }
0xac: {  	[sflag:s17] =	ssyncset.done @!p0 $0x0  }
0xad: {  	[sflag:s17] =	ssyncadd.s32 @!p0 $0xFFFFF000  }
0xae: {  	_ =	swait.ge @!p0 [sflag:s17], $0x1000  }
0xaf: {  	[sflag:s17] =	ssyncset.done @!p0 $0x0  }
0xb0: {  	s3 =	sadd.s32 $0x1, s3;
	[sflag:s17] =	ssyncadd.s32 @!p0 $0xFFFFF000  }
0xb1: {  	p1 =	sne.s32 s3, s10;
	_ =	swait.ge @!p0 [sflag:s17], $0x1000  }
.Ltmp1:
0xb2: {  	[sflag:s17] =	ssyncset.done @!p0 $0x0;
	(pc) =	sbr.rel @p1 .LBB2_1-.Ltmp1, $4  }
0xb3: {  	[sflag:s17] =	ssyncadd.s32 @!p0 $0xFFFFF000  }
0xb4: {  	_ =	swait.ge @!p0 [sflag:s17], $0x1000  }
0xb5: {  	[sflag:s17] =	ssyncset.done @!p0 $0x0  }
0xb6: {  	[sflag:s17] =	ssyncadd.s32 @!p0 $0xFFFFF000  }
0xb7: {  	_ =	sfence.sel $0x180000  }
0xb8: {  	[bflag:$0x0] =	sbarrier.arrive $0xFFFF  }
0xb9: {  	p0 =	sne.s32 s1, $0x0;
	_ =	strace $0x90000047  }
0xba: {  	s0 =	sadd.s32 @!p0 $0x100000, s0;
	[bflag:$0x2] =	sbarrier.arrive $0xFFFF  }
0xbb: {  	[sflag:s0] =	ssyncadd.tile.s32 @!p0 $0x1;
	_ =	shalt  }
.Lfunc_end2:
_tile_overlayer_lowered:
.L_overlay_start_2:
0xbc: {  	(tag) =	ssettag $0x2  }
0xbd: {  	s0 =	rddreg [dreg:$0x0];
	s2 =	stileid.u32  }
0xbe: {  	s1 =	rddreg [dreg:$0x1];
	p0 =	sne.s32 s2, $0x0  }
0xbf: {  	s3 =	rddreg [dreg:$0x2];
	[bflag:$0x3] =	sbarrier.arrive $0xFFFF;
	s2 =	simm.s32 @!p0 $0x1C03  }
0xc0: {  	[timem:s3], [sflag:s2] =	dma.local @!p0 [hbm:s0], s1  }
0xc1: {  	s0 =	simm.s32 @!p0 $0x3  }
0xc2: {  	_ =	swait.ge @!p0 [sflag:s0], s1  }
0xc3: {  	s1 =	ssub.s32 @!p0 $0x0, s1;
	[sflag:s0] =	ssyncset.done @!p0 $0x0  }
0xc4: {  	[sflag:s0] =	ssyncadd.s32 @!p0 s1  }
0xc5: {  	[bflag:$0x3] =	sbarrier.arrive $0xFFFF  }
0xc6: {  	_ =	shalt  }

// kernel: kernel.14.cloned.1.call-start
scs
__scs_entry_jumppad:
0x0: {  	(pc) =	sbr.rel $0x88, $3  }
0x1: {  	(tag) =	ssettag $0x0;
	lr =	simm.s32 $0x1  }
0x2: {  	[smem:$0x3F8B] =	sst lr;
	_ =	strace $0xD0000000  }
0x3: {  	_ = 	snop  }
0x4: {  	_ = 	snop  }
0x5: {  	_ = 	snop  }
0x6: {  	_ = 	snop  }
0x7: {  	_ = 	snop  }
__scs_overlays_trampoline_lowered:
0x8: {  	[smem:$0x3F9A] =	sst s0  }
0x9: {  	[smem:$0x3F9B] =	sst s1  }
0xa: {  	[smem:$0x3F9C] =	sst s2  }
0xb: {  	[smem:$0x3F9D] =	sst s3  }
0xc: {  	[smem:$0x3F9E] =	sst s4  }
0xd: {  	[smem:$0x3F9F] =	sst s5  }
0xe: {  	[smem:$0x3FA0] =	sst s6  }
0xf: {  	[smem:$0x3FA1] =	sst s7  }
0x10: {  	[smem:$0x3FA2] =	sst s8  }
0x11: {  	[smem:$0x3FA3] =	sst s9;
	s0 =	simm.s32 @!p0 $0x0  }
0x12: {  	s1 =	sld [smem:$0x3F89];
	s0 =	simm.s32 @p0 $0x1  }
0x13: {  	[smem:$0x3FA4] =	sst s0;
	s0 =	simm.s32 @!p1 $0x0  }
0x14: {  	s2 =	sld [smem:$0x3F88];
	s0 =	simm.s32 @p1 $0x1  }
0x15: {  	[smem:$0x3FA5] =	sst s0;
	s0 =	simm.s32 @!p2 $0x0  }
0x16: {  	s3 =	sld [smem:$0x3FDB];
	s0 =	simm.s32 @p2 $0x1  }
0x17: {  	s4 =	simm.s32 $0x1BF5;
	[smem:$0x3FA7] =	sst s0  }
0x18: {  	s0 =	sld [smem:$0x3F8A];
	_ =	swait.ge [sflag:s4], $0x0  }
0x19: {  	s7 =	sld [smem:$0x3F8B]  }
0x1a: {  	s8 =	sadd.s32 $0xFFFFE003, lr  }
0x1b: {  	s9 =	sadd.s32 $0xFFFFFEF7, lr;
	s5 =	simm.s32 $0xFFFFFFFF;
	p2 =	slt.u32 s8, $0xFFFFF086  }
0x1c: {  	p1 =	slt.u32 s9, $0xF7A;
	s5 =	simm.s32 @!p2 $0x0  }
0x1d: {  	s5 =	simm.s32 @p1 $0x1;
	p0 =	seq.s32 s7, s2  }
0x1e: {  	s7 =	smul.u32 @!p0 $0xF7A, s2;
	p2 =	seq.s32 @!p0 s5, $0x0  }
0x1f: {  	s9 =	smul.u32 $0xF7A, s1;
	s8 =	simm.s32 @!p0 $0x1BF5;
	p2 =	por !p2, p0  }
0x20: {  	[sflag:s8] =	ssyncset.s32 @!p0 $0xFFFFF086;
	s6 =	sadd.s32 @!p0 s3, s7;
	s7 =	simm.s32 @!p0 $0x108  }
0x21: {  	s3 =	sadd.s32 s3, s9;
	s6 =	sadd.s32 @!p0 $0x88, s6;
	s7 =	simm.s32 @p2 $0x1082  }
0x22: {  	[simem:s7], [sflag:s8] =	dma.local @!p0 [hbm:s6], $0xF7A  }
0x23: {  	s9 =	sor.u32 $0xD0000000, s2;
	s6 =	simm.s32 $0x108;
	_ =	swait.ge @!p0 [sflag:s8], $0x0  }
0x24: {  	s3 =	sadd.s32 $0x88, s3;
	s6 =	simm.s32 @!p1 $0x1082;
	[sflag:s4] =	ssyncset.s32 $0xFFFFF086  }
0x25: {  	[simem:s6], [sflag:s4] =	dma.local [hbm:s3], $0xF7A  }
0x26: {  	[smem:$0x3F8B] =	sst s1;
	(tag) =	ssettag s2;
	_ =	strace s9  }
0x27: {  	s1 =	sld [smem:$0x3F9B]  }
0x28: {  	s2 =	sld [smem:$0x3F9C]  }
0x29: {  	s4 =	sld [smem:$0x3F9E]  }
0x2a: {  	p0 =	seq.s32 s5, $0x0;
	s5 =	sld [smem:$0x3F9F]  }
0x2b: {  	s6 =	sld [smem:$0x3FA0]  }
0x2c: {  	s7 =	sld [smem:$0x3FA1]  }
0x2d: {  	s3 =	simm.s32 $0x108;
	s8 =	sld [smem:$0x3FA2]  }
0x2e: {  	s3 =	simm.s32 @!p0 $0x1082;
	s9 =	sld [smem:$0x3FA3]  }
0x2f: {  	lr =	sadd.s32 s0, s3;
	s0 =	sld [smem:$0x3F9A]  }
0x30: {  	s3 =	sld [smem:$0x3F9D]  }
0x31: {  	[smem:$0x3FA6] =	sst s10  }
0x32: {  	s10 =	sld [smem:$0x3FA4];
	_ =	sdelay $0x3  }
0x33: {  	p0 =	seq.s32 s10, $0x1;
	s10 =	sld [smem:$0x3FA6];
	_ =	sdelay $0x3  }
0x34: {  	[smem:$0x3FA6] =	sst s10  }
0x35: {  	s10 =	sld [smem:$0x3FA5];
	_ =	sdelay $0x3  }
0x36: {  	p1 =	seq.s32 s10, $0x1;
	s10 =	sld [smem:$0x3FA6];
	_ =	sdelay $0x3  }
0x37: {  	[smem:$0x3FA6] =	sst s10  }
0x38: {  	s10 =	sld [smem:$0x3FA7]  }
0x39: {  	_ = 	snop;
	(pc) =	sbr.ind lr, $3  }
0x3a: {  	_ = 	snop  }
0x3b: {  	_ = 	snop  }
0x3c: {  	p2 =	seq.s32 s10, $0x1;
	s10 =	sld [smem:$0x3FA6]  }
0x3d: {  	_ =	shalt  }
0x3e: {  	_ =	shalt  }
0x3f: {  	_ =	shalt  }
0x40: {  	_ =	shalt  }
0x41: {  	_ =	shalt  }
0x42: {  	_ =	shalt  }
0x43: {  	_ =	shalt  }
0x44: {  	_ =	shalt  }
0x45: {  	_ =	shalt  }
0x46: {  	_ =	shalt  }
0x47: {  	_ =	shalt  }
0x48: {  	_ =	shalt  }
0x49: {  	_ =	shalt  }
0x4a: {  	_ =	shalt  }
0x4b: {  	_ =	shalt  }
0x4c: {  	_ =	shalt  }
0x4d: {  	_ =	shalt  }
0x4e: {  	_ =	shalt  }
0x4f: {  	_ =	shalt  }
0x50: {  	_ =	shalt  }
0x51: {  	_ =	shalt  }
0x52: {  	_ =	shalt  }
0x53: {  	_ =	shalt  }
0x54: {  	_ =	shalt  }
0x55: {  	_ =	shalt  }
0x56: {  	_ =	shalt  }
0x57: {  	_ =	shalt  }
0x58: {  	_ =	shalt  }
0x59: {  	_ =	shalt  }
0x5a: {  	_ =	shalt  }
0x5b: {  	_ =	shalt  }
0x5c: {  	_ =	shalt  }
0x5d: {  	_ =	shalt  }
0x5e: {  	_ =	shalt  }
0x5f: {  	_ =	shalt  }
0x60: {  	_ =	shalt  }
0x61: {  	_ =	shalt  }
0x62: {  	_ =	shalt  }
0x63: {  	_ =	shalt  }
0x64: {  	_ =	shalt  }
0x65: {  	_ =	shalt  }
0x66: {  	_ =	shalt  }
0x67: {  	_ =	shalt  }
0x68: {  	_ =	shalt  }
0x69: {  	_ =	shalt  }
0x6a: {  	_ =	shalt  }
0x6b: {  	_ =	shalt  }
0x6c: {  	_ =	shalt  }
0x6d: {  	_ =	shalt  }
0x6e: {  	_ =	shalt  }
0x6f: {  	_ =	shalt  }
0x70: {  	_ =	shalt  }
0x71: {  	_ =	shalt  }
0x72: {  	_ =	shalt  }
0x73: {  	_ =	shalt  }
0x74: {  	_ =	shalt  }
0x75: {  	_ =	shalt  }
0x76: {  	_ =	shalt  }
0x77: {  	_ =	shalt  }
0x78: {  	_ =	shalt  }
0x79: {  	_ =	shalt  }
0x7a: {  	_ =	shalt  }
0x7b: {  	_ =	shalt  }
0x7c: {  	_ =	shalt  }
0x7d: {  	_ =	shalt  }
0x7e: {  	_ =	shalt  }
0x7f: {  	_ =	shalt  }
0x80: {  	_ =	shalt  }
0x81: {  	_ =	shalt  }
0x82: {  	_ =	shalt  }
0x83: {  	_ =	shalt  }
0x84: {  	_ =	shalt  }
0x85: {  	_ =	shalt  }
0x86: {  	_ =	shalt  }
0x87: {  	_ =	shalt  }
.Lfunc_end0:
.L_simem_size_0:
called_computation.1_lowered:
.L_overlay_start_0:
0x88: {  	s2 =	sld [smem:$0x3FD9]  }
0x89: {  	s3 =	sld [smem:$0x3FFE];
	_ =	sdelay $0x1  }
0x8a: {  	s1 =	srdreg.scid  }
0x8b: {  	s0 =	sand.u32 $0x1, s1  }
0x8c: {  	s17 =	sshll.u32 s0, $0xA;
	s2 =	sadd.s32 s3, s2  }
0x8d: {  	s2 =	sadd.s32 s2, s17  }
0x8e: {  	[smem:$0x3FB2] =	sst s2  }
0x8f: {  	_ = 	snop  }
0x90: {  	s2 =	sld [smem:$0x3FD0];
	(tm) =	ssettm $0x1  }
0x91: {  	s18 =	sld [smem:$0x3FFB];
	_ =	sdelay $0x3  }
0x92: {  	_ =	strace s18  }
0x93: {  	s3 =	sld [smem:$0x3FFC];
	_ =	sdelay $0x3  }
0x94: {  	_ =	strace s3  }
0x95: {  	s3 =	sld [smem:$0x3FFD];
	_ =	sdelay $0x3  }
0x96: {  	_ =	strace s3  }
0x97: {  	_ =	strace $0x8FFFFFFF  }
0x98: {  	s19 =	sld [smem:$0x3FDB];
	_ =	sdelay $0x1  }
0x99: {  	s4 =	simm.s32 $_scs_section_size  }
0x9a: {  	s5 =	simm.s32 $_size__tile_overlayer_lowered;
	s6 =	simm.s32 $_tile_overlayer_lowered  }
0x9b: {  	s22 =	simm.s32 $0x1BFF;
	s21 =	sshll.u32 s6, $0x1;
	s3 =	sadd.s32 s4, s19  }
0x9c: {  	s7 =	simm.s32 $0x0;
	s20 =	sshll.u32 s5, $0x1;
	s5 =	sadd.s32 s21, s3  }
0x9d: {  	[timem:s7], [sflag:s22] =	dma.local [hbm:s5], s20  }
0x9e: {  	_ =	swait.ge [sflag:s22], s20  }
0x9f: {  	s4 =	ssub.s32 $0x0, s20;
	[sflag:s22] =	ssyncset.done $0x0  }
0xa0: {  	[sflag:s22] =	ssyncadd.s32 s4;
	_ =	sdelay $0x1  }
0xa1: {  	s23 =	simm.s32 $0x1B8B  }
0xa2: {  	_ =	swait.ge [sflag:s23], $0x1  }
0xa3: {  	[sflag:s23] =	ssyncset.done $0x0  }
0xa4: {  	s25 =	simm.s32 $0x1B8E;
	s24 =	sld [smem:$0x3FFE];
	[sflag:s23] =	ssyncadd.s32 $0xFFFFFFFF  }
0xa5: {  	s26 =	simm.s32 $execute0_lowered;
	[smem:$0x3FD2] =	sst s25  }
0xa6: {  	s5 =	sshll.u32 s26, $0x1;
	_ =	strace $0x80000049;
	[dreg:$0x1] =	wrdreg $0xFFFFFFFF  }
0xa7: {  	s28 =	simm.s32 $_size_execute0_lowered;
	s3 =	sadd.s32 s3, s5;
	[dreg:$0x0] =	wrdreg $0x0  }
0xa8: {  	s5 =	sshll.u32 s28, $0x1;
	[dreg:$0x2] =	wrdreg s3  }
0xa9: {  	[dreg:$0x3] =	wrdreg s5  }
0xaa: {  	[dreg:$0x4] =	wrdreg $0xC0  }
0xab: {  	_ =	task [dreg:s7], $0x5FFFF  }
0xac: {  	[dreg:$0x1] =	wrdreg $0xFFFFFFFF  }
0xad: {  	[dreg:$0x0] =	wrdreg $0x60  }
0xae: {  	[dreg:$0x2] =	wrdreg s24  }
0xaf: {  	[dreg:$0x3] =	wrdreg s2  }
0xb0: {  	[dreg:$0x4] =	wrdreg $0x14800  }
0xb1: {  	[dreg:$0x5] =	wrdreg $0x19C800  }
0xb2: {  	[dreg:$0x6] =	wrdreg $0x9  }
0xb3: {  	_ =	task.clear_ibuf [dreg:s7], $0x7FFFF;
	_ =	strace $0x90000049  }
0xb4: {  	s29 =	simm.s32 $0x9;
	_ =	strace $0x8000004B  }
0xb5: {  	_ =	swait.ge [sflag:s29], $0x1  }
0xb6: {  	[sflag:s29] =	ssyncadd.s32 $0xFFFFFFFF  }
0xb7: {  	_ =	strace $0x9000004B  }
0xb8: {  	_ =	sfence  }
0xb9: {  	s30 =	sld [smem:$0x0];
	_ =	sdelay $0x2  }
0xba: {  	s31 =	sshll.u32 s1, $0xD;
	s1 =	sshrl.u32 s1, $0x2  }
0xbb: {  	s3 =	sand.u32 $0x4000, s31;
	s1 =	sadd.s32 s1, s30  }
0xbc: {  	s0 =	sor.u32 s3, s0;
	s1 =	sshll.u32 s1, $0x11  }
0xbd: {  	s0 =	sor.u32 s1, s0  }
0xbe: {  	s0 =	sadd.s32 $0x8F2B, s0  }
0xbf: {  	[sflag:s0] =	ssyncadd.remote.s32 $0x1  }
0xc0: {  	_ =	sfence.sel $0xFFFF  }
0xc1: {  	[dreg:$0x0] =	wrdreg $0xFFFFFFFF;
	(pc) =	sbr.abs _section_cstart, $3  }
0xc2: {  	[dreg:$0x1] =	wrdreg $0xFFFFFFFF  }
0xc3: {  	_ =	task.clear_ibuf [dreg:s7], $0x2FFFF;
	_ =	strace $0x9FFFFFFF  }
0xc4: {  	(tm) =	ssettm $0x7FFFFFFF  }
0xc5: {  	_ =	shalt  }
tec
execute0_lowered:
.L_overlay_start_1:
0x0: {  	(tag) =	ssettag $0x1  }
0x1: {  	s5 =	rddreg [dreg:$0x0]  }
0x2: {  	s10 =	rddreg [dreg:$0x1]  }
0x3: {  	s1 =	rddreg [dreg:$0x2]  }
0x4: {  	s3 =	rddreg [dreg:$0x3]  }
0x5: {  	s0 =	rddreg [dreg:$0x4]  }
0x6: {  	s4 =	simm.s32 $0x0;
	s2 =	stileid.u32;
	s7 =	srdreg.scid  }
0x7: {  	[smem:$0x7FF] =	sst s4;
	s18 =	smul.u32 $0x18800, s2  }
0x8: {  	s6 =	sshll.u32 s2, $0xA;
	s8 =	sshll.u32 s2, $0x8;
	s9 =	smul.u32 $0x6200, s2  }
0x9: {  	s11 =	sand.u32 $0x1, s7;
	s19 =	sshll.u32 s2, $0x5;
	_ =	strace $0x8000004A  }
0xa: {  	s12 =	sadd.s32 s6, s5;
	s14 =	smul.u32 $0x188000, s11;
	s15 =	sadd.s32 s8, s5  }
0xb: {  	s16 =	sadd.s32 s19, s5;
	s23 =	ssub.s32 $0x2, s11;
	s24 =	smul.u32 $0x62000, s11  }
0xc: {  	s19 =	sshll.u32 s2, $0x6;
	s26 =	sshll.u32 s11, $0x7;
	s28 =	sshll.u32 s11, $0x9  }
0xd: {  	s29 =	sshll.u32 s11, $0x4;
	s13 =	sshrl.u32 s18, $0x3;
	s21 =	sshrl.u32 s9, $0x3  }
0xe: {  	s17 =	sshrl.u32 s23, $0x1;
	s7 =	sor.u32 $0x1C02, s19;
	s25 =	sadd.s32 s9, s3  }
0xf: {  	s30 =	sadd.s32 s28, s12;
	s31 =	sadd.s32 s29, s16;
	s16 =	simm.s32 $0x2  }
0x10: {  	s20 =	sadd.s32 s13, s5;
	s22 =	sadd.s32 s18, s14;
	s8 =	sadd.s32 s21, s5  }
0x11: {  	s14 =	ssub.s32 s23, s17;
	s18 =	sadd.s32 s18, s1;
	s17 =	sadd.s32 s9, s24  }
0x12: {  	s13 =	sshrl.u32 s22, $0x3;
	s6 =	sadd.s32 $0x38E00, s20;
	s8 =	sadd.s32 $0x104E000, s8  }
0x13: {  	s17 =	sshrl.u32 s17, $0x3;
	s12 =	smax.u32 s14, $0x1;
	s14 =	sadd.s32 $0x20600, s31  }
0x14: {  	s13 =	sadd.s32 s13, s5;
	s5 =	sshll.u32 s2, $0x1;
	s10 =	sadd.s32 s10, s17  }
0x15: {  	s17 =	sshrl.u32 s25, $0x3;
	s9 =	sadd.s32 $0x142AE00, s13;
	s13 =	sadd.s32 s26, s15  }
0x16: {  	s15 =	sshrl.u32 s18, $0x3;
	s11 =	sadd.s32 $0x1367800, s13;
	s13 =	sadd.s32 $0x1674C00, s30  }
.LBB2_1:
0x17: {  	[spmem:s15], [sflag:s7] =	dma.local [hbm:s6], $0x3100  }
0x18: {  	_ =	swait.ge [sflag:s16], $0x3100  }
0x19: {  	[sflag:s16] =	ssyncset.done $0x0  }
0x1a: {  	[sflag:s16] =	ssyncadd.s32 $0xFFFFCF00  }
0x1b: {  	[spmem:s17], [sflag:s7] =	dma.local [hbm:s8], $0xC40  }
0x1c: {  	_ =	swait.ge [sflag:s16], $0xC40  }
0x1d: {  	s18 =	sadd.s32 $0x0, s5;
	[sflag:s16] =	ssyncset.done $0x0  }
0x1e: {  	p0 =	sgt.u32 s18, $0x1869;
	[sflag:s16] =	ssyncadd.s32 $0xFFFFF3C0  }
0x1f: {  	s18 =	simm.s32 @!p0 $0x0;
	s19 =	simm.s32 @!p0 $0x3;
	[bflag:$0x0] =	sbarrier.arrive $0xFFFF  }
0x20: {  	[tilespmem:s18], [sflag:$0x3] =	stream.linear.gather @!p0 [hbm4b:s14+s18], $0x80, $0x38;
	[tilespmem:$0x1CD80] =	vst v63  }
0x21: {  	_ =	swait.ge @!p0 [sflag:s19], $0x80  }
0x22: {  	[sflag:s19] =	ssyncset.done @!p0 $0x0;
	p0 =	por p0, p0  }
0x23: {  	[sflag:s19] =	ssyncadd.s32 @!p0 $0xFFFFFF80;
	s23 =	simm.s32 @!p0 $0x80  }
0x24: {  	[tilespmem:s23], [sflag:$0x1] =	stream.linear.gather @!p0 [hbm4b:s13+s18], $0x1000, $0x38;
	[tilespmem:$0x1CD80] =	vst v63  }
0x25: {  	s24 =	simm.s32 @!p0 $0x1080;
	s20 =	simm.s32 @!p0 $0x1  }
0x26: {  	[tilespmem:s24], [sflag:$0x1] =	stream.linear.gather @!p0 [hbm4b:s11+s18], $0x400, $0x38;
	[tilespmem:$0x1CD80] =	vst v63  }
0x27: {  	_ =	swait.ge @!p0 [sflag:s20], $0x1000  }
0x28: {  	[sflag:s20] =	ssyncset.done @!p0 $0x0  }
0x29: {  	[sflag:s20] =	ssyncadd.s32 @!p0 $0xFFFFF000  }
0x2a: {  	_ =	swait.ge @!p0 [sflag:s20], $0x400  }
0x2b: {  	[sflag:s20] =	ssyncset.done @!p0 $0x0  }
0x2c: {  	[sflag:s20] =	ssyncadd.s32 @!p0 $0xFFFFFC00  }
0x2d: {  	[spmem:s1] =	stream.indirect.scatter.add.f32 @!p0 [tilespmem:s23], [sflag:$0x3], $0x20, s18, s23, $0xb8;
	[tilespmem:$0x1CD80] =	vst v63  }
0x2e: {  	_ =	swait.ge @!p0 [sflag:s19], $0x1000  }
0x2f: {  	s21 =	simm.s32 $0x40;
	[sflag:s19] =	ssyncset.done @!p0 $0x0  }
0x30: {  	s31 =	sadd.s32 $0x20, s5;
	s22 =	simm.s32 @!p0 $0x2;
	[sflag:s19] =	ssyncadd.s32 @!p0 $0xFFFFF000  }
0x31: {  	[spmem:s3] =	stream.indirect.scatter.add.f32 @!p0 [tilespmem:s24], [sflag:$0x2], $0x4, s18, s23, $0xb8;
	[tilespmem:$0x1CD80] =	vst v63  }
0x32: {  	p2 =	sgt.u32 s31, $0x1869;
	s20 =	sadd.s32 $0x200, s14;
	_ =	swait.ge @!p0 [sflag:s22], $0x200  }
0x33: {  	s19 =	sadd.s32 $0x1000, s11;
	s18 =	sadd.s32 $0x4000, s13;
	[sflag:s22] =	ssyncset.done @!p0 $0x0  }
.LBB2_2:
0x34: {  	s23 =	simm.s32 @!p2 $0x0;
	s24 =	simm.s32 @!p2 $0x3;
	[sflag:s22] =	ssyncadd.s32 @!p0 $0xFFFFFE00  }
0x35: {  	[tilespmem:s23], [sflag:$0x3] =	stream.linear.gather @!p2 [hbm4b:s20+s23], $0x80, $0x38;
	[tilespmem:$0x1CD80] =	vst v63  }
0x36: {  	s25 =	smov.u32 s21;
	s21 =	sadd.s32 $0x20, s21;
	_ =	swait.ge @!p2 [sflag:s24], $0x80  }
0x37: {  	p0 =	por p2, p2;
	p1 =	sne.s32 s21, $0x1880;
	[sflag:s24] =	ssyncset.done @!p2 $0x0  }
0x38: {  	s26 =	simm.s32 @!p0 $0x80;
	[sflag:s24] =	ssyncadd.s32 @!p0 $0xFFFFFF80  }
0x39: {  	[tilespmem:s26], [sflag:$0x1] =	stream.linear.gather @!p0 [hbm4b:s18+s23], $0x1000, $0x38;
	[tilespmem:$0x1CD80] =	vst v63  }
0x3a: {  	s28 =	simm.s32 @!p0 $0x1080;
	s22 =	simm.s32 @!p0 $0x1  }
0x3b: {  	[tilespmem:s28], [sflag:$0x1] =	stream.linear.gather @!p0 [hbm4b:s19+s23], $0x400, $0x38;
	[tilespmem:$0x1CD80] =	vst v63  }
0x3c: {  	_ =	swait.ge @!p0 [sflag:s22], $0x1000  }
0x3d: {  	[sflag:s22] =	ssyncset.done @!p0 $0x0  }
0x3e: {  	[sflag:s22] =	ssyncadd.s32 @!p0 $0xFFFFF000  }
0x3f: {  	_ =	swait.ge @!p0 [sflag:s22], $0x400  }
0x40: {  	[sflag:s22] =	ssyncset.done @!p0 $0x0  }
0x41: {  	[sflag:s22] =	ssyncadd.s32 @!p0 $0xFFFFFC00  }
0x42: {  	[spmem:s1] =	stream.indirect.scatter.add.f32 @!p0 [tilespmem:s26], [sflag:$0x3], $0x20, s23, s26, $0xb8;
	[tilespmem:$0x1CD80] =	vst v63  }
0x43: {  	_ =	swait.ge @!p0 [sflag:s24], $0x1000  }
.Ltmp0:
0x44: {  	[sflag:s24] =	ssyncset.done @!p0 $0x0;
	(pc) =	sbr.rel @p1 .LBB2_2-.Ltmp0, $4  }
0x45: {  	s20 =	sadd.s32 $0x200, s20;
	s22 =	simm.s32 @!p0 $0x2;
	[sflag:s24] =	ssyncadd.s32 @!p0 $0xFFFFF000  }
0x46: {  	[spmem:s3] =	stream.indirect.scatter.add.f32 @!p0 [tilespmem:s28], [sflag:$0x2], $0x4, s23, s26, $0xb8;
	[tilespmem:$0x1CD80] =	vst v63  }
0x47: {  	s18 =	sadd.s32 $0x4000, s18;
	s23 =	sadd.s32 s25, s5;
	_ =	swait.ge @!p0 [sflag:s22], $0x200  }
0x48: {  	s19 =	sadd.s32 $0x1000, s19;
	p2 =	sgt.u32 s23, $0x1869;
	[sflag:s22] =	ssyncset.done @!p0 $0x0  }
0x49: {  	s21 =	simm.s32 @!p2 $0x0;
	s23 =	simm.s32 @!p2 $0x3;
	[sflag:s22] =	ssyncadd.s32 @!p0 $0xFFFFFE00  }
0x4a: {  	[tilespmem:s21], [sflag:$0x3] =	stream.linear.gather @!p2 [hbm4b:s20+s21], $0x80, $0x38;
	[tilespmem:$0x1CD80] =	vst v63  }
0x4b: {  	_ =	swait.ge @!p2 [sflag:s23], $0x80  }
0x4c: {  	p0 =	por p2, p2;
	[sflag:s23] =	ssyncset.done @!p2 $0x0  }
0x4d: {  	s20 =	simm.s32 @!p0 $0x80;
	[sflag:s23] =	ssyncadd.s32 @!p0 $0xFFFFFF80  }
0x4e: {  	[tilespmem:s20], [sflag:$0x1] =	stream.linear.gather @!p0 [hbm4b:s18+s21], $0x1000, $0x38;
	[tilespmem:$0x1CD80] =	vst v63  }
0x4f: {  	s22 =	simm.s32 @!p0 $0x1;
	s18 =	simm.s32 @!p0 $0x1080  }
0x50: {  	[tilespmem:s18], [sflag:$0x1] =	stream.linear.gather @!p0 [hbm4b:s19+s21], $0x400, $0x38;
	[tilespmem:$0x1CD80] =	vst v63  }
0x51: {  	_ =	swait.ge @!p0 [sflag:s22], $0x1000  }
0x52: {  	[sflag:s22] =	ssyncset.done @!p0 $0x0  }
0x53: {  	[sflag:s22] =	ssyncadd.s32 @!p0 $0xFFFFF000  }
0x54: {  	_ =	swait.ge @!p0 [sflag:s22], $0x400  }
0x55: {  	[sflag:s22] =	ssyncset.done @!p0 $0x0  }
0x56: {  	[sflag:s22] =	ssyncadd.s32 @!p0 $0xFFFFFC00  }
0x57: {  	[spmem:s1] =	stream.indirect.scatter.add.f32 @!p0 [tilespmem:s20], [sflag:$0x3], $0x20, s21, s20, $0xb8;
	[tilespmem:$0x1CD80] =	vst v63  }
0x58: {  	_ =	swait.ge @!p0 [sflag:s23], $0x1000  }
0x59: {  	[sflag:s23] =	ssyncset.done @!p0 $0x0  }
0x5a: {  	s19 =	simm.s32 @!p0 $0x2;
	[sflag:s23] =	ssyncadd.s32 @!p0 $0xFFFFF000  }
0x5b: {  	[spmem:s3] =	stream.indirect.scatter.add.f32 @!p0 [tilespmem:s18], [sflag:$0x2], $0x4, s21, s20, $0xb8;
	[tilespmem:$0x1CD80] =	vst v63  }
0x5c: {  	_ =	swait.ge @!p0 [sflag:s19], $0x200  }
0x5d: {  	[sflag:s19] =	ssyncset.done @!p0 $0x0  }
0x5e: {  	[sflag:s19] =	ssyncadd.s32 @!p0 $0xFFFFFE00  }
0x5f: {  	[bflag:$0x0] =	sbarrier.arrive $0xFFFF  }
0x60: {  	[hbm:s9], [sflag:s7] =	dma.local [spmem:s15], $0x3100  }
0x61: {  	s4 =	sadd.s32 $0x1, s4;
	_ =	swait.ge [sflag:s16], $0x3100  }
0x62: {  	p0 =	sne.s32 s4, s12;
	[sflag:s16] =	ssyncset.done $0x0  }
.Ltmp1:
0x63: {  	[sflag:s16] =	ssyncadd.s32 $0xFFFFCF00;
	(pc) =	sbr.rel @p0 .LBB2_1-.Ltmp1, $4  }
0x64: {  	[hbm:s10], [sflag:s7] =	dma.local [spmem:s17], $0xC40  }
0x65: {  	_ =	swait.ge [sflag:s16], $0xC40  }
0x66: {  	[sflag:s16] =	ssyncset.done $0x0  }
0x67: {  	[sflag:s16] =	ssyncadd.s32 $0xFFFFF3C0  }
0x68: {  	_ =	sfence.sel $0x180000  }
0x69: {  	[bflag:$0x0] =	sbarrier.arrive $0xFFFF  }
0x6a: {  	p0 =	sne.s32 s2, $0x0;
	_ =	strace $0x9000004A  }
0x6b: {  	s0 =	sadd.s32 @!p0 $0x100000, s0;
	[bflag:$0x2] =	sbarrier.arrive $0xFFFF  }
0x6c: {  	[sflag:s0] =	ssyncadd.tile.s32 @!p0 $0x1;
	_ =	shalt  }
.Lfunc_end2:
_tile_overlayer_lowered:
.L_overlay_start_2:
0x6d: {  	(tag) =	ssettag $0x2  }
0x6e: {  	s0 =	rddreg [dreg:$0x0];
	s2 =	stileid.u32  }
0x6f: {  	s1 =	rddreg [dreg:$0x1];
	p0 =	sne.s32 s2, $0x0  }
0x70: {  	s3 =	rddreg [dreg:$0x2];
	[bflag:$0x3] =	sbarrier.arrive $0xFFFF;
	s2 =	simm.s32 @!p0 $0x1C02  }
0x71: {  	[timem:s3], [sflag:s2] =	dma.local @!p0 [hbm:s0], s1  }
0x72: {  	s0 =	simm.s32 @!p0 $0x2  }
0x73: {  	_ =	swait.ge @!p0 [sflag:s0], s1  }
0x74: {  	s1 =	ssub.s32 @!p0 $0x0, s1;
	[sflag:s0] =	ssyncset.done @!p0 $0x0  }
0x75: {  	[sflag:s0] =	ssyncadd.s32 @!p0 s1  }
0x76: {  	[bflag:$0x3] =	sbarrier.arrive $0xFFFF  }
0x77: {  	_ =	shalt  }

// kernel: kernel.17.cloned.1.call-start
scs
__scs_entry_jumppad:
0x0: {  	(pc) =	sbr.rel $0x88, $3  }
0x1: {  	(tag) =	ssettag $0x0;
	lr =	simm.s32 $0x1  }
0x2: {  	[smem:$0x3F8B] =	sst lr;
	_ =	strace $0xD0000000  }
0x3: {  	_ = 	snop  }
0x4: {  	_ = 	snop  }
0x5: {  	_ = 	snop  }
0x6: {  	_ = 	snop  }
0x7: {  	_ = 	snop  }
__scs_overlays_trampoline_lowered:
0x8: {  	[smem:$0x3F9A] =	sst s0  }
0x9: {  	[smem:$0x3F9B] =	sst s1  }
0xa: {  	[smem:$0x3F9C] =	sst s2  }
0xb: {  	[smem:$0x3F9D] =	sst s3  }
0xc: {  	[smem:$0x3F9E] =	sst s4  }
0xd: {  	[smem:$0x3F9F] =	sst s5  }
0xe: {  	[smem:$0x3FA0] =	sst s6  }
0xf: {  	[smem:$0x3FA1] =	sst s7  }
0x10: {  	[smem:$0x3FA2] =	sst s8  }
0x11: {  	[smem:$0x3FA3] =	sst s9;
	s0 =	simm.s32 @!p0 $0x0  }
0x12: {  	s1 =	sld [smem:$0x3F89];
	s0 =	simm.s32 @p0 $0x1  }
0x13: {  	[smem:$0x3FA4] =	sst s0;
	s0 =	simm.s32 @!p1 $0x0  }
0x14: {  	s2 =	sld [smem:$0x3F88];
	s0 =	simm.s32 @p1 $0x1  }
0x15: {  	[smem:$0x3FA5] =	sst s0;
	s0 =	simm.s32 @!p2 $0x0  }
0x16: {  	s3 =	sld [smem:$0x3FDB];
	s0 =	simm.s32 @p2 $0x1  }
0x17: {  	s4 =	simm.s32 $0x1BF5;
	[smem:$0x3FA7] =	sst s0  }
0x18: {  	s0 =	sld [smem:$0x3F8A];
	_ =	swait.ge [sflag:s4], $0x0  }
0x19: {  	s7 =	sld [smem:$0x3F8B]  }
0x1a: {  	s8 =	sadd.s32 $0xFFFFE003, lr  }
0x1b: {  	s9 =	sadd.s32 $0xFFFFFEF7, lr;
	s5 =	simm.s32 $0xFFFFFFFF;
	p2 =	slt.u32 s8, $0xFFFFF086  }
0x1c: {  	p1 =	slt.u32 s9, $0xF7A;
	s5 =	simm.s32 @!p2 $0x0  }
0x1d: {  	s5 =	simm.s32 @p1 $0x1;
	p0 =	seq.s32 s7, s2  }
0x1e: {  	s7 =	smul.u32 @!p0 $0xF7A, s2;
	p2 =	seq.s32 @!p0 s5, $0x0  }
0x1f: {  	s9 =	smul.u32 $0xF7A, s1;
	s8 =	simm.s32 @!p0 $0x1BF5;
	p2 =	por !p2, p0  }
0x20: {  	[sflag:s8] =	ssyncset.s32 @!p0 $0xFFFFF086;
	s6 =	sadd.s32 @!p0 s3, s7;
	s7 =	simm.s32 @!p0 $0x108  }
0x21: {  	s3 =	sadd.s32 s3, s9;
	s6 =	sadd.s32 @!p0 $0x88, s6;
	s7 =	simm.s32 @p2 $0x1082  }
0x22: {  	[simem:s7], [sflag:s8] =	dma.local @!p0 [hbm:s6], $0xF7A  }
0x23: {  	s9 =	sor.u32 $0xD0000000, s2;
	s6 =	simm.s32 $0x108;
	_ =	swait.ge @!p0 [sflag:s8], $0x0  }
0x24: {  	s3 =	sadd.s32 $0x88, s3;
	s6 =	simm.s32 @!p1 $0x1082;
	[sflag:s4] =	ssyncset.s32 $0xFFFFF086  }
0x25: {  	[simem:s6], [sflag:s4] =	dma.local [hbm:s3], $0xF7A  }
0x26: {  	[smem:$0x3F8B] =	sst s1;
	(tag) =	ssettag s2;
	_ =	strace s9  }
0x27: {  	s1 =	sld [smem:$0x3F9B]  }
0x28: {  	s2 =	sld [smem:$0x3F9C]  }
0x29: {  	s4 =	sld [smem:$0x3F9E]  }
0x2a: {  	p0 =	seq.s32 s5, $0x0;
	s5 =	sld [smem:$0x3F9F]  }
0x2b: {  	s6 =	sld [smem:$0x3FA0]  }
0x2c: {  	s7 =	sld [smem:$0x3FA1]  }
0x2d: {  	s3 =	simm.s32 $0x108;
	s8 =	sld [smem:$0x3FA2]  }
0x2e: {  	s3 =	simm.s32 @!p0 $0x1082;
	s9 =	sld [smem:$0x3FA3]  }
0x2f: {  	lr =	sadd.s32 s0, s3;
	s0 =	sld [smem:$0x3F9A]  }
0x30: {  	s3 =	sld [smem:$0x3F9D]  }
0x31: {  	[smem:$0x3FA6] =	sst s10  }
0x32: {  	s10 =	sld [smem:$0x3FA4];
	_ =	sdelay $0x3  }
0x33: {  	p0 =	seq.s32 s10, $0x1;
	s10 =	sld [smem:$0x3FA6];
	_ =	sdelay $0x3  }
0x34: {  	[smem:$0x3FA6] =	sst s10  }
0x35: {  	s10 =	sld [smem:$0x3FA5];
	_ =	sdelay $0x3  }
0x36: {  	p1 =	seq.s32 s10, $0x1;
	s10 =	sld [smem:$0x3FA6];
	_ =	sdelay $0x3  }
0x37: {  	[smem:$0x3FA6] =	sst s10  }
0x38: {  	s10 =	sld [smem:$0x3FA7]  }
0x39: {  	_ = 	snop;
	(pc) =	sbr.ind lr, $3  }
0x3a: {  	_ = 	snop  }
0x3b: {  	_ = 	snop  }
0x3c: {  	p2 =	seq.s32 s10, $0x1;
	s10 =	sld [smem:$0x3FA6]  }
0x3d: {  	_ =	shalt  }
0x3e: {  	_ =	shalt  }
0x3f: {  	_ =	shalt  }
0x40: {  	_ =	shalt  }
0x41: {  	_ =	shalt  }
0x42: {  	_ =	shalt  }
0x43: {  	_ =	shalt  }
0x44: {  	_ =	shalt  }
0x45: {  	_ =	shalt  }
0x46: {  	_ =	shalt  }
0x47: {  	_ =	shalt  }
0x48: {  	_ =	shalt  }
0x49: {  	_ =	shalt  }
0x4a: {  	_ =	shalt  }
0x4b: {  	_ =	shalt  }
0x4c: {  	_ =	shalt  }
0x4d: {  	_ =	shalt  }
0x4e: {  	_ =	shalt  }
0x4f: {  	_ =	shalt  }
0x50: {  	_ =	shalt  }
0x51: {  	_ =	shalt  }
0x52: {  	_ =	shalt  }
0x53: {  	_ =	shalt  }
0x54: {  	_ =	shalt  }
0x55: {  	_ =	shalt  }
0x56: {  	_ =	shalt  }
0x57: {  	_ =	shalt  }
0x58: {  	_ =	shalt  }
0x59: {  	_ =	shalt  }
0x5a: {  	_ =	shalt  }
0x5b: {  	_ =	shalt  }
0x5c: {  	_ =	shalt  }
0x5d: {  	_ =	shalt  }
0x5e: {  	_ =	shalt  }
0x5f: {  	_ =	shalt  }
0x60: {  	_ =	shalt  }
0x61: {  	_ =	shalt  }
0x62: {  	_ =	shalt  }
0x63: {  	_ =	shalt  }
0x64: {  	_ =	shalt  }
0x65: {  	_ =	shalt  }
0x66: {  	_ =	shalt  }
0x67: {  	_ =	shalt  }
0x68: {  	_ =	shalt  }
0x69: {  	_ =	shalt  }
0x6a: {  	_ =	shalt  }
0x6b: {  	_ =	shalt  }
0x6c: {  	_ =	shalt  }
0x6d: {  	_ =	shalt  }
0x6e: {  	_ =	shalt  }
0x6f: {  	_ =	shalt  }
0x70: {  	_ =	shalt  }
0x71: {  	_ =	shalt  }
0x72: {  	_ =	shalt  }
0x73: {  	_ =	shalt  }
0x74: {  	_ =	shalt  }
0x75: {  	_ =	shalt  }
0x76: {  	_ =	shalt  }
0x77: {  	_ =	shalt  }
0x78: {  	_ =	shalt  }
0x79: {  	_ =	shalt  }
0x7a: {  	_ =	shalt  }
0x7b: {  	_ =	shalt  }
0x7c: {  	_ =	shalt  }
0x7d: {  	_ =	shalt  }
0x7e: {  	_ =	shalt  }
0x7f: {  	_ =	shalt  }
0x80: {  	_ =	shalt  }
0x81: {  	_ =	shalt  }
0x82: {  	_ =	shalt  }
0x83: {  	_ =	shalt  }
0x84: {  	_ =	shalt  }
0x85: {  	_ =	shalt  }
0x86: {  	_ =	shalt  }
0x87: {  	_ =	shalt  }
.Lfunc_end0:
.L_simem_size_0:
called_computation.2_lowered:
.L_overlay_start_0:
0x88: {  	s2 =	sld [smem:$0x3FD9]  }
0x89: {  	s3 =	sld [smem:$0x3FFE];
	_ =	sdelay $0x1  }
0x8a: {  	s1 =	srdreg.scid  }
0x8b: {  	s0 =	sand.u32 $0x1, s1  }
0x8c: {  	s16 =	sshll.u32 s0, $0xA;
	s2 =	sadd.s32 s3, s2  }
0x8d: {  	s2 =	sadd.s32 s2, s16  }
0x8e: {  	[smem:$0x3FB2] =	sst s2  }
0x8f: {  	_ = 	snop  }
0x90: {  	(tm) =	ssettm $0x1  }
0x91: {  	s17 =	sld [smem:$0x3FFB];
	_ =	sdelay $0x3  }
0x92: {  	_ =	strace s17  }
0x93: {  	s2 =	sld [smem:$0x3FFC];
	_ =	sdelay $0x3  }
0x94: {  	_ =	strace s2  }
0x95: {  	s2 =	sld [smem:$0x3FFD];
	_ =	sdelay $0x3  }
0x96: {  	_ =	strace s2  }
0x97: {  	_ =	strace $0x8FFFFFFF  }
0x98: {  	s18 =	sld [smem:$0x3FDB];
	_ =	sdelay $0x1  }
0x99: {  	s19 =	simm.s32 $_scs_section_size  }
0x9a: {  	s4 =	simm.s32 $_size__tile_overlayer_lowered;
	s5 =	simm.s32 $_tile_overlayer_lowered  }
0x9b: {  	s22 =	simm.s32 $0x1BFF;
	s21 =	sshll.u32 s5, $0x1;
	s2 =	sadd.s32 s19, s18  }
0x9c: {  	s6 =	simm.s32 $0x0;
	s20 =	sshll.u32 s4, $0x1;
	s4 =	sadd.s32 s21, s2  }
0x9d: {  	[timem:s6], [sflag:s22] =	dma.local [hbm:s4], s20  }
0x9e: {  	_ =	swait.ge [sflag:s22], s20  }
0x9f: {  	s3 =	ssub.s32 $0x0, s20;
	[sflag:s22] =	ssyncset.done $0x0  }
0xa0: {  	[sflag:s22] =	ssyncadd.s32 s3;
	_ =	sdelay $0x1  }
0xa1: {  	s23 =	simm.s32 $0x1B8B  }
0xa2: {  	_ =	swait.ge [sflag:s23], $0x1  }
0xa3: {  	[sflag:s23] =	ssyncset.done $0x0  }
0xa4: {  	s25 =	simm.s32 $0x1B8E;
	s24 =	sld [smem:$0x3FFE];
	[sflag:s23] =	ssyncadd.s32 $0xFFFFFFFF  }
0xa5: {  	s26 =	simm.s32 $execute0_lowered;
	[smem:$0x3FD2] =	sst s25  }
0xa6: {  	s4 =	sshll.u32 s26, $0x1;
	_ =	strace $0x8000004C;
	[dreg:$0x1] =	wrdreg $0xFFFFFFFF  }
0xa7: {  	s28 =	simm.s32 $_size_execute0_lowered;
	s2 =	sadd.s32 s2, s4;
	[dreg:$0x0] =	wrdreg $0x0  }
0xa8: {  	s4 =	sshll.u32 s28, $0x1;
	[dreg:$0x2] =	wrdreg s2  }
0xa9: {  	[dreg:$0x3] =	wrdreg s4  }
0xaa: {  	[dreg:$0x4] =	wrdreg $0xC0  }
0xab: {  	_ =	task [dreg:s6], $0x5FFFF  }
0xac: {  	[dreg:$0x1] =	wrdreg $0xFFFFFFFF  }
0xad: {  	[dreg:$0x0] =	wrdreg $0x60  }
0xae: {  	[dreg:$0x2] =	wrdreg s24  }
0xaf: {  	[dreg:$0x3] =	wrdreg $0x9  }
0xb0: {  	_ =	task.clear_ibuf [dreg:s6], $0x4FFFF;
	_ =	strace $0x9000004C  }
0xb1: {  	s29 =	simm.s32 $0x9;
	_ =	strace $0x8000004E  }
0xb2: {  	_ =	swait.ge [sflag:s29], $0x1  }
0xb3: {  	[sflag:s29] =	ssyncadd.s32 $0xFFFFFFFF  }
0xb4: {  	_ =	strace $0x9000004E  }
0xb5: {  	_ =	sfence  }
0xb6: {  	s30 =	sld [smem:$0x0];
	_ =	sdelay $0x2  }
0xb7: {  	s31 =	sshll.u32 s1, $0xD;
	s1 =	sshrl.u32 s1, $0x2  }
0xb8: {  	s3 =	sand.u32 $0x4000, s31;
	s1 =	sadd.s32 s1, s30  }
0xb9: {  	s0 =	sor.u32 s3, s0;
	s1 =	sshll.u32 s1, $0x11  }
0xba: {  	s0 =	sor.u32 s1, s0  }
0xbb: {  	s0 =	sadd.s32 $0x8F2B, s0  }
0xbc: {  	[sflag:s0] =	ssyncadd.remote.s32 $0x1  }
0xbd: {  	_ =	sfence.sel $0xFFFF  }
0xbe: {  	[dreg:$0x0] =	wrdreg $0xFFFFFFFF;
	(pc) =	sbr.abs _section_cstart, $3  }
0xbf: {  	[dreg:$0x1] =	wrdreg $0xFFFFFFFF  }
0xc0: {  	_ =	task.clear_ibuf [dreg:s6], $0x2FFFF;
	_ =	strace $0x9FFFFFFF  }
0xc1: {  	(tm) =	ssettm $0x7FFFFFFF  }
tec
execute0_lowered:
.L_overlay_start_1:
0x0: {  	(tag) =	ssettag $0x1  }
0x1: {  	s6 =	rddreg [dreg:$0x0]  }
0x2: {  	s0 =	rddreg [dreg:$0x1]  }
0x3: {  	s2 =	simm.s32 $0x0;
	s1 =	stileid.u32;
	s4 =	srdreg.scid  }
0x4: {  	[smem:$0x7FF] =	sst s2;
	s8 =	sand.u32 $0x1, s4;
	s4 =	sadd.s32 $0x1398800, s6  }
0x5: {  	s3 =	sshll.u32 s1, $0x5;
	s9 =	sshll.u32 s1, $0xA;
	s5 =	sadd.s32 $0x13C9800, s6  }
0x6: {  	_ =	strace $0x8000004D;
	s7 =	sadd.s32 s3, s6;
	s3 =	sadd.s32 $0x1367800, s6  }
0x7: {  	s10 =	ssub.s32 $0x2, s8;
	s9 =	sadd.s32 s9, s6;
	s11 =	sshll.u32 s8, $0x4  }
0x8: {  	s8 =	sshll.u32 s8, $0x9;
	s6 =	sshll.u32 s1, $0x1;
	s31 =	sshrl.u32 s10, $0x1  }
0x9: {  	s11 =	sadd.s32 s11, s7;
	s12 =	sadd.s32 s8, s9;
	s10 =	ssub.s32 s10, s31  }
0xa: {  	s8 =	sadd.s32 $0x20600, s11;
	s9 =	sadd.s32 $0x377200, s12;
	s7 =	smax.u32 s10, $0x1  }
0xb: {  	s10 =	sadd.s32 $0x7E00, s11;
	s11 =	sadd.s32 $0x69E00, s12;
	s12 =	sadd.s32 $0x142B800, s12  }
.LBB2_1:
0xc: {  	p0 =	sgt.u32 s6, $0x1869  }
0xd: {  	s13 =	simm.s32 @!p0 $0x0;
	s14 =	simm.s32 @!p0 $0x3  }
0xe: {  	[tilespmem:s13], [sflag:$0x3] =	stream.linear.gather @!p0 [hbm4b:s10+s13], $0x80, $0x38;
	[tilespmem:$0x3100] =	vst v63  }
0xf: {  	_ =	swait.ge @!p0 [sflag:s14], $0x80  }
0x10: {  	[sflag:s14] =	ssyncset.done @!p0 $0x0;
	p0 =	por p0, p0  }
0x11: {  	[sflag:s14] =	ssyncadd.s32 @!p0 $0xFFFFFF80;
	s15 =	simm.s32 @!p0 $0x80  }
0x12: {  	[tilespmem:s15], [sflag:$0x3] =	stream.linear.gather @!p0 [hbm4b:s8+s13], $0x80, $0x38;
	[tilespmem:$0x3100] =	vst v63  }
0x13: {  	_ =	swait.ge @!p0 [sflag:s14], $0x80  }
0x14: {  	[sflag:s14] =	ssyncset.done @!p0 $0x0  }
0x15: {  	[sflag:s14] =	ssyncadd.s32 @!p0 $0xFFFFFF80;
	s14 =	simm.s32 @!p0 $0x100  }
0x16: {  	[tilespmem:s14], [sflag:$0x1] =	stream.indirect.gather @!p0 [hbm4b:s3+s15], $0x20, s13, s15, $0xb8;
	[tilespmem:$0x3100] =	vst v63  }
0x17: {  	s16 =	simm.s32 @!p0 $0x1100  }
0x18: {  	[tilespmem:s16], [sflag:$0x1] =	stream.indirect.gather @!p0 [hbm4b:s4+s15], $0x20, s13, s15, $0xb8;
	[tilespmem:$0x3100] =	vst v63  }
0x19: {  	s17 =	simm.s32 @!p0 $0x2100;
	s18 =	simm.s32 @!p0 $0x1  }
0x1a: {  	[tilespmem:s17], [sflag:$0x1] =	stream.indirect.gather @!p0 [hbm4b:s5+s15], $0x20, s15, s15, $0xb8;
	[tilespmem:$0x3100] =	vst v63  }
0x1b: {  	_ =	swait.ge @!p0 [sflag:s18], $0x1000  }
0x1c: {  	[sflag:s18] =	ssyncset.done @!p0 $0x0  }
0x1d: {  	[sflag:s18] =	ssyncadd.s32 @!p0 $0xFFFFF000  }
0x1e: {  	_ =	swait.ge @!p0 [sflag:s18], $0x1000  }
0x1f: {  	[sflag:s18] =	ssyncset.done @!p0 $0x0  }
0x20: {  	[sflag:s18] =	ssyncadd.s32 @!p0 $0xFFFFF000  }
0x21: {  	_ =	swait.ge @!p0 [sflag:s18], $0x1000  }
0x22: {  	[sflag:s18] =	ssyncset.done @!p0 $0x0  }
0x23: {  	s15 =	sadd.s32 @!p0 $0x0, s12;
	[sflag:s18] =	ssyncadd.s32 @!p0 $0xFFFFF000  }
0x24: {  	[hbm4b:s15+s13] =	stream.linear.scatter @!p0 [tilespmem:s14], [sflag:$0x2], $0x1000, $0x38;
	[tilespmem:$0x3100] =	vst v63  }
0x25: {  	s14 =	sadd.s32 @!p0 $0x0, s11  }
0x26: {  	[hbm4b:s14+s13] =	stream.linear.scatter @!p0 [tilespmem:s16], [sflag:$0x2], $0x1000, $0x38;
	[tilespmem:$0x3100] =	vst v63  }
0x27: {  	s19 =	simm.s32 @!p0 $0x2;
	s14 =	sadd.s32 @!p0 $0x0, s9  }
0x28: {  	[hbm4b:s14+s13] =	stream.linear.scatter @!p0 [tilespmem:s17], [sflag:$0x2], $0x1000, $0x38;
	[tilespmem:$0x3100] =	vst v63  }
0x29: {  	_ =	swait.ge @!p0 [sflag:s19], $0x1000  }
0x2a: {  	[sflag:s19] =	ssyncset.done @!p0 $0x0  }
0x2b: {  	[sflag:s19] =	ssyncadd.s32 @!p0 $0xFFFFF000  }
0x2c: {  	_ =	swait.ge @!p0 [sflag:s19], $0x1000  }
0x2d: {  	[sflag:s19] =	ssyncset.done @!p0 $0x0  }
0x2e: {  	s15 =	sadd.s32 $0x200, s10;
	s16 =	simm.s32 $0x8000;
	[sflag:s19] =	ssyncadd.s32 @!p0 $0xFFFFF000  }
0x2f: {  	s13 =	simm.s32 $0x4000;
	s17 =	sadd.s32 $0x20, s6;
	_ =	swait.ge @!p0 [sflag:s19], $0x1000  }
0x30: {  	s14 =	sadd.s32 $0x200, s8;
	p2 =	sgt.u32 s17, $0x1869;
	[sflag:s19] =	ssyncset.done @!p0 $0x0  }
.LBB2_2:
0x31: {  	s18 =	simm.s32 @!p2 $0x0;
	s20 =	simm.s32 @!p2 $0x3;
	[sflag:s19] =	ssyncadd.s32 @!p0 $0xFFFFF000  }
0x32: {  	[tilespmem:s18], [sflag:$0x3] =	stream.linear.gather @!p2 [hbm4b:s15+s18], $0x80, $0x38;
	[tilespmem:$0x3100] =	vst v63  }
0x33: {  	s21 =	smov.u32 s16;
	s16 =	sadd.s32 $0x4000, s16;
	_ =	swait.ge @!p2 [sflag:s20], $0x80  }
0x34: {  	p0 =	por p2, p2;
	p1 =	sne.s32 s16, $0x310000;
	[sflag:s20] =	ssyncset.done @!p2 $0x0  }
0x35: {  	s19 =	simm.s32 @!p0 $0x80;
	[sflag:s20] =	ssyncadd.s32 @!p0 $0xFFFFFF80  }
0x36: {  	[tilespmem:s19], [sflag:$0x3] =	stream.linear.gather @!p0 [hbm4b:s14+s18], $0x80, $0x38;
	[tilespmem:$0x3100] =	vst v63  }
0x37: {  	_ =	swait.ge @!p0 [sflag:s20], $0x80  }
0x38: {  	[sflag:s20] =	ssyncset.done @!p0 $0x0  }
0x39: {  	[sflag:s20] =	ssyncadd.s32 @!p0 $0xFFFFFF80;
	s20 =	simm.s32 @!p0 $0x100  }
0x3a: {  	[tilespmem:s20], [sflag:$0x1] =	stream.indirect.gather @!p0 [hbm4b:s3+s19], $0x20, s18, s19, $0xb8;
	[tilespmem:$0x3100] =	vst v63  }
0x3b: {  	s22 =	simm.s32 @!p0 $0x1100  }
0x3c: {  	[tilespmem:s22], [sflag:$0x1] =	stream.indirect.gather @!p0 [hbm4b:s4+s19], $0x20, s18, s19, $0xb8;
	[tilespmem:$0x3100] =	vst v63  }
0x3d: {  	s23 =	simm.s32 @!p0 $0x2100;
	s24 =	simm.s32 @!p0 $0x1  }
0x3e: {  	[tilespmem:s23], [sflag:$0x1] =	stream.indirect.gather @!p0 [hbm4b:s5+s19], $0x20, s19, s19, $0xb8;
	[tilespmem:$0x3100] =	vst v63  }
0x3f: {  	_ =	swait.ge @!p0 [sflag:s24], $0x1000  }
0x40: {  	[sflag:s24] =	ssyncset.done @!p0 $0x0  }
0x41: {  	[sflag:s24] =	ssyncadd.s32 @!p0 $0xFFFFF000  }
0x42: {  	_ =	swait.ge @!p0 [sflag:s24], $0x1000  }
0x43: {  	[sflag:s24] =	ssyncset.done @!p0 $0x0  }
0x44: {  	[sflag:s24] =	ssyncadd.s32 @!p0 $0xFFFFF000  }
0x45: {  	_ =	swait.ge @!p0 [sflag:s24], $0x1000  }
0x46: {  	[sflag:s24] =	ssyncset.done @!p0 $0x0  }
0x47: {  	s19 =	sadd.s32 @!p0 s13, s12;
	[sflag:s24] =	ssyncadd.s32 @!p0 $0xFFFFF000  }
0x48: {  	[hbm4b:s19+s18] =	stream.linear.scatter @!p0 [tilespmem:s20], [sflag:$0x2], $0x1000, $0x38;
	[tilespmem:$0x3100] =	vst v63  }
0x49: {  	s19 =	sadd.s32 @!p0 s13, s11  }
0x4a: {  	[hbm4b:s19+s18] =	stream.linear.scatter @!p0 [tilespmem:s22], [sflag:$0x2], $0x1000, $0x38;
	[tilespmem:$0x3100] =	vst v63  }
0x4b: {  	s20 =	sadd.s32 @!p0 s13, s9;
	s13 =	smov.u32 s21;
	s19 =	simm.s32 @!p0 $0x2  }
0x4c: {  	[hbm4b:s20+s18] =	stream.linear.scatter @!p0 [tilespmem:s23], [sflag:$0x2], $0x1000, $0x38;
	[tilespmem:$0x3100] =	vst v63  }
0x4d: {  	_ =	swait.ge @!p0 [sflag:s19], $0x1000  }
0x4e: {  	[sflag:s19] =	ssyncset.done @!p0 $0x0  }
0x4f: {  	[sflag:s19] =	ssyncadd.s32 @!p0 $0xFFFFF000  }
.Ltmp0:
0x50: {  	_ =	swait.ge @!p0 [sflag:s19], $0x1000;
	(pc) =	sbr.rel @p1 .LBB2_2-.Ltmp0, $4  }
0x51: {  	[sflag:s19] =	ssyncset.done @!p0 $0x0  }
0x52: {  	[sflag:s19] =	ssyncadd.s32 @!p0 $0xFFFFF000  }
0x53: {  	s17 =	sadd.s32 $0x20, s17;
	s15 =	sadd.s32 $0x200, s15;
	_ =	swait.ge @!p0 [sflag:s19], $0x1000  }
0x54: {  	p2 =	sgt.u32 s17, $0x1869;
	s14 =	sadd.s32 $0x200, s14;
	[sflag:s19] =	ssyncset.done @!p0 $0x0  }
0x55: {  	s16 =	simm.s32 @!p2 $0x0;
	s17 =	simm.s32 @!p2 $0x3;
	[sflag:s19] =	ssyncadd.s32 @!p0 $0xFFFFF000  }
0x56: {  	[tilespmem:s16], [sflag:$0x3] =	stream.linear.gather @!p2 [hbm4b:s15+s16], $0x80, $0x38;
	[tilespmem:$0x3100] =	vst v63  }
0x57: {  	_ =	swait.ge @!p2 [sflag:s17], $0x80  }
0x58: {  	p0 =	por p2, p2;
	[sflag:s17] =	ssyncset.done @!p2 $0x0  }
0x59: {  	s15 =	simm.s32 @!p0 $0x80;
	[sflag:s17] =	ssyncadd.s32 @!p0 $0xFFFFFF80  }
0x5a: {  	[tilespmem:s15], [sflag:$0x3] =	stream.linear.gather @!p0 [hbm4b:s14+s16], $0x80, $0x38;
	[tilespmem:$0x3100] =	vst v63  }
0x5b: {  	_ =	swait.ge @!p0 [sflag:s17], $0x80  }
0x5c: {  	[sflag:s17] =	ssyncset.done @!p0 $0x0  }
0x5d: {  	s14 =	simm.s32 @!p0 $0x100;
	[sflag:s17] =	ssyncadd.s32 @!p0 $0xFFFFFF80  }
0x5e: {  	[tilespmem:s14], [sflag:$0x1] =	stream.indirect.gather @!p0 [hbm4b:s3+s15], $0x20, s16, s15, $0xb8;
	[tilespmem:$0x3100] =	vst v63  }
0x5f: {  	s17 =	simm.s32 @!p0 $0x1100  }
0x60: {  	[tilespmem:s17], [sflag:$0x1] =	stream.indirect.gather @!p0 [hbm4b:s4+s15], $0x20, s16, s15, $0xb8;
	[tilespmem:$0x3100] =	vst v63  }
0x61: {  	s18 =	simm.s32 @!p0 $0x2100;
	s19 =	simm.s32 @!p0 $0x1  }
0x62: {  	[tilespmem:s18], [sflag:$0x1] =	stream.indirect.gather @!p0 [hbm4b:s5+s15], $0x20, s15, s15, $0xb8;
	[tilespmem:$0x3100] =	vst v63  }
0x63: {  	_ =	swait.ge @!p0 [sflag:s19], $0x1000  }
0x64: {  	[sflag:s19] =	ssyncset.done @!p0 $0x0  }
0x65: {  	[sflag:s19] =	ssyncadd.s32 @!p0 $0xFFFFF000  }
0x66: {  	_ =	swait.ge @!p0 [sflag:s19], $0x1000  }
0x67: {  	[sflag:s19] =	ssyncset.done @!p0 $0x0  }
0x68: {  	[sflag:s19] =	ssyncadd.s32 @!p0 $0xFFFFF000  }
0x69: {  	_ =	swait.ge @!p0 [sflag:s19], $0x1000  }
0x6a: {  	[sflag:s19] =	ssyncset.done @!p0 $0x0  }
0x6b: {  	s15 =	sadd.s32 @!p0 s13, s12;
	[sflag:s19] =	ssyncadd.s32 @!p0 $0xFFFFF000  }
0x6c: {  	[hbm4b:s15+s16] =	stream.linear.scatter @!p0 [tilespmem:s14], [sflag:$0x2], $0x1000, $0x38;
	[tilespmem:$0x3100] =	vst v63  }
0x6d: {  	s14 =	sadd.s32 @!p0 s13, s11  }
0x6e: {  	[hbm4b:s14+s16] =	stream.linear.scatter @!p0 [tilespmem:s17], [sflag:$0x2], $0x1000, $0x38;
	[tilespmem:$0x3100] =	vst v63  }
0x6f: {  	s13 =	sadd.s32 @!p0 s13, s9;
	s14 =	simm.s32 @!p0 $0x2  }
0x70: {  	[hbm4b:s13+s16] =	stream.linear.scatter @!p0 [tilespmem:s18], [sflag:$0x2], $0x1000, $0x38;
	[tilespmem:$0x3100] =	vst v63  }
0x71: {  	_ =	swait.ge @!p0 [sflag:s14], $0x1000  }
0x72: {  	[sflag:s14] =	ssyncset.done @!p0 $0x0  }
0x73: {  	s2 =	sadd.s32 $0x1, s2;
	[sflag:s14] =	ssyncadd.s32 @!p0 $0xFFFFF000  }
0x74: {  	p1 =	sne.s32 s2, s7;
	_ =	swait.ge @!p0 [sflag:s14], $0x1000  }
.Ltmp1:
0x75: {  	[sflag:s14] =	ssyncset.done @!p0 $0x0;
	(pc) =	sbr.rel @p1 .LBB2_1-.Ltmp1, $4  }
0x76: {  	[sflag:s14] =	ssyncadd.s32 @!p0 $0xFFFFF000  }
0x77: {  	_ =	swait.ge @!p0 [sflag:s14], $0x1000  }
0x78: {  	[sflag:s14] =	ssyncset.done @!p0 $0x0  }
0x79: {  	[sflag:s14] =	ssyncadd.s32 @!p0 $0xFFFFF000  }
0x7a: {  	_ =	sfence.sel $0x180000  }
0x7b: {  	[bflag:$0x0] =	sbarrier.arrive $0xFFFF  }
0x7c: {  	p0 =	sne.s32 s1, $0x0;
	_ =	strace $0x9000004D  }
0x7d: {  	s0 =	sadd.s32 @!p0 $0x100000, s0;
	[bflag:$0x2] =	sbarrier.arrive $0xFFFF  }
0x7e: {  	[sflag:s0] =	ssyncadd.tile.s32 @!p0 $0x1;
	_ =	shalt  }
.Lfunc_end2:
_tile_overlayer_lowered:
.L_overlay_start_2:
0x7f: {  	(tag) =	ssettag $0x2  }
0x80: {  	s0 =	rddreg [dreg:$0x0];
	s2 =	stileid.u32  }
0x81: {  	s1 =	rddreg [dreg:$0x1];
	p0 =	sne.s32 s2, $0x0  }
0x82: {  	s3 =	rddreg [dreg:$0x2];
	[bflag:$0x3] =	sbarrier.arrive $0xFFFF;
	s2 =	simm.s32 @!p0 $0x1C03  }
0x83: {  	[timem:s3], [sflag:s2] =	dma.local @!p0 [hbm:s0], s1  }
0x84: {  	s0 =	simm.s32 @!p0 $0x3  }
0x85: {  	_ =	swait.ge @!p0 [sflag:s0], s1  }
0x86: {  	s1 =	ssub.s32 @!p0 $0x0, s1;
	[sflag:s0] =	ssyncset.done @!p0 $0x0  }
0x87: {  	[sflag:s0] =	ssyncadd.s32 @!p0 s1  }
0x88: {  	[bflag:$0x3] =	sbarrier.arrive $0xFFFF  }
0x89: {  	_ =	shalt  }

// kernel: kernel.20.cloned.1.call-start
scs
__scs_entry_jumppad:
0x0: {  	(pc) =	sbr.rel $0x88, $3  }
0x1: {  	(tag) =	ssettag $0x0;
	lr =	simm.s32 $0x1  }
0x2: {  	[smem:$0x3F8B] =	sst lr;
	_ =	strace $0xD0000000  }
0x3: {  	_ = 	snop  }
0x4: {  	_ = 	snop  }
0x5: {  	_ = 	snop  }
0x6: {  	_ = 	snop  }
0x7: {  	_ = 	snop  }
__scs_overlays_trampoline_lowered:
0x8: {  	[smem:$0x3F9A] =	sst s0  }
0x9: {  	[smem:$0x3F9B] =	sst s1  }
0xa: {  	[smem:$0x3F9C] =	sst s2  }
0xb: {  	[smem:$0x3F9D] =	sst s3  }
0xc: {  	[smem:$0x3F9E] =	sst s4  }
0xd: {  	[smem:$0x3F9F] =	sst s5  }
0xe: {  	[smem:$0x3FA0] =	sst s6  }
0xf: {  	[smem:$0x3FA1] =	sst s7  }
0x10: {  	[smem:$0x3FA2] =	sst s8  }
0x11: {  	[smem:$0x3FA3] =	sst s9;
	s0 =	simm.s32 @!p0 $0x0  }
0x12: {  	s1 =	sld [smem:$0x3F89];
	s0 =	simm.s32 @p0 $0x1  }
0x13: {  	[smem:$0x3FA4] =	sst s0;
	s0 =	simm.s32 @!p1 $0x0  }
0x14: {  	s2 =	sld [smem:$0x3F88];
	s0 =	simm.s32 @p1 $0x1  }
0x15: {  	[smem:$0x3FA5] =	sst s0;
	s0 =	simm.s32 @!p2 $0x0  }
0x16: {  	s3 =	sld [smem:$0x3FDB];
	s0 =	simm.s32 @p2 $0x1  }
0x17: {  	s4 =	simm.s32 $0x1BF5;
	[smem:$0x3FA7] =	sst s0  }
0x18: {  	s0 =	sld [smem:$0x3F8A];
	_ =	swait.ge [sflag:s4], $0x0  }
0x19: {  	s7 =	sld [smem:$0x3F8B]  }
0x1a: {  	s8 =	sadd.s32 $0xFFFFE003, lr  }
0x1b: {  	s9 =	sadd.s32 $0xFFFFFEF7, lr;
	s5 =	simm.s32 $0xFFFFFFFF;
	p2 =	slt.u32 s8, $0xFFFFF086  }
0x1c: {  	p1 =	slt.u32 s9, $0xF7A;
	s5 =	simm.s32 @!p2 $0x0  }
0x1d: {  	s5 =	simm.s32 @p1 $0x1;
	p0 =	seq.s32 s7, s2  }
0x1e: {  	s7 =	smul.u32 @!p0 $0xF7A, s2;
	p2 =	seq.s32 @!p0 s5, $0x0  }
0x1f: {  	s9 =	smul.u32 $0xF7A, s1;
	s8 =	simm.s32 @!p0 $0x1BF5;
	p2 =	por !p2, p0  }
0x20: {  	[sflag:s8] =	ssyncset.s32 @!p0 $0xFFFFF086;
	s6 =	sadd.s32 @!p0 s3, s7;
	s7 =	simm.s32 @!p0 $0x108  }
0x21: {  	s3 =	sadd.s32 s3, s9;
	s6 =	sadd.s32 @!p0 $0x88, s6;
	s7 =	simm.s32 @p2 $0x1082  }
0x22: {  	[simem:s7], [sflag:s8] =	dma.local @!p0 [hbm:s6], $0xF7A  }
0x23: {  	s9 =	sor.u32 $0xD0000000, s2;
	s6 =	simm.s32 $0x108;
	_ =	swait.ge @!p0 [sflag:s8], $0x0  }
0x24: {  	s3 =	sadd.s32 $0x88, s3;
	s6 =	simm.s32 @!p1 $0x1082;
	[sflag:s4] =	ssyncset.s32 $0xFFFFF086  }
0x25: {  	[simem:s6], [sflag:s4] =	dma.local [hbm:s3], $0xF7A  }
0x26: {  	[smem:$0x3F8B] =	sst s1;
	(tag) =	ssettag s2;
	_ =	strace s9  }
0x27: {  	s1 =	sld [smem:$0x3F9B]  }
0x28: {  	s2 =	sld [smem:$0x3F9C]  }
0x29: {  	s4 =	sld [smem:$0x3F9E]  }
0x2a: {  	p0 =	seq.s32 s5, $0x0;
	s5 =	sld [smem:$0x3F9F]  }
0x2b: {  	s6 =	sld [smem:$0x3FA0]  }
0x2c: {  	s7 =	sld [smem:$0x3FA1]  }
0x2d: {  	s3 =	simm.s32 $0x108;
	s8 =	sld [smem:$0x3FA2]  }
0x2e: {  	s3 =	simm.s32 @!p0 $0x1082;
	s9 =	sld [smem:$0x3FA3]  }
0x2f: {  	lr =	sadd.s32 s0, s3;
	s0 =	sld [smem:$0x3F9A]  }
0x30: {  	s3 =	sld [smem:$0x3F9D]  }
0x31: {  	[smem:$0x3FA6] =	sst s10  }
0x32: {  	s10 =	sld [smem:$0x3FA4];
	_ =	sdelay $0x3  }
0x33: {  	p0 =	seq.s32 s10, $0x1;
	s10 =	sld [smem:$0x3FA6];
	_ =	sdelay $0x3  }
0x34: {  	[smem:$0x3FA6] =	sst s10  }
0x35: {  	s10 =	sld [smem:$0x3FA5];
	_ =	sdelay $0x3  }
0x36: {  	p1 =	seq.s32 s10, $0x1;
	s10 =	sld [smem:$0x3FA6];
	_ =	sdelay $0x3  }
0x37: {  	[smem:$0x3FA6] =	sst s10  }
0x38: {  	s10 =	sld [smem:$0x3FA7]  }
0x39: {  	_ = 	snop;
	(pc) =	sbr.ind lr, $3  }
0x3a: {  	_ = 	snop  }
0x3b: {  	_ = 	snop  }
0x3c: {  	p2 =	seq.s32 s10, $0x1;
	s10 =	sld [smem:$0x3FA6]  }
0x3d: {  	_ =	shalt  }
0x3e: {  	_ =	shalt  }
0x3f: {  	_ =	shalt  }
0x40: {  	_ =	shalt  }
0x41: {  	_ =	shalt  }
0x42: {  	_ =	shalt  }
0x43: {  	_ =	shalt  }
0x44: {  	_ =	shalt  }
0x45: {  	_ =	shalt  }
0x46: {  	_ =	shalt  }
0x47: {  	_ =	shalt  }
0x48: {  	_ =	shalt  }
0x49: {  	_ =	shalt  }
0x4a: {  	_ =	shalt  }
0x4b: {  	_ =	shalt  }
0x4c: {  	_ =	shalt  }
0x4d: {  	_ =	shalt  }
0x4e: {  	_ =	shalt  }
0x4f: {  	_ =	shalt  }
0x50: {  	_ =	shalt  }
0x51: {  	_ =	shalt  }
0x52: {  	_ =	shalt  }
0x53: {  	_ =	shalt  }
0x54: {  	_ =	shalt  }
0x55: {  	_ =	shalt  }
0x56: {  	_ =	shalt  }
0x57: {  	_ =	shalt  }
0x58: {  	_ =	shalt  }
0x59: {  	_ =	shalt  }
0x5a: {  	_ =	shalt  }
0x5b: {  	_ =	shalt  }
0x5c: {  	_ =	shalt  }
0x5d: {  	_ =	shalt  }
0x5e: {  	_ =	shalt  }
0x5f: {  	_ =	shalt  }
0x60: {  	_ =	shalt  }
0x61: {  	_ =	shalt  }
0x62: {  	_ =	shalt  }
0x63: {  	_ =	shalt  }
0x64: {  	_ =	shalt  }
0x65: {  	_ =	shalt  }
0x66: {  	_ =	shalt  }
0x67: {  	_ =	shalt  }
0x68: {  	_ =	shalt  }
0x69: {  	_ =	shalt  }
0x6a: {  	_ =	shalt  }
0x6b: {  	_ =	shalt  }
0x6c: {  	_ =	shalt  }
0x6d: {  	_ =	shalt  }
0x6e: {  	_ =	shalt  }
0x6f: {  	_ =	shalt  }
0x70: {  	_ =	shalt  }
0x71: {  	_ =	shalt  }
0x72: {  	_ =	shalt  }
0x73: {  	_ =	shalt  }
0x74: {  	_ =	shalt  }
0x75: {  	_ =	shalt  }
0x76: {  	_ =	shalt  }
0x77: {  	_ =	shalt  }
0x78: {  	_ =	shalt  }
0x79: {  	_ =	shalt  }
0x7a: {  	_ =	shalt  }
0x7b: {  	_ =	shalt  }
0x7c: {  	_ =	shalt  }
0x7d: {  	_ =	shalt  }
0x7e: {  	_ =	shalt  }
0x7f: {  	_ =	shalt  }
0x80: {  	_ =	shalt  }
0x81: {  	_ =	shalt  }
0x82: {  	_ =	shalt  }
0x83: {  	_ =	shalt  }
0x84: {  	_ =	shalt  }
0x85: {  	_ =	shalt  }
0x86: {  	_ =	shalt  }
0x87: {  	_ =	shalt  }
.Lfunc_end0:
.L_simem_size_0:
called_computation.3_lowered:
.L_overlay_start_0:
0x88: {  	s2 =	sld [smem:$0x3FD9]  }
0x89: {  	s3 =	sld [smem:$0x3FFE];
	_ =	sdelay $0x1  }
0x8a: {  	s1 =	srdreg.scid  }
0x8b: {  	s0 =	sand.u32 $0x1, s1  }
0x8c: {  	s17 =	sshll.u32 s0, $0xA;
	s2 =	sadd.s32 s3, s2  }
0x8d: {  	s2 =	sadd.s32 s2, s17  }
0x8e: {  	[smem:$0x3FB2] =	sst s2  }
0x8f: {  	_ = 	snop  }
0x90: {  	s2 =	sld [smem:$0x3FD0];
	(tm) =	ssettm $0x1  }
0x91: {  	s18 =	sld [smem:$0x3FFB];
	_ =	sdelay $0x3  }
0x92: {  	_ =	strace s18  }
0x93: {  	s3 =	sld [smem:$0x3FFC];
	_ =	sdelay $0x3  }
0x94: {  	_ =	strace s3  }
0x95: {  	s3 =	sld [smem:$0x3FFD];
	_ =	sdelay $0x3  }
0x96: {  	_ =	strace s3  }
0x97: {  	_ =	strace $0x8FFFFFFF  }
0x98: {  	s19 =	sld [smem:$0x3FDB];
	_ =	sdelay $0x1  }
0x99: {  	s4 =	simm.s32 $_scs_section_size  }
0x9a: {  	s5 =	simm.s32 $_size__tile_overlayer_lowered;
	s6 =	simm.s32 $_tile_overlayer_lowered  }
0x9b: {  	s22 =	simm.s32 $0x1BFF;
	s21 =	sshll.u32 s6, $0x1;
	s3 =	sadd.s32 s4, s19  }
0x9c: {  	s7 =	simm.s32 $0x0;
	s20 =	sshll.u32 s5, $0x1;
	s5 =	sadd.s32 s21, s3  }
0x9d: {  	[timem:s7], [sflag:s22] =	dma.local [hbm:s5], s20  }
0x9e: {  	_ =	swait.ge [sflag:s22], s20  }
0x9f: {  	s4 =	ssub.s32 $0x0, s20;
	[sflag:s22] =	ssyncset.done $0x0  }
0xa0: {  	[sflag:s22] =	ssyncadd.s32 s4;
	_ =	sdelay $0x1  }
0xa1: {  	s23 =	simm.s32 $0x1B8B  }
0xa2: {  	_ =	swait.ge [sflag:s23], $0x1  }
0xa3: {  	[sflag:s23] =	ssyncset.done $0x0  }
0xa4: {  	s25 =	simm.s32 $0x1B8E;
	s24 =	sld [smem:$0x3FFE];
	[sflag:s23] =	ssyncadd.s32 $0xFFFFFFFF  }
0xa5: {  	s26 =	simm.s32 $execute0_lowered;
	[smem:$0x3FD2] =	sst s25  }
0xa6: {  	s5 =	sshll.u32 s26, $0x1;
	_ =	strace $0x8000004F;
	[dreg:$0x1] =	wrdreg $0xFFFFFFFF  }
0xa7: {  	s28 =	simm.s32 $_size_execute0_lowered;
	s3 =	sadd.s32 s3, s5;
	[dreg:$0x0] =	wrdreg $0x0  }
0xa8: {  	s5 =	sshll.u32 s28, $0x1;
	[dreg:$0x2] =	wrdreg s3  }
0xa9: {  	[dreg:$0x3] =	wrdreg s5  }
0xaa: {  	[dreg:$0x4] =	wrdreg $0xC0  }
0xab: {  	_ =	task [dreg:s7], $0x5FFFF  }
0xac: {  	[dreg:$0x1] =	wrdreg $0xFFFFFFFF  }
0xad: {  	[dreg:$0x0] =	wrdreg $0x60  }
0xae: {  	[dreg:$0x2] =	wrdreg s24  }
0xaf: {  	[dreg:$0x3] =	wrdreg s2  }
0xb0: {  	[dreg:$0x4] =	wrdreg $0x14800  }
0xb1: {  	[dreg:$0x5] =	wrdreg $0x19C800  }
0xb2: {  	[dreg:$0x6] =	wrdreg $0x9  }
0xb3: {  	_ =	task.clear_ibuf [dreg:s7], $0x7FFFF;
	_ =	strace $0x9000004F  }
0xb4: {  	s29 =	simm.s32 $0x9;
	_ =	strace $0x80000051  }
0xb5: {  	_ =	swait.ge [sflag:s29], $0x1  }
0xb6: {  	[sflag:s29] =	ssyncadd.s32 $0xFFFFFFFF  }
0xb7: {  	_ =	strace $0x90000051  }
0xb8: {  	_ =	sfence  }
0xb9: {  	s30 =	sld [smem:$0x0];
	_ =	sdelay $0x2  }
0xba: {  	s31 =	sshll.u32 s1, $0xD;
	s1 =	sshrl.u32 s1, $0x2  }
0xbb: {  	s3 =	sand.u32 $0x4000, s31;
	s1 =	sadd.s32 s1, s30  }
0xbc: {  	s0 =	sor.u32 s3, s0;
	s1 =	sshll.u32 s1, $0x11  }
0xbd: {  	s0 =	sor.u32 s1, s0  }
0xbe: {  	s0 =	sadd.s32 $0x8F2B, s0  }
0xbf: {  	[sflag:s0] =	ssyncadd.remote.s32 $0x1  }
0xc0: {  	_ =	sfence.sel $0xFFFF  }
0xc1: {  	[dreg:$0x0] =	wrdreg $0xFFFFFFFF;
	(pc) =	sbr.abs _section_cstart, $3  }
0xc2: {  	[dreg:$0x1] =	wrdreg $0xFFFFFFFF  }
0xc3: {  	_ =	task.clear_ibuf [dreg:s7], $0x2FFFF;
	_ =	strace $0x9FFFFFFF  }
0xc4: {  	(tm) =	ssettm $0x7FFFFFFF  }
0xc5: {  	_ =	shalt  }
tec
execute0_lowered:
.L_overlay_start_1:
0x0: {  	(tag) =	ssettag $0x1  }
0x1: {  	s5 =	rddreg [dreg:$0x0]  }
0x2: {  	s10 =	rddreg [dreg:$0x1]  }
0x3: {  	s1 =	rddreg [dreg:$0x2]  }
0x4: {  	s3 =	rddreg [dreg:$0x3]  }
0x5: {  	s0 =	rddreg [dreg:$0x4]  }
0x6: {  	s4 =	simm.s32 $0x0;
	s2 =	stileid.u32;
	s7 =	srdreg.scid  }
0x7: {  	[smem:$0x7FF] =	sst s4;
	s18 =	smul.u32 $0x18800, s2  }
0x8: {  	s6 =	sshll.u32 s2, $0xA;
	s8 =	sshll.u32 s2, $0x8;
	s9 =	smul.u32 $0x6200, s2  }
0x9: {  	s11 =	sand.u32 $0x1, s7;
	s19 =	sshll.u32 s2, $0x5;
	_ =	strace $0x80000050  }
0xa: {  	s12 =	sadd.s32 s6, s5;
	s14 =	smul.u32 $0x188000, s11;
	s15 =	sadd.s32 s8, s5  }
0xb: {  	s16 =	sadd.s32 s19, s5;
	s23 =	ssub.s32 $0x2, s11;
	s24 =	smul.u32 $0x62000, s11  }
0xc: {  	s19 =	sshll.u32 s2, $0x6;
	s26 =	sshll.u32 s11, $0x7;
	s28 =	sshll.u32 s11, $0x9  }
0xd: {  	s29 =	sshll.u32 s11, $0x4;
	s13 =	sshrl.u32 s18, $0x3;
	s21 =	sshrl.u32 s9, $0x3  }
0xe: {  	s17 =	sshrl.u32 s23, $0x1;
	s7 =	sor.u32 $0x1C02, s19;
	s25 =	sadd.s32 s9, s3  }
0xf: {  	s30 =	sadd.s32 s28, s12;
	s31 =	sadd.s32 s29, s16;
	s16 =	simm.s32 $0x2  }
0x10: {  	s20 =	sadd.s32 s13, s5;
	s22 =	sadd.s32 s18, s14;
	s8 =	sadd.s32 s21, s5  }
0x11: {  	s14 =	ssub.s32 s23, s17;
	s18 =	sadd.s32 s18, s1;
	s17 =	sadd.s32 s9, s24  }
0x12: {  	s13 =	sshrl.u32 s22, $0x3;
	s6 =	sadd.s32 $0x38E00, s20;
	s8 =	sadd.s32 $0x104E000, s8  }
0x13: {  	s17 =	sshrl.u32 s17, $0x3;
	s12 =	smax.u32 s14, $0x1;
	s14 =	sadd.s32 $0x20600, s31  }
0x14: {  	s13 =	sadd.s32 s13, s5;
	s5 =	sshll.u32 s2, $0x1;
	s10 =	sadd.s32 s10, s17  }
0x15: {  	s17 =	sshrl.u32 s25, $0x3;
	s9 =	sadd.s32 $0x111DA00, s13;
	s13 =	sadd.s32 s26, s15  }
0x16: {  	s15 =	sshrl.u32 s18, $0x3;
	s11 =	sadd.s32 $0x105A400, s13;
	s13 =	sadd.s32 $0x991A00, s30  }
.LBB2_1:
0x17: {  	[spmem:s15], [sflag:s7] =	dma.local [hbm:s6], $0x3100  }
0x18: {  	_ =	swait.ge [sflag:s16], $0x3100  }
0x19: {  	[sflag:s16] =	ssyncset.done $0x0  }
0x1a: {  	[sflag:s16] =	ssyncadd.s32 $0xFFFFCF00  }
0x1b: {  	[spmem:s17], [sflag:s7] =	dma.local [hbm:s8], $0xC40  }
0x1c: {  	_ =	swait.ge [sflag:s16], $0xC40  }
0x1d: {  	s18 =	sadd.s32 $0x0, s5;
	[sflag:s16] =	ssyncset.done $0x0  }
0x1e: {  	p0 =	sgt.u32 s18, $0x1869;
	[sflag:s16] =	ssyncadd.s32 $0xFFFFF3C0  }
0x1f: {  	s18 =	simm.s32 @!p0 $0x0;
	s19 =	simm.s32 @!p0 $0x3;
	[bflag:$0x0] =	sbarrier.arrive $0xFFFF  }
0x20: {  	[tilespmem:s18], [sflag:$0x3] =	stream.linear.gather @!p0 [hbm4b:s14+s18], $0x80, $0x38;
	[tilespmem:$0x1CD80] =	vst v63  }
0x21: {  	_ =	swait.ge @!p0 [sflag:s19], $0x80  }
0x22: {  	[sflag:s19] =	ssyncset.done @!p0 $0x0;
	p0 =	por p0, p0  }
0x23: {  	[sflag:s19] =	ssyncadd.s32 @!p0 $0xFFFFFF80;
	s23 =	simm.s32 @!p0 $0x80  }
0x24: {  	[tilespmem:s23], [sflag:$0x1] =	stream.linear.gather @!p0 [hbm4b:s13+s18], $0x1000, $0x38;
	[tilespmem:$0x1CD80] =	vst v63  }
0x25: {  	s24 =	simm.s32 @!p0 $0x1080;
	s20 =	simm.s32 @!p0 $0x1  }
0x26: {  	[tilespmem:s24], [sflag:$0x1] =	stream.linear.gather @!p0 [hbm4b:s11+s18], $0x400, $0x38;
	[tilespmem:$0x1CD80] =	vst v63  }
0x27: {  	_ =	swait.ge @!p0 [sflag:s20], $0x1000  }
0x28: {  	[sflag:s20] =	ssyncset.done @!p0 $0x0  }
0x29: {  	[sflag:s20] =	ssyncadd.s32 @!p0 $0xFFFFF000  }
0x2a: {  	_ =	swait.ge @!p0 [sflag:s20], $0x400  }
0x2b: {  	[sflag:s20] =	ssyncset.done @!p0 $0x0  }
0x2c: {  	[sflag:s20] =	ssyncadd.s32 @!p0 $0xFFFFFC00  }
0x2d: {  	[spmem:s1] =	stream.indirect.scatter.add.f32 @!p0 [tilespmem:s23], [sflag:$0x3], $0x20, s18, s23, $0xb8;
	[tilespmem:$0x1CD80] =	vst v63  }
0x2e: {  	_ =	swait.ge @!p0 [sflag:s19], $0x1000  }
0x2f: {  	s21 =	simm.s32 $0x40;
	[sflag:s19] =	ssyncset.done @!p0 $0x0  }
0x30: {  	s31 =	sadd.s32 $0x20, s5;
	s22 =	simm.s32 @!p0 $0x2;
	[sflag:s19] =	ssyncadd.s32 @!p0 $0xFFFFF000  }
0x31: {  	[spmem:s3] =	stream.indirect.scatter.add.f32 @!p0 [tilespmem:s24], [sflag:$0x2], $0x4, s18, s23, $0xb8;
	[tilespmem:$0x1CD80] =	vst v63  }
0x32: {  	p2 =	sgt.u32 s31, $0x1869;
	s20 =	sadd.s32 $0x200, s14;
	_ =	swait.ge @!p0 [sflag:s22], $0x200  }
0x33: {  	s19 =	sadd.s32 $0x1000, s11;
	s18 =	sadd.s32 $0x4000, s13;
	[sflag:s22] =	ssyncset.done @!p0 $0x0  }
.LBB2_2:
0x34: {  	s23 =	simm.s32 @!p2 $0x0;
	s24 =	simm.s32 @!p2 $0x3;
	[sflag:s22] =	ssyncadd.s32 @!p0 $0xFFFFFE00  }
0x35: {  	[tilespmem:s23], [sflag:$0x3] =	stream.linear.gather @!p2 [hbm4b:s20+s23], $0x80, $0x38;
	[tilespmem:$0x1CD80] =	vst v63  }
0x36: {  	s25 =	smov.u32 s21;
	s21 =	sadd.s32 $0x20, s21;
	_ =	swait.ge @!p2 [sflag:s24], $0x80  }
0x37: {  	p0 =	por p2, p2;
	p1 =	sne.s32 s21, $0x1880;
	[sflag:s24] =	ssyncset.done @!p2 $0x0  }
0x38: {  	s26 =	simm.s32 @!p0 $0x80;
	[sflag:s24] =	ssyncadd.s32 @!p0 $0xFFFFFF80  }
0x39: {  	[tilespmem:s26], [sflag:$0x1] =	stream.linear.gather @!p0 [hbm4b:s18+s23], $0x1000, $0x38;
	[tilespmem:$0x1CD80] =	vst v63  }
0x3a: {  	s28 =	simm.s32 @!p0 $0x1080;
	s22 =	simm.s32 @!p0 $0x1  }
0x3b: {  	[tilespmem:s28], [sflag:$0x1] =	stream.linear.gather @!p0 [hbm4b:s19+s23], $0x400, $0x38;
	[tilespmem:$0x1CD80] =	vst v63  }
0x3c: {  	_ =	swait.ge @!p0 [sflag:s22], $0x1000  }
0x3d: {  	[sflag:s22] =	ssyncset.done @!p0 $0x0  }
0x3e: {  	[sflag:s22] =	ssyncadd.s32 @!p0 $0xFFFFF000  }
0x3f: {  	_ =	swait.ge @!p0 [sflag:s22], $0x400  }
0x40: {  	[sflag:s22] =	ssyncset.done @!p0 $0x0  }
0x41: {  	[sflag:s22] =	ssyncadd.s32 @!p0 $0xFFFFFC00  }
0x42: {  	[spmem:s1] =	stream.indirect.scatter.add.f32 @!p0 [tilespmem:s26], [sflag:$0x3], $0x20, s23, s26, $0xb8;
	[tilespmem:$0x1CD80] =	vst v63  }
0x43: {  	_ =	swait.ge @!p0 [sflag:s24], $0x1000  }
.Ltmp0:
0x44: {  	[sflag:s24] =	ssyncset.done @!p0 $0x0;
	(pc) =	sbr.rel @p1 .LBB2_2-.Ltmp0, $4  }
0x45: {  	s20 =	sadd.s32 $0x200, s20;
	s22 =	simm.s32 @!p0 $0x2;
	[sflag:s24] =	ssyncadd.s32 @!p0 $0xFFFFF000  }
0x46: {  	[spmem:s3] =	stream.indirect.scatter.add.f32 @!p0 [tilespmem:s28], [sflag:$0x2], $0x4, s23, s26, $0xb8;
	[tilespmem:$0x1CD80] =	vst v63  }
0x47: {  	s18 =	sadd.s32 $0x4000, s18;
	s23 =	sadd.s32 s25, s5;
	_ =	swait.ge @!p0 [sflag:s22], $0x200  }
0x48: {  	s19 =	sadd.s32 $0x1000, s19;
	p2 =	sgt.u32 s23, $0x1869;
	[sflag:s22] =	ssyncset.done @!p0 $0x0  }
0x49: {  	s21 =	simm.s32 @!p2 $0x0;
	s23 =	simm.s32 @!p2 $0x3;
	[sflag:s22] =	ssyncadd.s32 @!p0 $0xFFFFFE00  }
0x4a: {  	[tilespmem:s21], [sflag:$0x3] =	stream.linear.gather @!p2 [hbm4b:s20+s21], $0x80, $0x38;
	[tilespmem:$0x1CD80] =	vst v63  }
0x4b: {  	_ =	swait.ge @!p2 [sflag:s23], $0x80  }
0x4c: {  	p0 =	por p2, p2;
	[sflag:s23] =	ssyncset.done @!p2 $0x0  }
0x4d: {  	s20 =	simm.s32 @!p0 $0x80;
	[sflag:s23] =	ssyncadd.s32 @!p0 $0xFFFFFF80  }
0x4e: {  	[tilespmem:s20], [sflag:$0x1] =	stream.linear.gather @!p0 [hbm4b:s18+s21], $0x1000, $0x38;
	[tilespmem:$0x1CD80] =	vst v63  }
0x4f: {  	s22 =	simm.s32 @!p0 $0x1;
	s18 =	simm.s32 @!p0 $0x1080  }
0x50: {  	[tilespmem:s18], [sflag:$0x1] =	stream.linear.gather @!p0 [hbm4b:s19+s21], $0x400, $0x38;
	[tilespmem:$0x1CD80] =	vst v63  }
0x51: {  	_ =	swait.ge @!p0 [sflag:s22], $0x1000  }
0x52: {  	[sflag:s22] =	ssyncset.done @!p0 $0x0  }
0x53: {  	[sflag:s22] =	ssyncadd.s32 @!p0 $0xFFFFF000  }
0x54: {  	_ =	swait.ge @!p0 [sflag:s22], $0x400  }
0x55: {  	[sflag:s22] =	ssyncset.done @!p0 $0x0  }
0x56: {  	[sflag:s22] =	ssyncadd.s32 @!p0 $0xFFFFFC00  }
0x57: {  	[spmem:s1] =	stream.indirect.scatter.add.f32 @!p0 [tilespmem:s20], [sflag:$0x3], $0x20, s21, s20, $0xb8;
	[tilespmem:$0x1CD80] =	vst v63  }
0x58: {  	_ =	swait.ge @!p0 [sflag:s23], $0x1000  }
0x59: {  	[sflag:s23] =	ssyncset.done @!p0 $0x0  }
0x5a: {  	s19 =	simm.s32 @!p0 $0x2;
	[sflag:s23] =	ssyncadd.s32 @!p0 $0xFFFFF000  }
0x5b: {  	[spmem:s3] =	stream.indirect.scatter.add.f32 @!p0 [tilespmem:s18], [sflag:$0x2], $0x4, s21, s20, $0xb8;
	[tilespmem:$0x1CD80] =	vst v63  }
0x5c: {  	_ =	swait.ge @!p0 [sflag:s19], $0x200  }
0x5d: {  	[sflag:s19] =	ssyncset.done @!p0 $0x0  }
0x5e: {  	[sflag:s19] =	ssyncadd.s32 @!p0 $0xFFFFFE00  }
0x5f: {  	[bflag:$0x0] =	sbarrier.arrive $0xFFFF  }
0x60: {  	[hbm:s9], [sflag:s7] =	dma.local [spmem:s15], $0x3100  }
0x61: {  	s4 =	sadd.s32 $0x1, s4;
	_ =	swait.ge [sflag:s16], $0x3100  }
0x62: {  	p0 =	sne.s32 s4, s12;
	[sflag:s16] =	ssyncset.done $0x0  }
.Ltmp1:
0x63: {  	[sflag:s16] =	ssyncadd.s32 $0xFFFFCF00;
	(pc) =	sbr.rel @p0 .LBB2_1-.Ltmp1, $4  }
0x64: {  	[hbm:s10], [sflag:s7] =	dma.local [spmem:s17], $0xC40  }
0x65: {  	_ =	swait.ge [sflag:s16], $0xC40  }
0x66: {  	[sflag:s16] =	ssyncset.done $0x0  }
0x67: {  	[sflag:s16] =	ssyncadd.s32 $0xFFFFF3C0  }
0x68: {  	_ =	sfence.sel $0x180000  }
0x69: {  	[bflag:$0x0] =	sbarrier.arrive $0xFFFF  }
0x6a: {  	p0 =	sne.s32 s2, $0x0;
	_ =	strace $0x90000050  }
0x6b: {  	s0 =	sadd.s32 @!p0 $0x100000, s0;
	[bflag:$0x2] =	sbarrier.arrive $0xFFFF  }
0x6c: {  	[sflag:s0] =	ssyncadd.tile.s32 @!p0 $0x1;
	_ =	shalt  }
.Lfunc_end2:
_tile_overlayer_lowered:
.L_overlay_start_2:
0x6d: {  	(tag) =	ssettag $0x2  }
0x6e: {  	s0 =	rddreg [dreg:$0x0];
	s2 =	stileid.u32  }
0x6f: {  	s1 =	rddreg [dreg:$0x1];
	p0 =	sne.s32 s2, $0x0  }
0x70: {  	s3 =	rddreg [dreg:$0x2];
	[bflag:$0x3] =	sbarrier.arrive $0xFFFF;
	s2 =	simm.s32 @!p0 $0x1C02  }
0x71: {  	[timem:s3], [sflag:s2] =	dma.local @!p0 [hbm:s0], s1  }
0x72: {  	s0 =	simm.s32 @!p0 $0x2  }
0x73: {  	_ =	swait.ge @!p0 [sflag:s0], s1  }
0x74: {  	s1 =	ssub.s32 @!p0 $0x0, s1;
	[sflag:s0] =	ssyncset.done @!p0 $0x0  }
0x75: {  	[sflag:s0] =	ssyncadd.s32 @!p0 s1  }
0x76: {  	[bflag:$0x3] =	sbarrier.arrive $0xFFFF  }
0x77: {  	_ =	shalt  }

</sc_bundles>
